<compile_context>
chip_gen: v7x
topology: tpu7x:2x2x1
jax: 0.10.2.dev20260603
libtpu: 0.0.44.dev20260713+nightly
codegen_flags: <defaults>
</compile_context>

<pallas_src>
import functools

import jax
import jax.numpy as jnp
from jax import lax
from jax.experimental import pallas as pl
from jax.experimental.pallas import tpu as pltpu
from jax.experimental.pallas import tpu_sc as plsc

L = 16
NC = 2
NS = 16
NW = NC * NS

E = 128
B = 4096
HALF = 64
D = 2 * HALF
E_PER_W = E // NW
BC = 256
CPE = B // BC
NCHUNK = E_PER_W * CPE
KHI = HALF // L


def _sc_body(ev_hbm, emb_hbm, w_hbm, b_hbm, out_hbm,
             ev_v, emb_v, w_v, b_v, buf, sem0, sem1):
    wid = lax.axis_index("s") * NC + lax.axis_index("c")
    e0 = wid * E_PER_W
    pltpu.sync_copy(w_hbm, w_v.at[pl.ds(0, HALF - 1)])
    pltpu.sync_copy(b_hbm, b_v.at[pl.ds(0, HALF - 1)])
    pltpu.sync_copy(emb_hbm.at[pl.ds(e0, E_PER_W)], emb_v)
    pltpu.sync_copy(ev_hbm.at[pl.ds(e0, E_PER_W)], ev_v)
    sems = (sem0, sem1)

    lane = lax.iota(jnp.int32, L)
    is_last = lane == (L - 1)
    m_hi = [w_v[pl.ds(k * L, L)] for k in range(KHI)]
    m_hi[KHI - 1] = jnp.where(is_last, 1.0, m_hi[KHI - 1])
    c_hi = [b_v[pl.ds(k * L, L)] for k in range(KHI)]
    c_hi[KHI - 1] = jnp.where(is_last, 0.0, c_hi[KHI - 1])

    def pair_body(p, carry):
        for d in range(2):
            chunk = 2 * p + d
            ei = 2 * (chunk // (2 * CPE)) + d
            bi = (chunk // 2) % CPE
            b0 = bi * BC

            @pl.when(p > 0)
            def _wait():
                pltpu.make_async_copy(
                    buf.at[d], out_hbm.at[e0 + ei, pl.ds(b0, BC)], sems[d]
                ).wait()

            @pl.when(bi == 0)
            def _rebuild_const_half():
                c_lo = [emb_v[ei, pl.ds(k * L, L)] for k in range(KHI)]

                def prebuild(i, pcarry, _d=d):
                    for k in range(KHI):
                        buf[_d, i, pl.ds(k * L, L)] = c_lo[k]
                    return pcarry

                lax.fori_loop(0, BC, prebuild, 0, unroll=4)

            def fill(ii, fcarry, _d=d):
                ev16 = ev_v[ei, pl.ds(b0 + ii * L, L)]
                for l in range(L):
                    ev = jnp.broadcast_to(ev16[l], (L,))
                    row = ii * L + l
                    for k in range(KHI):
                        buf[_d, row, pl.ds(HALF + k * L, L)] = (
                            ev * m_hi[k] + c_hi[k]
                        )
                return fcarry

            lax.fori_loop(0, BC // L, fill, 0)
            pltpu.async_copy(
                buf.at[d], out_hbm.at[e0 + ei, pl.ds(b0, BC)], sems[d]
            )
        return carry

    lax.fori_loop(0, NCHUNK // 2, pair_body, 0)
    for d in range(2):
        pltpu.make_async_copy(
            buf.at[d], out_hbm.at[e0, pl.ds(0, BC)], sems[d]
        ).wait()


def kernel(evals, emb_table, W, b):
    run = functools.partial(
        pl.kernel,
        out_type=jax.ShapeDtypeStruct((E, B, D), jnp.float32),
        mesh=plsc.VectorSubcoreMesh(core_axis_name="c", subcore_axis_name="s"),
        scratch_types=[
            pltpu.VMEM((E_PER_W, B), jnp.float32),
            pltpu.VMEM((E_PER_W, HALF), jnp.float32),
            pltpu.VMEM((HALF,), jnp.float32),
            pltpu.VMEM((HALF,), jnp.float32),
            pltpu.VMEM((2, BC, D), jnp.float32),
            pltpu.SemaphoreType.DMA,
            pltpu.SemaphoreType.DMA,
        ],
    )(_sc_body)
    return run(evals, emb_table, W[:, 0], b)

# --- scband reference (transcript-rebuilt; emitter-appended) ---
"""Pipeline reference for scband-evals-encoding-v2-46093589021270 (READ-ONLY COPY).

The authoritative reference and input builder live on the scoring server;
editing this copy changes nothing except your own understanding.
"""

import jax, jax.numpy as jnp
import numpy as np

NUM_EVALS = 128
EMBED_DIM = 128
HALF = EMBED_DIM // 2
BATCH = 4096


def setup_inputs(seed: int = 0) -> dict:
    key = jax.random.key(seed)
    k1, k2, k3, k4 = jax.random.split(key, 4)
    evals = jax.random.normal(k1, (NUM_EVALS, BATCH), dtype=jnp.float32)
    # nn.Embedding(num_evals, half_embed_dim) weight ~ N(0,1)
    emb_table = jax.random.normal(k2, (NUM_EVALS, HALF), dtype=jnp.float32)
    # nn.Linear(1, half-1): weight [half-1, 1], bias [half-1]
    bound = 1.0  # 1/sqrt(in_features)=1
    W = jax.random.uniform(k3, (HALF - 1, 1), dtype=jnp.float32, minval=-bound, maxval=bound)
    b = jax.random.uniform(k4, (HALF - 1,), dtype=jnp.float32, minval=-bound, maxval=bound)
    return {"evals": evals, "emb_table": emb_table, "W": W, "b": b}


def reference(evals, emb_table, W, b):
    B = evals.shape[1]
    # torch.arange(num_evals).repeat((B, 1)) -> [B, num_evals]
    idx = jnp.tile(jnp.arange(NUM_EVALS), (B, 1))
    embeddings = jnp.take(emb_table, idx, axis=0)          # [B, num_evals, HALF]
    embeddings = jnp.transpose(embeddings, (1, 0, 2))       # [num_evals, B, HALF]
    ev = evals[..., None]                                   # [num_evals, B, 1]
    evals_embed = jnp.matmul(ev, W.T) + b                   # [num_evals, B, HALF-1]
    output = jnp.concatenate((embeddings, evals_embed, ev), axis=-1)
    return output

if __name__ == "__main__":
    import jax
    _d = setup_inputs()
    print(jax.jit(kernel)(*tuple(_d.values())))

</pallas_src>

<mosaic_0001>
#map = affine_map<(d0, d1) -> (0, 0)>
#map1 = affine_map<(d0, d1) -> (0)>
#map2 = affine_map<(d0, d1) -> (0, 0, 0)>
module attributes {stable_mosaic.version = 14 : i64} {
  func.func @_sc_body(%arg0: i32, %arg1: i32, %arg2: memref<128x4096xf32, #tpu.memory_space<hbm>>, %arg3: memref<128x64xf32, #tpu.memory_space<hbm>>, %arg4: memref<63xf32, #tpu.memory_space<hbm>>, %arg5: memref<63xf32, #tpu.memory_space<hbm>>, %arg6: memref<128x4096x128xf32, #tpu.memory_space<hbm>>, %arg7: memref<4x4096xf32, #tpu.memory_space<vmem>>, %arg8: memref<4x64xf32, #tpu.memory_space<vmem>>, %arg9: memref<64xf32, #tpu.memory_space<vmem>>, %arg10: memref<64xf32, #tpu.memory_space<vmem>>, %arg11: memref<2x256x128xf32, #tpu.memory_space<vmem>>, %arg12: memref<!tpu.dma_semaphore, #tpu.memory_space<semaphore_mem>>, %arg13: memref<!tpu.dma_semaphore, #tpu.memory_space<semaphore_mem>>) attributes {dimension_semantics = [#tpu.dimension_semantics<core_parallel>, #tpu.dimension_semantics<subcore_parallel>], iteration_bounds = array<i64: 2, 16>, scalar_prefetch = 0 : i64, scratch_operands = 7 : i64, tpu.core_type = #tpu.core_type<sc_vector_subcore>, window_params = [{transform_indices = #map}, {transform_indices = #map}, {transform_indices = #map1}, {transform_indices = #map1}, {transform_indices = #map2}]} {
    %mul3A = arith.constant 2 : i32
    %mul3A_0 = arith.muli %arg1, %mul3A : i32
    %add3A = arith.addi %mul3A_0, %arg0 : i32
    %mul3A_1 = arith.constant 4 : i32
    %mul3A_2 = arith.muli %add3A, %mul3A_1 : i32
    "tpu.region"() ({
      %run_scoped3A = tpu.sem_alloc : memref<!tpu.dma_semaphore, #tpu.memory_space<semaphore_mem>>
      %dma_start3A = arith.constant 0 : i32
      %dma_start3A_69 = tpu.memref_slice %arg9[%dma_start3A] : memref<64xf32, #tpu.memory_space<vmem>> -> memref<63xf32, #tpu.memory_space<vmem>>
      %dma_start3A_70 = arith.constant 0 : i32
      %dma_start3A_71 = tpu.memref_slice %arg9[%dma_start3A_70] : memref<64xf32, #tpu.memory_space<vmem>> -> memref<63xf32, #tpu.memory_space<vmem>>
      tpu.enqueue_dma source(%arg4 : memref<63xf32, #tpu.memory_space<hbm>>) target(%dma_start3A_71 : memref<63xf32, #tpu.memory_space<vmem>>) target_semaphore(%run_scoped3A : memref<!tpu.dma_semaphore, #tpu.memory_space<semaphore_mem>>)
      %dma_wait3A_72 = arith.constant 0 : i32
      %dma_wait3A_73 = tpu.memref_slice %arg9[%dma_wait3A_72] : memref<64xf32, #tpu.memory_space<vmem>> -> memref<63xf32, #tpu.memory_space<vmem>>
      %dma_wait3A_74 = arith.constant 0 : i32
      %dma_wait3A_75 = tpu.memref_slice %arg9[%dma_wait3A_74] : memref<64xf32, #tpu.memory_space<vmem>> -> memref<63xf32, #tpu.memory_space<vmem>>
      tpu.wait_dma2 semaphore(%run_scoped3A : memref<!tpu.dma_semaphore, #tpu.memory_space<semaphore_mem>>) src(%arg4 : memref<63xf32, #tpu.memory_space<hbm>>) dst(%dma_wait3A_75 : memref<63xf32, #tpu.memory_space<vmem>>)
      tpu.yield
    }) : () -> ()
    "tpu.region"() ({
      %run_scoped3A = tpu.sem_alloc : memref<!tpu.dma_semaphore, #tpu.memory_space<semaphore_mem>>
      %dma_start3A = arith.constant 0 : i32
      %dma_start3A_69 = tpu.memref_slice %arg10[%dma_start3A] : memref<64xf32, #tpu.memory_space<vmem>> -> memref<63xf32, #tpu.memory_space<vmem>>
      %dma_start3A_70 = arith.constant 0 : i32
      %dma_start3A_71 = tpu.memref_slice %arg10[%dma_start3A_70] : memref<64xf32, #tpu.memory_space<vmem>> -> memref<63xf32, #tpu.memory_space<vmem>>
      tpu.enqueue_dma source(%arg5 : memref<63xf32, #tpu.memory_space<hbm>>) target(%dma_start3A_71 : memref<63xf32, #tpu.memory_space<vmem>>) target_semaphore(%run_scoped3A : memref<!tpu.dma_semaphore, #tpu.memory_space<semaphore_mem>>)
      %dma_wait3A_72 = arith.constant 0 : i32
      %dma_wait3A_73 = tpu.memref_slice %arg10[%dma_wait3A_72] : memref<64xf32, #tpu.memory_space<vmem>> -> memref<63xf32, #tpu.memory_space<vmem>>
      %dma_wait3A_74 = arith.constant 0 : i32
      %dma_wait3A_75 = tpu.memref_slice %arg10[%dma_wait3A_74] : memref<64xf32, #tpu.memory_space<vmem>> -> memref<63xf32, #tpu.memory_space<vmem>>
      tpu.wait_dma2 semaphore(%run_scoped3A : memref<!tpu.dma_semaphore, #tpu.memory_space<semaphore_mem>>) src(%arg5 : memref<63xf32, #tpu.memory_space<hbm>>) dst(%dma_wait3A_75 : memref<63xf32, #tpu.memory_space<vmem>>)
      tpu.yield
    }) : () -> ()
    "tpu.region"() ({
      %run_scoped3A = tpu.sem_alloc : memref<!tpu.dma_semaphore, #tpu.memory_space<semaphore_mem>>
      %dma_start3A = arith.constant 0 : i32
      %dma_start3A_69 = tpu.memref_slice %arg3[%mul3A_2, %dma_start3A] : memref<128x64xf32, #tpu.memory_space<hbm>> -> memref<4x64xf32, #tpu.memory_space<hbm>>
      %dma_start3A_70 = arith.constant 0 : i32
      %dma_start3A_71 = tpu.memref_slice %arg3[%mul3A_2, %dma_start3A_70] : memref<128x64xf32, #tpu.memory_space<hbm>> -> memref<4x64xf32, #tpu.memory_space<hbm>>
      tpu.enqueue_dma source(%dma_start3A_71 : memref<4x64xf32, #tpu.memory_space<hbm>>) target(%arg8 : memref<4x64xf32, #tpu.memory_space<vmem>>) target_semaphore(%run_scoped3A : memref<!tpu.dma_semaphore, #tpu.memory_space<semaphore_mem>>)
      %dma_wait3A_72 = arith.constant 0 : i32
      %dma_wait3A_73 = tpu.memref_slice %arg3[%mul3A_2, %dma_wait3A_72] : memref<128x64xf32, #tpu.memory_space<hbm>> -> memref<4x64xf32, #tpu.memory_space<hbm>>
      %dma_wait3A_74 = arith.constant 0 : i32
      %dma_wait3A_75 = tpu.memref_slice %arg3[%mul3A_2, %dma_wait3A_74] : memref<128x64xf32, #tpu.memory_space<hbm>> -> memref<4x64xf32, #tpu.memory_space<hbm>>
      tpu.wait_dma2 semaphore(%run_scoped3A : memref<!tpu.dma_semaphore, #tpu.memory_space<semaphore_mem>>) src(%dma_wait3A_75 : memref<4x64xf32, #tpu.memory_space<hbm>>) dst(%arg8 : memref<4x64xf32, #tpu.memory_space<vmem>>)
      tpu.yield
    }) : () -> ()
    "tpu.region"() ({
      %run_scoped3A = tpu.sem_alloc : memref<!tpu.dma_semaphore, #tpu.memory_space<semaphore_mem>>
      %dma_start3A = arith.constant 0 : i32
      %dma_start3A_69 = tpu.memref_slice %arg2[%mul3A_2, %dma_start3A] : memref<128x4096xf32, #tpu.memory_space<hbm>> -> memref<4x4096xf32, #tpu.memory_space<hbm>>
      %dma_start3A_70 = arith.constant 0 : i32
      %dma_start3A_71 = tpu.memref_slice %arg2[%mul3A_2, %dma_start3A_70] : memref<128x4096xf32, #tpu.memory_space<hbm>> -> memref<4x4096xf32, #tpu.memory_space<hbm>>
      tpu.enqueue_dma source(%dma_start3A_71 : memref<4x4096xf32, #tpu.memory_space<hbm>>) target(%arg7 : memref<4x4096xf32, #tpu.memory_space<vmem>>) target_semaphore(%run_scoped3A : memref<!tpu.dma_semaphore, #tpu.memory_space<semaphore_mem>>)
      %dma_wait3A_72 = arith.constant 0 : i32
      %dma_wait3A_73 = tpu.memref_slice %arg2[%mul3A_2, %dma_wait3A_72] : memref<128x4096xf32, #tpu.memory_space<hbm>> -> memref<4x4096xf32, #tpu.memory_space<hbm>>
      %dma_wait3A_74 = arith.constant 0 : i32
      %dma_wait3A_75 = tpu.memref_slice %arg2[%mul3A_2, %dma_wait3A_74] : memref<128x4096xf32, #tpu.memory_space<hbm>> -> memref<4x4096xf32, #tpu.memory_space<hbm>>
      tpu.wait_dma2 semaphore(%run_scoped3A : memref<!tpu.dma_semaphore, #tpu.memory_space<semaphore_mem>>) src(%dma_wait3A_75 : memref<4x4096xf32, #tpu.memory_space<hbm>>) dst(%arg7 : memref<4x4096xf32, #tpu.memory_space<vmem>>)
      tpu.yield
    }) : () -> ()
    %iota3A = tpu.iota {dimensions = array<i32: 0>} : vector<16xi32>
    %eq3A = arith.constant 15 : i32
    %eq3A_3 = vector.broadcast %eq3A : i32 to vector<16xi32>
    %eq3A_4 = arith.cmpi eq, %iota3A, %eq3A_3 : vector<16xi32>
    %get3A = arith.constant 0 : index
    %get3A_5 = tpu.vector_load %arg9[%get3A] {strides = array<i32>} : memref<64xf32, #tpu.memory_space<vmem>>, vector<16xf32>,
    %get3A_6 = vector.shape_cast %get3A_5 : vector<16xf32> to vector<16xf32>
    %get3A_7 = arith.constant 16 : index
    %get3A_8 = tpu.vector_load %arg9[%get3A_7] {strides = array<i32>} : memref<64xf32, #tpu.memory_space<vmem>>, vector<16xf32>,
    %get3A_9 = vector.shape_cast %get3A_8 : vector<16xf32> to vector<16xf32>
    %get3A_10 = arith.constant 32 : index
    %get3A_11 = tpu.vector_load %arg9[%get3A_10] {strides = array<i32>} : memref<64xf32, #tpu.memory_space<vmem>>, vector<16xf32>,
    %get3A_12 = vector.shape_cast %get3A_11 : vector<16xf32> to vector<16xf32>
    %get3A_13 = arith.constant 48 : index
    %get3A_14 = tpu.vector_load %arg9[%get3A_13] {strides = array<i32>} : memref<64xf32, #tpu.memory_space<vmem>>, vector<16xf32>,
    %get3A_15 = vector.shape_cast %get3A_14 : vector<16xf32> to vector<16xf32>
    %jit3A = arith.constant 1.000000e+00 : f32
    %broadcast_in_dim3A = vector.broadcast %jit3A : f32 to vector<16xf32>
    %select_n3A = arith.select %eq3A_4, %broadcast_in_dim3A, %get3A_15 : vector<16xi1>, vector<16xf32>
    %get3A_16 = arith.constant 0 : index
    %get3A_17 = tpu.vector_load %arg10[%get3A_16] {strides = array<i32>} : memref<64xf32, #tpu.memory_space<vmem>>, vector<16xf32>,
    %get3A_18 = vector.shape_cast %get3A_17 : vector<16xf32> to vector<16xf32>
    %get3A_19 = arith.constant 16 : index
    %get3A_20 = tpu.vector_load %arg10[%get3A_19] {strides = array<i32>} : memref<64xf32, #tpu.memory_space<vmem>>, vector<16xf32>,
    %get3A_21 = vector.shape_cast %get3A_20 : vector<16xf32> to vector<16xf32>
    %get3A_22 = arith.constant 32 : index
    %get3A_23 = tpu.vector_load %arg10[%get3A_22] {strides = array<i32>} : memref<64xf32, #tpu.memory_space<vmem>>, vector<16xf32>,
    %get3A_24 = vector.shape_cast %get3A_23 : vector<16xf32> to vector<16xf32>
    %get3A_25 = arith.constant 48 : index
    %get3A_26 = tpu.vector_load %arg10[%get3A_25] {strides = array<i32>} : memref<64xf32, #tpu.memory_space<vmem>>, vector<16xf32>,
    %get3A_27 = vector.shape_cast %get3A_26 : vector<16xf32> to vector<16xf32>
    %jit3A_28 = arith.constant 0.000000e+00 : f32
    %broadcast_in_dim3A_29 = vector.broadcast %jit3A_28 : f32 to vector<16xf32>
    %select_n3A_30 = arith.select %eq3A_4, %broadcast_in_dim3A_29, %get3A_27 : vector<16xi1>, vector<16xf32>
    %scan3A = arith.constant 0 : i32
    %scan3A_31 = arith.constant 0 : i32
    %scan3A_32 = arith.constant 32 : i32
    %scan3A_33 = arith.addi %scan3A_31, %scan3A_32 : i32
    %scan3A_34 = arith.constant 1 : i32
    scf.for %scan3A_69 = %scan3A_31 to %scan3A_33 step %scan3A_34  : i32 {
      %mul3A_70 = arith.constant 2 : i32
      %mul3A_71 = arith.muli %mul3A_70, %scan3A_69 : i32
      %add3A_72 = arith.constant 0 : i32
      %add3A_73 = arith.addi %mul3A_71, %add3A_72 : i32
      %jit3A_74 = arith.constant 32 : i32
      %div3A = arith.divsi %add3A_73, %jit3A_74 : i32
      %sign3A = arith.constant 0 : i32
      %sign3A_75 = arith.cmpi sgt, %add3A_73, %sign3A : i32
      %sign3A_76 = arith.extui %sign3A_75 : i1 to i32
      %sign3A_77 = arith.constant 0 : i32
      %sign3A_78 = arith.cmpi slt, %add3A_73, %sign3A_77 : i32
      %sign3A_79 = arith.extui %sign3A_78 : i1 to i32
      %sign3A_80 = arith.subi %sign3A_76, %sign3A_79 : i32
      %sign3A_81 = arith.constant 0 : i32
      %sign3A_82 = arith.cmpi sgt, %jit3A_74, %sign3A_81 : i32
      %sign3A_83 = arith.extui %sign3A_82 : i1 to i32
      %sign3A_84 = arith.constant 0 : i32
      %sign3A_85 = arith.cmpi slt, %jit3A_74, %sign3A_84 : i32
      %sign3A_86 = arith.extui %sign3A_85 : i1 to i32
      %sign3A_87 = arith.subi %sign3A_83, %sign3A_86 : i32
      %ne3A = arith.cmpi ne, %sign3A_80, %sign3A_87 : i32
      %rem3A = arith.remsi %add3A_73, %jit3A_74 : i32
      %ne3A_88 = arith.constant 0 : i32
      %ne3A_89 = arith.cmpi ne, %rem3A, %ne3A_88 : i32
      %and3A = arith.andi %ne3A, %ne3A_89 : i1
      %sub3A = arith.constant 1 : i32
      %sub3A_90 = arith.subi %div3A, %sub3A : i32
      %select_n3A_91 = arith.select %and3A, %sub3A_90, %div3A : i32
      %mul3A_92 = arith.constant 2 : i32
      %mul3A_93 = arith.muli %mul3A_92, %select_n3A_91 : i32
      %add3A_94 = arith.constant 0 : i32
      %add3A_95 = arith.addi %mul3A_93, %add3A_94 : i32
      %jit3A_96 = arith.constant 2 : i32
      %div3A_97 = arith.divsi %add3A_73, %jit3A_96 : i32
      %sign3A_98 = arith.constant 0 : i32
      %sign3A_99 = arith.cmpi sgt, %add3A_73, %sign3A_98 : i32
      %sign3A_100 = arith.extui %sign3A_99 : i1 to i32
      %sign3A_101 = arith.constant 0 : i32
      %sign3A_102 = arith.cmpi slt, %add3A_73, %sign3A_101 : i32
      %sign3A_103 = arith.extui %sign3A_102 : i1 to i32
      %sign3A_104 = arith.subi %sign3A_100, %sign3A_103 : i32
      %sign3A_105 = arith.constant 0 : i32
      %sign3A_106 = arith.cmpi sgt, %jit3A_96, %sign3A_105 : i32
      %sign3A_107 = arith.extui %sign3A_106 : i1 to i32
      %sign3A_108 = arith.constant 0 : i32
      %sign3A_109 = arith.cmpi slt, %jit3A_96, %sign3A_108 : i32
      %sign3A_110 = arith.extui %sign3A_109 : i1 to i32
      %sign3A_111 = arith.subi %sign3A_107, %sign3A_110 : i32
      %ne3A_112 = arith.cmpi ne, %sign3A_104, %sign3A_111 : i32
      %rem3A_113 = arith.remsi %add3A_73, %jit3A_96 : i32
      %ne3A_114 = arith.constant 0 : i32
      %ne3A_115 = arith.cmpi ne, %rem3A_113, %ne3A_114 : i32
      %and3A_116 = arith.andi %ne3A_112, %ne3A_115 : i1
      %sub3A_117 = arith.constant 1 : i32
      %sub3A_118 = arith.subi %div3A_97, %sub3A_117 : i32
      %select_n3A_119 = arith.select %and3A_116, %sub3A_118, %div3A_97 : i32
      %jit3A_120 = arith.constant 16 : i32
      %eq3A_121 = arith.constant 0 : i32
      %eq3A_122 = arith.cmpi eq, %jit3A_120, %eq3A_121 : i32
      %jit3A_123 = arith.constant 1 : i32
      %select_n3A_124 = arith.select %eq3A_122, %jit3A_123, %jit3A_120 : i32
      %rem3A_125 = arith.remsi %select_n3A_119, %select_n3A_124 : i32
      %ne3A_126 = arith.constant 0 : i32
      %ne3A_127 = arith.cmpi ne, %rem3A_125, %ne3A_126 : i32
      %lt3A = arith.constant 0 : i32
      %lt3A_128 = arith.cmpi slt, %rem3A_125, %lt3A : i32
      %lt3A_129 = arith.constant 0 : i32
      %lt3A_130 = arith.cmpi slt, %select_n3A_124, %lt3A_129 : i32
      %ne3A_131 = arith.xori %lt3A_128, %lt3A_130 : i1
      %and3A_132 = arith.andi %ne3A_131, %ne3A_127 : i1
      %add3A_133 = arith.addi %rem3A_125, %select_n3A_124 : i32
      %select_n3A_134 = arith.select %and3A_132, %add3A_133, %rem3A_125 : i32
      %mul3A_135 = arith.constant 256 : i32
      %mul3A_136 = arith.muli %select_n3A_134, %mul3A_135 : i32
      %gt3A = arith.constant 0 : i32
      %gt3A_137 = arith.cmpi sgt, %scan3A_69, %gt3A : i32
      %convert_element_type3A = arith.extui %gt3A_137 : i1 to i32
      %cond3A = arith.constant 0 : i32
      %cond3A_138 = arith.cmpi ne, %convert_element_type3A, %cond3A : i32
      scf.if %cond3A_138 {
        %add3A_271 = arith.addi %mul3A_2, %add3A_95 : i32
        %dma_wait3A_272 = arith.constant 0 : i32
        %dma_wait3A_273 = arith.constant 0 : i32
        %dma_wait3A_274 = arith.constant 0 : i32
        %dma_wait3A_275 = tpu.memref_slice %arg11[%dma_wait3A_272, %dma_wait3A_273, %dma_wait3A_274] : memref<2x256x128xf32, #tpu.memory_space<vmem>> -> memref<1x256x128xf32, #tpu.memory_space<vmem>>
        %dma_wait3A_276 = tpu.memref_squeeze %dma_wait3A_275 : memref<1x256x128xf32, #tpu.memory_space<vmem>> -> memref<256x128xf32, #tpu.memory_space<vmem>>
        %dma_wait3A_277 = arith.constant 0 : i32
        %dma_wait3A_278 = tpu.memref_slice %arg6[%add3A_271, %mul3A_136, %dma_wait3A_277] : memref<128x4096x128xf32, #tpu.memory_space<hbm>> -> memref<1x256x128xf32, #tpu.memory_space<hbm>>
        %dma_wait3A_279 = tpu.memref_squeeze %dma_wait3A_278 : memref<1x256x128xf32, #tpu.memory_space<hbm>> -> memref<256x128xf32, #tpu.memory_space<hbm>>
        %dma_wait3A_280 = arith.constant 0 : i32
        %dma_wait3A_281 = tpu.memref_slice %arg6[%add3A_271, %mul3A_136, %dma_wait3A_280] : memref<128x4096x128xf32, #tpu.memory_space<hbm>> -> memref<1x256x128xf32, #tpu.memory_space<hbm>>
        %dma_wait3A_282 = tpu.memref_squeeze %dma_wait3A_281 : memref<1x256x128xf32, #tpu.memory_space<hbm>> -> memref<256x128xf32, #tpu.memory_space<hbm>>
        %dma_wait3A_283 = arith.constant 0 : i32
        %dma_wait3A_284 = arith.constant 0 : i32
        %dma_wait3A_285 = tpu.memref_slice %arg11[%dma_wait3A_272, %dma_wait3A_283, %dma_wait3A_284] : memref<2x256x128xf32, #tpu.memory_space<vmem>> -> memref<1x256x128xf32, #tpu.memory_space<vmem>>
        %dma_wait3A_286 = tpu.memref_squeeze %dma_wait3A_285 : memref<1x256x128xf32, #tpu.memory_space<vmem>> -> memref<256x128xf32, #tpu.memory_space<vmem>>
        tpu.wait_dma2 semaphore(%arg12 : memref<!tpu.dma_semaphore, #tpu.memory_space<semaphore_mem>>) src(%dma_wait3A_286 : memref<256x128xf32, #tpu.memory_space<vmem>>) dst(%dma_wait3A_282 : memref<256x128xf32, #tpu.memory_space<hbm>>)
      } else {
      }
      %eq3A_139 = arith.constant 0 : i32
      %eq3A_140 = arith.cmpi eq, %select_n3A_134, %eq3A_139 : i32
      %convert_element_type3A_141 = arith.extui %eq3A_140 : i1 to i32
      %cond3A_142 = arith.constant 0 : i32
      %cond3A_143 = arith.cmpi ne, %convert_element_type3A_141, %cond3A_142 : i32
      scf.if %cond3A_143 {
        %get3A_271 = arith.index_cast %add3A_95 : i32 to index
        %get3A_272 = arith.constant 0 : index
        %get3A_273 = tpu.vector_load %arg8[%get3A_271, %get3A_272] {strides = array<i32>} : memref<4x64xf32, #tpu.memory_space<vmem>>, vector<1x16xf32>,
        %get3A_274 = vector.shape_cast %get3A_273 : vector<1x16xf32> to vector<16xf32>
        %get3A_275 = arith.index_cast %add3A_95 : i32 to index
        %get3A_276 = arith.constant 16 : index
        %get3A_277 = tpu.vector_load %arg8[%get3A_275, %get3A_276] {strides = array<i32>} : memref<4x64xf32, #tpu.memory_space<vmem>>, vector<1x16xf32>,
        %get3A_278 = vector.shape_cast %get3A_277 : vector<1x16xf32> to vector<16xf32>
        %get3A_279 = arith.index_cast %add3A_95 : i32 to index
        %get3A_280 = arith.constant 32 : index
        %get3A_281 = tpu.vector_load %arg8[%get3A_279, %get3A_280] {strides = array<i32>} : memref<4x64xf32, #tpu.memory_space<vmem>>, vector<1x16xf32>,
        %get3A_282 = vector.shape_cast %get3A_281 : vector<1x16xf32> to vector<16xf32>
        %get3A_283 = arith.index_cast %add3A_95 : i32 to index
        %get3A_284 = arith.constant 48 : index
        %get3A_285 = tpu.vector_load %arg8[%get3A_283, %get3A_284] {strides = array<i32>} : memref<4x64xf32, #tpu.memory_space<vmem>>, vector<1x16xf32>,
        %get3A_286 = vector.shape_cast %get3A_285 : vector<1x16xf32> to vector<16xf32>
        %scan3A_287 = arith.constant 0 : i32
        %scan3A_288 = arith.constant 0 : i32
        %scan3A_289 = arith.constant 256 : i32
        %scan3A_290 = arith.addi %scan3A_288, %scan3A_289 : i32
        %scan3A_291 = arith.constant 4 : i32
        scf.for %scan3A_293 = %scan3A_288 to %scan3A_290 step %scan3A_291  : i32 {
          %swap3A = arith.constant 0 : i32
          %swap3A_294 = arith.index_cast %swap3A : i32 to index
          %swap3A_295 = arith.index_cast %scan3A_293 : i32 to index
          %swap3A_296 = arith.constant 0 : index
          %swap3A_297 = tpu.vector_load %arg11[%swap3A_294, %swap3A_295, %swap3A_296] {strides = array<i32>} : memref<2x256x128xf32, #tpu.memory_space<vmem>>, vector<1x1x16xf32>,
          %swap3A_298 = vector.shape_cast %swap3A_297 : vector<1x1x16xf32> to vector<16xf32>
          %swap3A_299 = vector.shape_cast %get3A_274 : vector<16xf32> to vector<1x1x16xf32>
          tpu.vector_store %arg11[%swap3A_294, %swap3A_295, %swap3A_296], %swap3A_299 {strides = array<i32>} : memref<2x256x128xf32, #tpu.memory_space<vmem>>, vector<1x1x16xf32>,
          %swap3A_300 = arith.constant 0 : i32
          %swap3A_301 = arith.index_cast %swap3A_300 : i32 to index
          %swap3A_302 = arith.index_cast %scan3A_293 : i32 to index
          %swap3A_303 = arith.constant 16 : index
          %swap3A_304 = tpu.vector_load %arg11[%swap3A_301, %swap3A_302, %swap3A_303] {strides = array<i32>} : memref<2x256x128xf32, #tpu.memory_space<vmem>>, vector<1x1x16xf32>,
          %swap3A_305 = vector.shape_cast %swap3A_304 : vector<1x1x16xf32> to vector<16xf32>
          %swap3A_306 = vector.shape_cast %get3A_278 : vector<16xf32> to vector<1x1x16xf32>
          tpu.vector_store %arg11[%swap3A_301, %swap3A_302, %swap3A_303], %swap3A_306 {strides = array<i32>} : memref<2x256x128xf32, #tpu.memory_space<vmem>>, vector<1x1x16xf32>,
          %swap3A_307 = arith.constant 0 : i32
          %swap3A_308 = arith.index_cast %swap3A_307 : i32 to index
          %swap3A_309 = arith.index_cast %scan3A_293 : i32 to index
          %swap3A_310 = arith.constant 32 : index
          %swap3A_311 = tpu.vector_load %arg11[%swap3A_308, %swap3A_309, %swap3A_310] {strides = array<i32>} : memref<2x256x128xf32, #tpu.memory_space<vmem>>, vector<1x1x16xf32>,
          %swap3A_312 = vector.shape_cast %swap3A_311 : vector<1x1x16xf32> to vector<16xf32>
          %swap3A_313 = vector.shape_cast %get3A_282 : vector<16xf32> to vector<1x1x16xf32>
          tpu.vector_store %arg11[%swap3A_308, %swap3A_309, %swap3A_310], %swap3A_313 {strides = array<i32>} : memref<2x256x128xf32, #tpu.memory_space<vmem>>, vector<1x1x16xf32>,
          %swap3A_314 = arith.constant 0 : i32
          %swap3A_315 = arith.index_cast %swap3A_314 : i32 to index
          %swap3A_316 = arith.index_cast %scan3A_293 : i32 to index
          %swap3A_317 = arith.constant 48 : index
          %swap3A_318 = tpu.vector_load %arg11[%swap3A_315, %swap3A_316, %swap3A_317] {strides = array<i32>} : memref<2x256x128xf32, #tpu.memory_space<vmem>>, vector<1x1x16xf32>,
          %swap3A_319 = vector.shape_cast %swap3A_318 : vector<1x1x16xf32> to vector<16xf32>
          %swap3A_320 = vector.shape_cast %get3A_286 : vector<16xf32> to vector<1x1x16xf32>
          tpu.vector_store %arg11[%swap3A_315, %swap3A_316, %swap3A_317], %swap3A_320 {strides = array<i32>} : memref<2x256x128xf32, #tpu.memory_space<vmem>>, vector<1x1x16xf32>,
          %scan3A_321 = arith.constant 1 : i32
          %scan3A_322 = arith.addi %scan3A_293, %scan3A_321 : i32
          %swap3A_323 = arith.constant 0 : i32
          %swap3A_324 = arith.index_cast %swap3A_323 : i32 to index
          %swap3A_325 = arith.index_cast %scan3A_322 : i32 to index
          %swap3A_326 = arith.constant 0 : index
          %swap3A_327 = tpu.vector_load %arg11[%swap3A_324, %swap3A_325, %swap3A_326] {strides = array<i32>} : memref<2x256x128xf32, #tpu.memory_space<vmem>>, vector<1x1x16xf32>,
          %swap3A_328 = vector.shape_cast %swap3A_327 : vector<1x1x16xf32> to vector<16xf32>
          %swap3A_329 = vector.shape_cast %get3A_274 : vector<16xf32> to vector<1x1x16xf32>
          tpu.vector_store %arg11[%swap3A_324, %swap3A_325, %swap3A_326], %swap3A_329 {strides = array<i32>} : memref<2x256x128xf32, #tpu.memory_space<vmem>>, vector<1x1x16xf32>,
          %swap3A_330 = arith.constant 0 : i32
          %swap3A_331 = arith.index_cast %swap3A_330 : i32 to index
          %swap3A_332 = arith.index_cast %scan3A_322 : i32 to index
          %swap3A_333 = arith.constant 16 : index
          %swap3A_334 = tpu.vector_load %arg11[%swap3A_331, %swap3A_332, %swap3A_333] {strides = array<i32>} : memref<2x256x128xf32, #tpu.memory_space<vmem>>, vector<1x1x16xf32>,
          %swap3A_335 = vector.shape_cast %swap3A_334 : vector<1x1x16xf32> to vector<16xf32>
          %swap3A_336 = vector.shape_cast %get3A_278 : vector<16xf32> to vector<1x1x16xf32>
          tpu.vector_store %arg11[%swap3A_331, %swap3A_332, %swap3A_333], %swap3A_336 {strides = array<i32>} : memref<2x256x128xf32, #tpu.memory_space<vmem>>, vector<1x1x16xf32>,
          %swap3A_337 = arith.constant 0 : i32
          %swap3A_338 = arith.index_cast %swap3A_337 : i32 to index
          %swap3A_339 = arith.index_cast %scan3A_322 : i32 to index
          %swap3A_340 = arith.constant 32 : index
          %swap3A_341 = tpu.vector_load %arg11[%swap3A_338, %swap3A_339, %swap3A_340] {strides = array<i32>} : memref<2x256x128xf32, #tpu.memory_space<vmem>>, vector<1x1x16xf32>,
          %swap3A_342 = vector.shape_cast %swap3A_341 : vector<1x1x16xf32> to vector<16xf32>
          %swap3A_343 = vector.shape_cast %get3A_282 : vector<16xf32> to vector<1x1x16xf32>
          tpu.vector_store %arg11[%swap3A_338, %swap3A_339, %swap3A_340], %swap3A_343 {strides = array<i32>} : memref<2x256x128xf32, #tpu.memory_space<vmem>>, vector<1x1x16xf32>,
          %swap3A_344 = arith.constant 0 : i32
          %swap3A_345 = arith.index_cast %swap3A_344 : i32 to index
          %swap3A_346 = arith.index_cast %scan3A_322 : i32 to index
          %swap3A_347 = arith.constant 48 : index
          %swap3A_348 = tpu.vector_load %arg11[%swap3A_345, %swap3A_346, %swap3A_347] {strides = array<i32>} : memref<2x256x128xf32, #tpu.memory_space<vmem>>, vector<1x1x16xf32>,
          %swap3A_349 = vector.shape_cast %swap3A_348 : vector<1x1x16xf32> to vector<16xf32>
          %swap3A_350 = vector.shape_cast %get3A_286 : vector<16xf32> to vector<1x1x16xf32>
          tpu.vector_store %arg11[%swap3A_345, %swap3A_346, %swap3A_347], %swap3A_350 {strides = array<i32>} : memref<2x256x128xf32, #tpu.memory_space<vmem>>, vector<1x1x16xf32>,
          %scan3A_351 = arith.constant 2 : i32
          %scan3A_352 = arith.addi %scan3A_293, %scan3A_351 : i32
          %swap3A_353 = arith.constant 0 : i32
          %swap3A_354 = arith.index_cast %swap3A_353 : i32 to index
          %swap3A_355 = arith.index_cast %scan3A_352 : i32 to index
          %swap3A_356 = arith.constant 0 : index
          %swap3A_357 = tpu.vector_load %arg11[%swap3A_354, %swap3A_355, %swap3A_356] {strides = array<i32>} : memref<2x256x128xf32, #tpu.memory_space<vmem>>, vector<1x1x16xf32>,
          %swap3A_358 = vector.shape_cast %swap3A_357 : vector<1x1x16xf32> to vector<16xf32>
          %swap3A_359 = vector.shape_cast %get3A_274 : vector<16xf32> to vector<1x1x16xf32>
          tpu.vector_store %arg11[%swap3A_354, %swap3A_355, %swap3A_356], %swap3A_359 {strides = array<i32>} : memref<2x256x128xf32, #tpu.memory_space<vmem>>, vector<1x1x16xf32>,
          %swap3A_360 = arith.constant 0 : i32
          %swap3A_361 = arith.index_cast %swap3A_360 : i32 to index
          %swap3A_362 = arith.index_cast %scan3A_352 : i32 to index
          %swap3A_363 = arith.constant 16 : index
          %swap3A_364 = tpu.vector_load %arg11[%swap3A_361, %swap3A_362, %swap3A_363] {strides = array<i32>} : memref<2x256x128xf32, #tpu.memory_space<vmem>>, vector<1x1x16xf32>,
          %swap3A_365 = vector.shape_cast %swap3A_364 : vector<1x1x16xf32> to vector<16xf32>
          %swap3A_366 = vector.shape_cast %get3A_278 : vector<16xf32> to vector<1x1x16xf32>
          tpu.vector_store %arg11[%swap3A_361, %swap3A_362, %swap3A_363], %swap3A_366 {strides = array<i32>} : memref<2x256x128xf32, #tpu.memory_space<vmem>>, vector<1x1x16xf32>,
          %swap3A_367 = arith.constant 0 : i32
          %swap3A_368 = arith.index_cast %swap3A_367 : i32 to index
          %swap3A_369 = arith.index_cast %scan3A_352 : i32 to index
          %swap3A_370 = arith.constant 32 : index
          %swap3A_371 = tpu.vector_load %arg11[%swap3A_368, %swap3A_369, %swap3A_370] {strides = array<i32>} : memref<2x256x128xf32, #tpu.memory_space<vmem>>, vector<1x1x16xf32>,
          %swap3A_372 = vector.shape_cast %swap3A_371 : vector<1x1x16xf32> to vector<16xf32>
          %swap3A_373 = vector.shape_cast %get3A_282 : vector<16xf32> to vector<1x1x16xf32>
          tpu.vector_store %arg11[%swap3A_368, %swap3A_369, %swap3A_370], %swap3A_373 {strides = array<i32>} : memref<2x256x128xf32, #tpu.memory_space<vmem>>, vector<1x1x16xf32>,
          %swap3A_374 = arith.constant 0 : i32
          %swap3A_375 = arith.index_cast %swap3A_374 : i32 to index
          %swap3A_376 = arith.index_cast %scan3A_352 : i32 to index
          %swap3A_377 = arith.constant 48 : index
          %swap3A_378 = tpu.vector_load %arg11[%swap3A_375, %swap3A_376, %swap3A_377] {strides = array<i32>} : memref<2x256x128xf32, #tpu.memory_space<vmem>>, vector<1x1x16xf32>,
          %swap3A_379 = vector.shape_cast %swap3A_378 : vector<1x1x16xf32> to vector<16xf32>
          %swap3A_380 = vector.shape_cast %get3A_286 : vector<16xf32> to vector<1x1x16xf32>
          tpu.vector_store %arg11[%swap3A_375, %swap3A_376, %swap3A_377], %swap3A_380 {strides = array<i32>} : memref<2x256x128xf32, #tpu.memory_space<vmem>>, vector<1x1x16xf32>,
          %scan3A_381 = arith.constant 3 : i32
          %scan3A_382 = arith.addi %scan3A_293, %scan3A_381 : i32
          %swap3A_383 = arith.constant 0 : i32
          %swap3A_384 = arith.index_cast %swap3A_383 : i32 to index
          %swap3A_385 = arith.index_cast %scan3A_382 : i32 to index
          %swap3A_386 = arith.constant 0 : index
          %swap3A_387 = tpu.vector_load %arg11[%swap3A_384, %swap3A_385, %swap3A_386] {strides = array<i32>} : memref<2x256x128xf32, #tpu.memory_space<vmem>>, vector<1x1x16xf32>,
          %swap3A_388 = vector.shape_cast %swap3A_387 : vector<1x1x16xf32> to vector<16xf32>
          %swap3A_389 = vector.shape_cast %get3A_274 : vector<16xf32> to vector<1x1x16xf32>
          tpu.vector_store %arg11[%swap3A_384, %swap3A_385, %swap3A_386], %swap3A_389 {strides = array<i32>} : memref<2x256x128xf32, #tpu.memory_space<vmem>>, vector<1x1x16xf32>,
          %swap3A_390 = arith.constant 0 : i32
          %swap3A_391 = arith.index_cast %swap3A_390 : i32 to index
          %swap3A_392 = arith.index_cast %scan3A_382 : i32 to index
          %swap3A_393 = arith.constant 16 : index
          %swap3A_394 = tpu.vector_load %arg11[%swap3A_391, %swap3A_392, %swap3A_393] {strides = array<i32>} : memref<2x256x128xf32, #tpu.memory_space<vmem>>, vector<1x1x16xf32>,
          %swap3A_395 = vector.shape_cast %swap3A_394 : vector<1x1x16xf32> to vector<16xf32>
          %swap3A_396 = vector.shape_cast %get3A_278 : vector<16xf32> to vector<1x1x16xf32>
          tpu.vector_store %arg11[%swap3A_391, %swap3A_392, %swap3A_393], %swap3A_396 {strides = array<i32>} : memref<2x256x128xf32, #tpu.memory_space<vmem>>, vector<1x1x16xf32>,
          %swap3A_397 = arith.constant 0 : i32
          %swap3A_398 = arith.index_cast %swap3A_397 : i32 to index
          %swap3A_399 = arith.index_cast %scan3A_382 : i32 to index
          %swap3A_400 = arith.constant 32 : index
          %swap3A_401 = tpu.vector_load %arg11[%swap3A_398, %swap3A_399, %swap3A_400] {strides = array<i32>} : memref<2x256x128xf32, #tpu.memory_space<vmem>>, vector<1x1x16xf32>,
          %swap3A_402 = vector.shape_cast %swap3A_401 : vector<1x1x16xf32> to vector<16xf32>
          %swap3A_403 = vector.shape_cast %get3A_282 : vector<16xf32> to vector<1x1x16xf32>
          tpu.vector_store %arg11[%swap3A_398, %swap3A_399, %swap3A_400], %swap3A_403 {strides = array<i32>} : memref<2x256x128xf32, #tpu.memory_space<vmem>>, vector<1x1x16xf32>,
          %swap3A_404 = arith.constant 0 : i32
          %swap3A_405 = arith.index_cast %swap3A_404 : i32 to index
          %swap3A_406 = arith.index_cast %scan3A_382 : i32 to index
          %swap3A_407 = arith.constant 48 : index
          %swap3A_408 = tpu.vector_load %arg11[%swap3A_405, %swap3A_406, %swap3A_407] {strides = array<i32>} : memref<2x256x128xf32, #tpu.memory_space<vmem>>, vector<1x1x16xf32>,
          %swap3A_409 = vector.shape_cast %swap3A_408 : vector<1x1x16xf32> to vector<16xf32>
          %swap3A_410 = vector.shape_cast %get3A_286 : vector<16xf32> to vector<1x1x16xf32>
          tpu.vector_store %arg11[%swap3A_405, %swap3A_406, %swap3A_407], %swap3A_410 {strides = array<i32>} : memref<2x256x128xf32, #tpu.memory_space<vmem>>, vector<1x1x16xf32>,
        }
        %scan3A_292 = arith.constant 256 : i32
      } else {
      }
      %scan3A_144 = arith.constant 0 : i32
      %scan3A_145 = arith.constant 0 : i32
      %scan3A_146 = arith.constant 16 : i32
      %scan3A_147 = arith.addi %scan3A_145, %scan3A_146 : i32
      %scan3A_148 = arith.constant 1 : i32
      scf.for %scan3A_271 = %scan3A_145 to %scan3A_147 step %scan3A_148  : i32 {
        %mul3A_272 = arith.constant 16 : i32
        %mul3A_273 = arith.muli %scan3A_271, %mul3A_272 : i32
        %add3A_274 = arith.addi %mul3A_136, %mul3A_273 : i32
        %get3A_275 = arith.index_cast %add3A_95 : i32 to index
        %get3A_276 = arith.index_cast %add3A_274 : i32 to index
        %get3A_277 = tpu.vector_load %arg7[%get3A_275, %get3A_276] {strides = array<i32>} : memref<4x4096xf32, #tpu.memory_space<vmem>>, vector<1x16xf32>,
        %get3A_278 = vector.shape_cast %get3A_277 : vector<1x16xf32> to vector<16xf32>
        %slice3A = vector.extract_strided_slice %get3A_278 {offsets = [0], sizes = [1], strides = [1]} : vector<16xf32> to vector<1xf32>
        %squeeze3A = vector.extract %slice3A[0] : f32 from vector<1xf32>
        %broadcast_in_dim3A_279 = vector.broadcast %squeeze3A : f32 to vector<16xf32>
        %mul3A_280 = arith.constant 16 : i32
        %mul3A_281 = arith.muli %scan3A_271, %mul3A_280 : i32
        %add3A_282 = arith.constant 0 : i32
        %add3A_283 = arith.addi %mul3A_281, %add3A_282 : i32
        %mul3A_284 = arith.mulf %broadcast_in_dim3A_279, %get3A_6 : vector<16xf32>
        %add3A_285 = arith.addf %mul3A_284, %get3A_18 : vector<16xf32>
        %swap3A = arith.constant 0 : i32
        %swap3A_286 = arith.index_cast %swap3A : i32 to index
        %swap3A_287 = arith.index_cast %add3A_283 : i32 to index
        %swap3A_288 = arith.constant 64 : index
        %swap3A_289 = tpu.vector_load %arg11[%swap3A_286, %swap3A_287, %swap3A_288] {strides = array<i32>} : memref<2x256x128xf32, #tpu.memory_space<vmem>>, vector<1x1x16xf32>,
        %swap3A_290 = vector.shape_cast %swap3A_289 : vector<1x1x16xf32> to vector<16xf32>
        %swap3A_291 = vector.shape_cast %add3A_285 : vector<16xf32> to vector<1x1x16xf32>
        tpu.vector_store %arg11[%swap3A_286, %swap3A_287, %swap3A_288], %swap3A_291 {strides = array<i32>} : memref<2x256x128xf32, #tpu.memory_space<vmem>>, vector<1x1x16xf32>,
        %mul3A_292 = arith.mulf %broadcast_in_dim3A_279, %get3A_9 : vector<16xf32>
        %add3A_293 = arith.addf %mul3A_292, %get3A_21 : vector<16xf32>
        %swap3A_294 = arith.constant 0 : i32
        %swap3A_295 = arith.index_cast %swap3A_294 : i32 to index
        %swap3A_296 = arith.index_cast %add3A_283 : i32 to index
        %swap3A_297 = arith.constant 80 : index
        %swap3A_298 = tpu.vector_load %arg11[%swap3A_295, %swap3A_296, %swap3A_297] {strides = array<i32>} : memref<2x256x128xf32, #tpu.memory_space<vmem>>, vector<1x1x16xf32>,
        %swap3A_299 = vector.shape_cast %swap3A_298 : vector<1x1x16xf32> to vector<16xf32>
        %swap3A_300 = vector.shape_cast %add3A_293 : vector<16xf32> to vector<1x1x16xf32>
        tpu.vector_store %arg11[%swap3A_295, %swap3A_296, %swap3A_297], %swap3A_300 {strides = array<i32>} : memref<2x256x128xf32, #tpu.memory_space<vmem>>, vector<1x1x16xf32>,
        %mul3A_301 = arith.mulf %broadcast_in_dim3A_279, %get3A_12 : vector<16xf32>
        %add3A_302 = arith.addf %mul3A_301, %get3A_24 : vector<16xf32>
        %swap3A_303 = arith.constant 0 : i32
        %swap3A_304 = arith.index_cast %swap3A_303 : i32 to index
        %swap3A_305 = arith.index_cast %add3A_283 : i32 to index
        %swap3A_306 = arith.constant 96 : index
        %swap3A_307 = tpu.vector_load %arg11[%swap3A_304, %swap3A_305, %swap3A_306] {strides = array<i32>} : memref<2x256x128xf32, #tpu.memory_space<vmem>>, vector<1x1x16xf32>,
        %swap3A_308 = vector.shape_cast %swap3A_307 : vector<1x1x16xf32> to vector<16xf32>
        %swap3A_309 = vector.shape_cast %add3A_302 : vector<16xf32> to vector<1x1x16xf32>
        tpu.vector_store %arg11[%swap3A_304, %swap3A_305, %swap3A_306], %swap3A_309 {strides = array<i32>} : memref<2x256x128xf32, #tpu.memory_space<vmem>>, vector<1x1x16xf32>,
        %mul3A_310 = arith.mulf %broadcast_in_dim3A_279, %select_n3A : vector<16xf32>
        %add3A_311 = arith.addf %mul3A_310, %select_n3A_30 : vector<16xf32>
        %swap3A_312 = arith.constant 0 : i32
        %swap3A_313 = arith.index_cast %swap3A_312 : i32 to index
        %swap3A_314 = arith.index_cast %add3A_283 : i32 to index
        %swap3A_315 = arith.constant 112 : index
        %swap3A_316 = tpu.vector_load %arg11[%swap3A_313, %swap3A_314, %swap3A_315] {strides = array<i32>} : memref<2x256x128xf32, #tpu.memory_space<vmem>>, vector<1x1x16xf32>,
        %swap3A_317 = vector.shape_cast %swap3A_316 : vector<1x1x16xf32> to vector<16xf32>
        %swap3A_318 = vector.shape_cast %add3A_311 : vector<16xf32> to vector<1x1x16xf32>
        tpu.vector_store %arg11[%swap3A_313, %swap3A_314, %swap3A_315], %swap3A_318 {strides = array<i32>} : memref<2x256x128xf32, #tpu.memory_space<vmem>>, vector<1x1x16xf32>,
        %slice3A_319 = vector.extract_strided_slice %get3A_278 {offsets = [1], sizes = [1], strides = [1]} : vector<16xf32> to vector<1xf32>
        %squeeze3A_320 = vector.extract %slice3A_319[0] : f32 from vector<1xf32>
        %broadcast_in_dim3A_321 = vector.broadcast %squeeze3A_320 : f32 to vector<16xf32>
        %mul3A_322 = arith.constant 16 : i32
        %mul3A_323 = arith.muli %scan3A_271, %mul3A_322 : i32
        %add3A_324 = arith.constant 1 : i32
        %add3A_325 = arith.addi %mul3A_323, %add3A_324 : i32
        %mul3A_326 = arith.mulf %broadcast_in_dim3A_321, %get3A_6 : vector<16xf32>
        %add3A_327 = arith.addf %mul3A_326, %get3A_18 : vector<16xf32>
        %swap3A_328 = arith.constant 0 : i32
        %swap3A_329 = arith.index_cast %swap3A_328 : i32 to index
        %swap3A_330 = arith.index_cast %add3A_325 : i32 to index
        %swap3A_331 = arith.constant 64 : index
        %swap3A_332 = tpu.vector_load %arg11[%swap3A_329, %swap3A_330, %swap3A_331] {strides = array<i32>} : memref<2x256x128xf32, #tpu.memory_space<vmem>>, vector<1x1x16xf32>,
        %swap3A_333 = vector.shape_cast %swap3A_332 : vector<1x1x16xf32> to vector<16xf32>
        %swap3A_334 = vector.shape_cast %add3A_327 : vector<16xf32> to vector<1x1x16xf32>
        tpu.vector_store %arg11[%swap3A_329, %swap3A_330, %swap3A_331], %swap3A_334 {strides = array<i32>} : memref<2x256x128xf32, #tpu.memory_space<vmem>>, vector<1x1x16xf32>,
        %mul3A_335 = arith.mulf %broadcast_in_dim3A_321, %get3A_9 : vector<16xf32>
        %add3A_336 = arith.addf %mul3A_335, %get3A_21 : vector<16xf32>
        %swap3A_337 = arith.constant 0 : i32
        %swap3A_338 = arith.index_cast %swap3A_337 : i32 to index
        %swap3A_339 = arith.index_cast %add3A_325 : i32 to index
        %swap3A_340 = arith.constant 80 : index
        %swap3A_341 = tpu.vector_load %arg11[%swap3A_338, %swap3A_339, %swap3A_340] {strides = array<i32>} : memref<2x256x128xf32, #tpu.memory_space<vmem>>, vector<1x1x16xf32>,
        %swap3A_342 = vector.shape_cast %swap3A_341 : vector<1x1x16xf32> to vector<16xf32>
        %swap3A_343 = vector.shape_cast %add3A_336 : vector<16xf32> to vector<1x1x16xf32>
        tpu.vector_store %arg11[%swap3A_338, %swap3A_339, %swap3A_340], %swap3A_343 {strides = array<i32>} : memref<2x256x128xf32, #tpu.memory_space<vmem>>, vector<1x1x16xf32>,
        %mul3A_344 = arith.mulf %broadcast_in_dim3A_321, %get3A_12 : vector<16xf32>
        %add3A_345 = arith.addf %mul3A_344, %get3A_24 : vector<16xf32>
        %swap3A_346 = arith.constant 0 : i32
        %swap3A_347 = arith.index_cast %swap3A_346 : i32 to index
        %swap3A_348 = arith.index_cast %add3A_325 : i32 to index
        %swap3A_349 = arith.constant 96 : index
        %swap3A_350 = tpu.vector_load %arg11[%swap3A_347, %swap3A_348, %swap3A_349] {strides = array<i32>} : memref<2x256x128xf32, #tpu.memory_space<vmem>>, vector<1x1x16xf32>,
        %swap3A_351 = vector.shape_cast %swap3A_350 : vector<1x1x16xf32> to vector<16xf32>
        %swap3A_352 = vector.shape_cast %add3A_345 : vector<16xf32> to vector<1x1x16xf32>
        tpu.vector_store %arg11[%swap3A_347, %swap3A_348, %swap3A_349], %swap3A_352 {strides = array<i32>} : memref<2x256x128xf32, #tpu.memory_space<vmem>>, vector<1x1x16xf32>,
        %mul3A_353 = arith.mulf %broadcast_in_dim3A_321, %select_n3A : vector<16xf32>
        %add3A_354 = arith.addf %mul3A_353, %select_n3A_30 : vector<16xf32>
        %swap3A_355 = arith.constant 0 : i32
        %swap3A_356 = arith.index_cast %swap3A_355 : i32 to index
        %swap3A_357 = arith.index_cast %add3A_325 : i32 to index
        %swap3A_358 = arith.constant 112 : index
        %swap3A_359 = tpu.vector_load %arg11[%swap3A_356, %swap3A_357, %swap3A_358] {strides = array<i32>} : memref<2x256x128xf32, #tpu.memory_space<vmem>>, vector<1x1x16xf32>,
        %swap3A_360 = vector.shape_cast %swap3A_359 : vector<1x1x16xf32> to vector<16xf32>
        %swap3A_361 = vector.shape_cast %add3A_354 : vector<16xf32> to vector<1x1x16xf32>
        tpu.vector_store %arg11[%swap3A_356, %swap3A_357, %swap3A_358], %swap3A_361 {strides = array<i32>} : memref<2x256x128xf32, #tpu.memory_space<vmem>>, vector<1x1x16xf32>,
        %slice3A_362 = vector.extract_strided_slice %get3A_278 {offsets = [2], sizes = [1], strides = [1]} : vector<16xf32> to vector<1xf32>
        %squeeze3A_363 = vector.extract %slice3A_362[0] : f32 from vector<1xf32>
        %broadcast_in_dim3A_364 = vector.broadcast %squeeze3A_363 : f32 to vector<16xf32>
        %mul3A_365 = arith.constant 16 : i32
        %mul3A_366 = arith.muli %scan3A_271, %mul3A_365 : i32
        %add3A_367 = arith.constant 2 : i32
        %add3A_368 = arith.addi %mul3A_366, %add3A_367 : i32
        %mul3A_369 = arith.mulf %broadcast_in_dim3A_364, %get3A_6 : vector<16xf32>
        %add3A_370 = arith.addf %mul3A_369, %get3A_18 : vector<16xf32>
        %swap3A_371 = arith.constant 0 : i32
        %swap3A_372 = arith.index_cast %swap3A_371 : i32 to index
        %swap3A_373 = arith.index_cast %add3A_368 : i32 to index
        %swap3A_374 = arith.constant 64 : index
        %swap3A_375 = tpu.vector_load %arg11[%swap3A_372, %swap3A_373, %swap3A_374] {strides = array<i32>} : memref<2x256x128xf32, #tpu.memory_space<vmem>>, vector<1x1x16xf32>,
        %swap3A_376 = vector.shape_cast %swap3A_375 : vector<1x1x16xf32> to vector<16xf32>
        %swap3A_377 = vector.shape_cast %add3A_370 : vector<16xf32> to vector<1x1x16xf32>
        tpu.vector_store %arg11[%swap3A_372, %swap3A_373, %swap3A_374], %swap3A_377 {strides = array<i32>} : memref<2x256x128xf32, #tpu.memory_space<vmem>>, vector<1x1x16xf32>,
        %mul3A_378 = arith.mulf %broadcast_in_dim3A_364, %get3A_9 : vector<16xf32>
        %add3A_379 = arith.addf %mul3A_378, %get3A_21 : vector<16xf32>
        %swap3A_380 = arith.constant 0 : i32
        %swap3A_381 = arith.index_cast %swap3A_380 : i32 to index
        %swap3A_382 = arith.index_cast %add3A_368 : i32 to index
        %swap3A_383 = arith.constant 80 : index
        %swap3A_384 = tpu.vector_load %arg11[%swap3A_381, %swap3A_382, %swap3A_383] {strides = array<i32>} : memref<2x256x128xf32, #tpu.memory_space<vmem>>, vector<1x1x16xf32>,
        %swap3A_385 = vector.shape_cast %swap3A_384 : vector<1x1x16xf32> to vector<16xf32>
        %swap3A_386 = vector.shape_cast %add3A_379 : vector<16xf32> to vector<1x1x16xf32>
        tpu.vector_store %arg11[%swap3A_381, %swap3A_382, %swap3A_383], %swap3A_386 {strides = array<i32>} : memref<2x256x128xf32, #tpu.memory_space<vmem>>, vector<1x1x16xf32>,
        %mul3A_387 = arith.mulf %broadcast_in_dim3A_364, %get3A_12 : vector<16xf32>
        %add3A_388 = arith.addf %mul3A_387, %get3A_24 : vector<16xf32>
        %swap3A_389 = arith.constant 0 : i32
        %swap3A_390 = arith.index_cast %swap3A_389 : i32 to index
        %swap3A_391 = arith.index_cast %add3A_368 : i32 to index
        %swap3A_392 = arith.constant 96 : index
        %swap3A_393 = tpu.vector_load %arg11[%swap3A_390, %swap3A_391, %swap3A_392] {strides = array<i32>} : memref<2x256x128xf32, #tpu.memory_space<vmem>>, vector<1x1x16xf32>,
        %swap3A_394 = vector.shape_cast %swap3A_393 : vector<1x1x16xf32> to vector<16xf32>
        %swap3A_395 = vector.shape_cast %add3A_388 : vector<16xf32> to vector<1x1x16xf32>
        tpu.vector_store %arg11[%swap3A_390, %swap3A_391, %swap3A_392], %swap3A_395 {strides = array<i32>} : memref<2x256x128xf32, #tpu.memory_space<vmem>>, vector<1x1x16xf32>,
        %mul3A_396 = arith.mulf %broadcast_in_dim3A_364, %select_n3A : vector<16xf32>
        %add3A_397 = arith.addf %mul3A_396, %select_n3A_30 : vector<16xf32>
        %swap3A_398 = arith.constant 0 : i32
        %swap3A_399 = arith.index_cast %swap3A_398 : i32 to index
        %swap3A_400 = arith.index_cast %add3A_368 : i32 to index
        %swap3A_401 = arith.constant 112 : index
        %swap3A_402 = tpu.vector_load %arg11[%swap3A_399, %swap3A_400, %swap3A_401] {strides = array<i32>} : memref<2x256x128xf32, #tpu.memory_space<vmem>>, vector<1x1x16xf32>,
        %swap3A_403 = vector.shape_cast %swap3A_402 : vector<1x1x16xf32> to vector<16xf32>
        %swap3A_404 = vector.shape_cast %add3A_397 : vector<16xf32> to vector<1x1x16xf32>
        tpu.vector_store %arg11[%swap3A_399, %swap3A_400, %swap3A_401], %swap3A_404 {strides = array<i32>} : memref<2x256x128xf32, #tpu.memory_space<vmem>>, vector<1x1x16xf32>,
        %slice3A_405 = vector.extract_strided_slice %get3A_278 {offsets = [3], sizes = [1], strides = [1]} : vector<16xf32> to vector<1xf32>
        %squeeze3A_406 = vector.extract %slice3A_405[0] : f32 from vector<1xf32>
        %broadcast_in_dim3A_407 = vector.broadcast %squeeze3A_406 : f32 to vector<16xf32>
        %mul3A_408 = arith.constant 16 : i32
        %mul3A_409 = arith.muli %scan3A_271, %mul3A_408 : i32
        %add3A_410 = arith.constant 3 : i32
        %add3A_411 = arith.addi %mul3A_409, %add3A_410 : i32
        %mul3A_412 = arith.mulf %broadcast_in_dim3A_407, %get3A_6 : vector<16xf32>
        %add3A_413 = arith.addf %mul3A_412, %get3A_18 : vector<16xf32>
        %swap3A_414 = arith.constant 0 : i32
        %swap3A_415 = arith.index_cast %swap3A_414 : i32 to index
        %swap3A_416 = arith.index_cast %add3A_411 : i32 to index
        %swap3A_417 = arith.constant 64 : index
        %swap3A_418 = tpu.vector_load %arg11[%swap3A_415, %swap3A_416, %swap3A_417] {strides = array<i32>} : memref<2x256x128xf32, #tpu.memory_space<vmem>>, vector<1x1x16xf32>,
        %swap3A_419 = vector.shape_cast %swap3A_418 : vector<1x1x16xf32> to vector<16xf32>
        %swap3A_420 = vector.shape_cast %add3A_413 : vector<16xf32> to vector<1x1x16xf32>
        tpu.vector_store %arg11[%swap3A_415, %swap3A_416, %swap3A_417], %swap3A_420 {strides = array<i32>} : memref<2x256x128xf32, #tpu.memory_space<vmem>>, vector<1x1x16xf32>,
        %mul3A_421 = arith.mulf %broadcast_in_dim3A_407, %get3A_9 : vector<16xf32>
        %add3A_422 = arith.addf %mul3A_421, %get3A_21 : vector<16xf32>
        %swap3A_423 = arith.constant 0 : i32
        %swap3A_424 = arith.index_cast %swap3A_423 : i32 to index
        %swap3A_425 = arith.index_cast %add3A_411 : i32 to index
        %swap3A_426 = arith.constant 80 : index
        %swap3A_427 = tpu.vector_load %arg11[%swap3A_424, %swap3A_425, %swap3A_426] {strides = array<i32>} : memref<2x256x128xf32, #tpu.memory_space<vmem>>, vector<1x1x16xf32>,
        %swap3A_428 = vector.shape_cast %swap3A_427 : vector<1x1x16xf32> to vector<16xf32>
        %swap3A_429 = vector.shape_cast %add3A_422 : vector<16xf32> to vector<1x1x16xf32>
        tpu.vector_store %arg11[%swap3A_424, %swap3A_425, %swap3A_426], %swap3A_429 {strides = array<i32>} : memref<2x256x128xf32, #tpu.memory_space<vmem>>, vector<1x1x16xf32>,
        %mul3A_430 = arith.mulf %broadcast_in_dim3A_407, %get3A_12 : vector<16xf32>
        %add3A_431 = arith.addf %mul3A_430, %get3A_24 : vector<16xf32>
        %swap3A_432 = arith.constant 0 : i32
        %swap3A_433 = arith.index_cast %swap3A_432 : i32 to index
        %swap3A_434 = arith.index_cast %add3A_411 : i32 to index
        %swap3A_435 = arith.constant 96 : index
        %swap3A_436 = tpu.vector_load %arg11[%swap3A_433, %swap3A_434, %swap3A_435] {strides = array<i32>} : memref<2x256x128xf32, #tpu.memory_space<vmem>>, vector<1x1x16xf32>,
        %swap3A_437 = vector.shape_cast %swap3A_436 : vector<1x1x16xf32> to vector<16xf32>
        %swap3A_438 = vector.shape_cast %add3A_431 : vector<16xf32> to vector<1x1x16xf32>
        tpu.vector_store %arg11[%swap3A_433, %swap3A_434, %swap3A_435], %swap3A_438 {strides = array<i32>} : memref<2x256x128xf32, #tpu.memory_space<vmem>>, vector<1x1x16xf32>,
        %mul3A_439 = arith.mulf %broadcast_in_dim3A_407, %select_n3A : vector<16xf32>
        %add3A_440 = arith.addf %mul3A_439, %select_n3A_30 : vector<16xf32>
        %swap3A_441 = arith.constant 0 : i32
        %swap3A_442 = arith.index_cast %swap3A_441 : i32 to index
        %swap3A_443 = arith.index_cast %add3A_411 : i32 to index
        %swap3A_444 = arith.constant 112 : index
        %swap3A_445 = tpu.vector_load %arg11[%swap3A_442, %swap3A_443, %swap3A_444] {strides = array<i32>} : memref<2x256x128xf32, #tpu.memory_space<vmem>>, vector<1x1x16xf32>,
        %swap3A_446 = vector.shape_cast %swap3A_445 : vector<1x1x16xf32> to vector<16xf32>
        %swap3A_447 = vector.shape_cast %add3A_440 : vector<16xf32> to vector<1x1x16xf32>
        tpu.vector_store %arg11[%swap3A_442, %swap3A_443, %swap3A_444], %swap3A_447 {strides = array<i32>} : memref<2x256x128xf32, #tpu.memory_space<vmem>>, vector<1x1x16xf32>,
        %slice3A_448 = vector.extract_strided_slice %get3A_278 {offsets = [4], sizes = [1], strides = [1]} : vector<16xf32> to vector<1xf32>
        %squeeze3A_449 = vector.extract %slice3A_448[0] : f32 from vector<1xf32>
        %broadcast_in_dim3A_450 = vector.broadcast %squeeze3A_449 : f32 to vector<16xf32>
        %mul3A_451 = arith.constant 16 : i32
        %mul3A_452 = arith.muli %scan3A_271, %mul3A_451 : i32
        %add3A_453 = arith.constant 4 : i32
        %add3A_454 = arith.addi %mul3A_452, %add3A_453 : i32
        %mul3A_455 = arith.mulf %broadcast_in_dim3A_450, %get3A_6 : vector<16xf32>
        %add3A_456 = arith.addf %mul3A_455, %get3A_18 : vector<16xf32>
        %swap3A_457 = arith.constant 0 : i32
        %swap3A_458 = arith.index_cast %swap3A_457 : i32 to index
        %swap3A_459 = arith.index_cast %add3A_454 : i32 to index
        %swap3A_460 = arith.constant 64 : index
        %swap3A_461 = tpu.vector_load %arg11[%swap3A_458, %swap3A_459, %swap3A_460] {strides = array<i32>} : memref<2x256x128xf32, #tpu.memory_space<vmem>>, vector<1x1x16xf32>,
        %swap3A_462 = vector.shape_cast %swap3A_461 : vector<1x1x16xf32> to vector<16xf32>
        %swap3A_463 = vector.shape_cast %add3A_456 : vector<16xf32> to vector<1x1x16xf32>
        tpu.vector_store %arg11[%swap3A_458, %swap3A_459, %swap3A_460], %swap3A_463 {strides = array<i32>} : memref<2x256x128xf32, #tpu.memory_space<vmem>>, vector<1x1x16xf32>,
        %mul3A_464 = arith.mulf %broadcast_in_dim3A_450, %get3A_9 : vector<16xf32>
        %add3A_465 = arith.addf %mul3A_464, %get3A_21 : vector<16xf32>
        %swap3A_466 = arith.constant 0 : i32
        %swap3A_467 = arith.index_cast %swap3A_466 : i32 to index
        %swap3A_468 = arith.index_cast %add3A_454 : i32 to index
        %swap3A_469 = arith.constant 80 : index
        %swap3A_470 = tpu.vector_load %arg11[%swap3A_467, %swap3A_468, %swap3A_469] {strides = array<i32>} : memref<2x256x128xf32, #tpu.memory_space<vmem>>, vector<1x1x16xf32>,
        %swap3A_471 = vector.shape_cast %swap3A_470 : vector<1x1x16xf32> to vector<16xf32>
        %swap3A_472 = vector.shape_cast %add3A_465 : vector<16xf32> to vector<1x1x16xf32>
        tpu.vector_store %arg11[%swap3A_467, %swap3A_468, %swap3A_469], %swap3A_472 {strides = array<i32>} : memref<2x256x128xf32, #tpu.memory_space<vmem>>, vector<1x1x16xf32>,
        %mul3A_473 = arith.mulf %broadcast_in_dim3A_450, %get3A_12 : vector<16xf32>
        %add3A_474 = arith.addf %mul3A_473, %get3A_24 : vector<16xf32>
        %swap3A_475 = arith.constant 0 : i32
        %swap3A_476 = arith.index_cast %swap3A_475 : i32 to index
        %swap3A_477 = arith.index_cast %add3A_454 : i32 to index
        %swap3A_478 = arith.constant 96 : index
        %swap3A_479 = tpu.vector_load %arg11[%swap3A_476, %swap3A_477, %swap3A_478] {strides = array<i32>} : memref<2x256x128xf32, #tpu.memory_space<vmem>>, vector<1x1x16xf32>,
        %swap3A_480 = vector.shape_cast %swap3A_479 : vector<1x1x16xf32> to vector<16xf32>
        %swap3A_481 = vector.shape_cast %add3A_474 : vector<16xf32> to vector<1x1x16xf32>
        tpu.vector_store %arg11[%swap3A_476, %swap3A_477, %swap3A_478], %swap3A_481 {strides = array<i32>} : memref<2x256x128xf32, #tpu.memory_space<vmem>>, vector<1x1x16xf32>,
        %mul3A_482 = arith.mulf %broadcast_in_dim3A_450, %select_n3A : vector<16xf32>
        %add3A_483 = arith.addf %mul3A_482, %select_n3A_30 : vector<16xf32>
        %swap3A_484 = arith.constant 0 : i32
        %swap3A_485 = arith.index_cast %swap3A_484 : i32 to index
        %swap3A_486 = arith.index_cast %add3A_454 : i32 to index
        %swap3A_487 = arith.constant 112 : index
        %swap3A_488 = tpu.vector_load %arg11[%swap3A_485, %swap3A_486, %swap3A_487] {strides = array<i32>} : memref<2x256x128xf32, #tpu.memory_space<vmem>>, vector<1x1x16xf32>,
        %swap3A_489 = vector.shape_cast %swap3A_488 : vector<1x1x16xf32> to vector<16xf32>
        %swap3A_490 = vector.shape_cast %add3A_483 : vector<16xf32> to vector<1x1x16xf32>
        tpu.vector_store %arg11[%swap3A_485, %swap3A_486, %swap3A_487], %swap3A_490 {strides = array<i32>} : memref<2x256x128xf32, #tpu.memory_space<vmem>>, vector<1x1x16xf32>,
        %slice3A_491 = vector.extract_strided_slice %get3A_278 {offsets = [5], sizes = [1], strides = [1]} : vector<16xf32> to vector<1xf32>
        %squeeze3A_492 = vector.extract %slice3A_491[0] : f32 from vector<1xf32>
        %broadcast_in_dim3A_493 = vector.broadcast %squeeze3A_492 : f32 to vector<16xf32>
        %mul3A_494 = arith.constant 16 : i32
        %mul3A_495 = arith.muli %scan3A_271, %mul3A_494 : i32
        %add3A_496 = arith.constant 5 : i32
        %add3A_497 = arith.addi %mul3A_495, %add3A_496 : i32
        %mul3A_498 = arith.mulf %broadcast_in_dim3A_493, %get3A_6 : vector<16xf32>
        %add3A_499 = arith.addf %mul3A_498, %get3A_18 : vector<16xf32>
        %swap3A_500 = arith.constant 0 : i32
        %swap3A_501 = arith.index_cast %swap3A_500 : i32 to index
        %swap3A_502 = arith.index_cast %add3A_497 : i32 to index
        %swap3A_503 = arith.constant 64 : index
        %swap3A_504 = tpu.vector_load %arg11[%swap3A_501, %swap3A_502, %swap3A_503] {strides = array<i32>} : memref<2x256x128xf32, #tpu.memory_space<vmem>>, vector<1x1x16xf32>,
        %swap3A_505 = vector.shape_cast %swap3A_504 : vector<1x1x16xf32> to vector<16xf32>
        %swap3A_506 = vector.shape_cast %add3A_499 : vector<16xf32> to vector<1x1x16xf32>
        tpu.vector_store %arg11[%swap3A_501, %swap3A_502, %swap3A_503], %swap3A_506 {strides = array<i32>} : memref<2x256x128xf32, #tpu.memory_space<vmem>>, vector<1x1x16xf32>,
        %mul3A_507 = arith.mulf %broadcast_in_dim3A_493, %get3A_9 : vector<16xf32>
        %add3A_508 = arith.addf %mul3A_507, %get3A_21 : vector<16xf32>
        %swap3A_509 = arith.constant 0 : i32
        %swap3A_510 = arith.index_cast %swap3A_509 : i32 to index
        %swap3A_511 = arith.index_cast %add3A_497 : i32 to index
        %swap3A_512 = arith.constant 80 : index
        %swap3A_513 = tpu.vector_load %arg11[%swap3A_510, %swap3A_511, %swap3A_512] {strides = array<i32>} : memref<2x256x128xf32, #tpu.memory_space<vmem>>, vector<1x1x16xf32>,
        %swap3A_514 = vector.shape_cast %swap3A_513 : vector<1x1x16xf32> to vector<16xf32>
        %swap3A_515 = vector.shape_cast %add3A_508 : vector<16xf32> to vector<1x1x16xf32>
        tpu.vector_store %arg11[%swap3A_510, %swap3A_511, %swap3A_512], %swap3A_515 {strides = array<i32>} : memref<2x256x128xf32, #tpu.memory_space<vmem>>, vector<1x1x16xf32>,
        %mul3A_516 = arith.mulf %broadcast_in_dim3A_493, %get3A_12 : vector<16xf32>
        %add3A_517 = arith.addf %mul3A_516, %get3A_24 : vector<16xf32>
        %swap3A_518 = arith.constant 0 : i32
        %swap3A_519 = arith.index_cast %swap3A_518 : i32 to index
        %swap3A_520 = arith.index_cast %add3A_497 : i32 to index
        %swap3A_521 = arith.constant 96 : index
        %swap3A_522 = tpu.vector_load %arg11[%swap3A_519, %swap3A_520, %swap3A_521] {strides = array<i32>} : memref<2x256x128xf32, #tpu.memory_space<vmem>>, vector<1x1x16xf32>,
        %swap3A_523 = vector.shape_cast %swap3A_522 : vector<1x1x16xf32> to vector<16xf32>
        %swap3A_524 = vector.shape_cast %add3A_517 : vector<16xf32> to vector<1x1x16xf32>
        tpu.vector_store %arg11[%swap3A_519, %swap3A_520, %swap3A_521], %swap3A_524 {strides = array<i32>} : memref<2x256x128xf32, #tpu.memory_space<vmem>>, vector<1x1x16xf32>,
        %mul3A_525 = arith.mulf %broadcast_in_dim3A_493, %select_n3A : vector<16xf32>
        %add3A_526 = arith.addf %mul3A_525, %select_n3A_30 : vector<16xf32>
        %swap3A_527 = arith.constant 0 : i32
        %swap3A_528 = arith.index_cast %swap3A_527 : i32 to index
        %swap3A_529 = arith.index_cast %add3A_497 : i32 to index
        %swap3A_530 = arith.constant 112 : index
        %swap3A_531 = tpu.vector_load %arg11[%swap3A_528, %swap3A_529, %swap3A_530] {strides = array<i32>} : memref<2x256x128xf32, #tpu.memory_space<vmem>>, vector<1x1x16xf32>,
        %swap3A_532 = vector.shape_cast %swap3A_531 : vector<1x1x16xf32> to vector<16xf32>
        %swap3A_533 = vector.shape_cast %add3A_526 : vector<16xf32> to vector<1x1x16xf32>
        tpu.vector_store %arg11[%swap3A_528, %swap3A_529, %swap3A_530], %swap3A_533 {strides = array<i32>} : memref<2x256x128xf32, #tpu.memory_space<vmem>>, vector<1x1x16xf32>,
        %slice3A_534 = vector.extract_strided_slice %get3A_278 {offsets = [6], sizes = [1], strides = [1]} : vector<16xf32> to vector<1xf32>
        %squeeze3A_535 = vector.extract %slice3A_534[0] : f32 from vector<1xf32>
        %broadcast_in_dim3A_536 = vector.broadcast %squeeze3A_535 : f32 to vector<16xf32>
        %mul3A_537 = arith.constant 16 : i32
        %mul3A_538 = arith.muli %scan3A_271, %mul3A_537 : i32
        %add3A_539 = arith.constant 6 : i32
        %add3A_540 = arith.addi %mul3A_538, %add3A_539 : i32
        %mul3A_541 = arith.mulf %broadcast_in_dim3A_536, %get3A_6 : vector<16xf32>
        %add3A_542 = arith.addf %mul3A_541, %get3A_18 : vector<16xf32>
        %swap3A_543 = arith.constant 0 : i32
        %swap3A_544 = arith.index_cast %swap3A_543 : i32 to index
        %swap3A_545 = arith.index_cast %add3A_540 : i32 to index
        %swap3A_546 = arith.constant 64 : index
        %swap3A_547 = tpu.vector_load %arg11[%swap3A_544, %swap3A_545, %swap3A_546] {strides = array<i32>} : memref<2x256x128xf32, #tpu.memory_space<vmem>>, vector<1x1x16xf32>,
        %swap3A_548 = vector.shape_cast %swap3A_547 : vector<1x1x16xf32> to vector<16xf32>
        %swap3A_549 = vector.shape_cast %add3A_542 : vector<16xf32> to vector<1x1x16xf32>
        tpu.vector_store %arg11[%swap3A_544, %swap3A_545, %swap3A_546], %swap3A_549 {strides = array<i32>} : memref<2x256x128xf32, #tpu.memory_space<vmem>>, vector<1x1x16xf32>,
        %mul3A_550 = arith.mulf %broadcast_in_dim3A_536, %get3A_9 : vector<16xf32>
        %add3A_551 = arith.addf %mul3A_550, %get3A_21 : vector<16xf32>
        %swap3A_552 = arith.constant 0 : i32
        %swap3A_553 = arith.index_cast %swap3A_552 : i32 to index
        %swap3A_554 = arith.index_cast %add3A_540 : i32 to index
        %swap3A_555 = arith.constant 80 : index
        %swap3A_556 = tpu.vector_load %arg11[%swap3A_553, %swap3A_554, %swap3A_555] {strides = array<i32>} : memref<2x256x128xf32, #tpu.memory_space<vmem>>, vector<1x1x16xf32>,
        %swap3A_557 = vector.shape_cast %swap3A_556 : vector<1x1x16xf32> to vector<16xf32>
        %swap3A_558 = vector.shape_cast %add3A_551 : vector<16xf32> to vector<1x1x16xf32>
        tpu.vector_store %arg11[%swap3A_553, %swap3A_554, %swap3A_555], %swap3A_558 {strides = array<i32>} : memref<2x256x128xf32, #tpu.memory_space<vmem>>, vector<1x1x16xf32>,
        %mul3A_559 = arith.mulf %broadcast_in_dim3A_536, %get3A_12 : vector<16xf32>
        %add3A_560 = arith.addf %mul3A_559, %get3A_24 : vector<16xf32>
        %swap3A_561 = arith.constant 0 : i32
        %swap3A_562 = arith.index_cast %swap3A_561 : i32 to index
        %swap3A_563 = arith.index_cast %add3A_540 : i32 to index
        %swap3A_564 = arith.constant 96 : index
        %swap3A_565 = tpu.vector_load %arg11[%swap3A_562, %swap3A_563, %swap3A_564] {strides = array<i32>} : memref<2x256x128xf32, #tpu.memory_space<vmem>>, vector<1x1x16xf32>,
        %swap3A_566 = vector.shape_cast %swap3A_565 : vector<1x1x16xf32> to vector<16xf32>
        %swap3A_567 = vector.shape_cast %add3A_560 : vector<16xf32> to vector<1x1x16xf32>
        tpu.vector_store %arg11[%swap3A_562, %swap3A_563, %swap3A_564], %swap3A_567 {strides = array<i32>} : memref<2x256x128xf32, #tpu.memory_space<vmem>>, vector<1x1x16xf32>,
        %mul3A_568 = arith.mulf %broadcast_in_dim3A_536, %select_n3A : vector<16xf32>
        %add3A_569 = arith.addf %mul3A_568, %select_n3A_30 : vector<16xf32>
        %swap3A_570 = arith.constant 0 : i32
        %swap3A_571 = arith.index_cast %swap3A_570 : i32 to index
        %swap3A_572 = arith.index_cast %add3A_540 : i32 to index
        %swap3A_573 = arith.constant 112 : index
        %swap3A_574 = tpu.vector_load %arg11[%swap3A_571, %swap3A_572, %swap3A_573] {strides = array<i32>} : memref<2x256x128xf32, #tpu.memory_space<vmem>>, vector<1x1x16xf32>,
        %swap3A_575 = vector.shape_cast %swap3A_574 : vector<1x1x16xf32> to vector<16xf32>
        %swap3A_576 = vector.shape_cast %add3A_569 : vector<16xf32> to vector<1x1x16xf32>
        tpu.vector_store %arg11[%swap3A_571, %swap3A_572, %swap3A_573], %swap3A_576 {strides = array<i32>} : memref<2x256x128xf32, #tpu.memory_space<vmem>>, vector<1x1x16xf32>,
        %slice3A_577 = vector.extract_strided_slice %get3A_278 {offsets = [7], sizes = [1], strides = [1]} : vector<16xf32> to vector<1xf32>
        %squeeze3A_578 = vector.extract %slice3A_577[0] : f32 from vector<1xf32>
        %broadcast_in_dim3A_579 = vector.broadcast %squeeze3A_578 : f32 to vector<16xf32>
        %mul3A_580 = arith.constant 16 : i32
        %mul3A_581 = arith.muli %scan3A_271, %mul3A_580 : i32
        %add3A_582 = arith.constant 7 : i32
        %add3A_583 = arith.addi %mul3A_581, %add3A_582 : i32
        %mul3A_584 = arith.mulf %broadcast_in_dim3A_579, %get3A_6 : vector<16xf32>
        %add3A_585 = arith.addf %mul3A_584, %get3A_18 : vector<16xf32>
        %swap3A_586 = arith.constant 0 : i32
        %swap3A_587 = arith.index_cast %swap3A_586 : i32 to index
        %swap3A_588 = arith.index_cast %add3A_583 : i32 to index
        %swap3A_589 = arith.constant 64 : index
        %swap3A_590 = tpu.vector_load %arg11[%swap3A_587, %swap3A_588, %swap3A_589] {strides = array<i32>} : memref<2x256x128xf32, #tpu.memory_space<vmem>>, vector<1x1x16xf32>,
        %swap3A_591 = vector.shape_cast %swap3A_590 : vector<1x1x16xf32> to vector<16xf32>
        %swap3A_592 = vector.shape_cast %add3A_585 : vector<16xf32> to vector<1x1x16xf32>
        tpu.vector_store %arg11[%swap3A_587, %swap3A_588, %swap3A_589], %swap3A_592 {strides = array<i32>} : memref<2x256x128xf32, #tpu.memory_space<vmem>>, vector<1x1x16xf32>,
        %mul3A_593 = arith.mulf %broadcast_in_dim3A_579, %get3A_9 : vector<16xf32>
        %add3A_594 = arith.addf %mul3A_593, %get3A_21 : vector<16xf32>
        %swap3A_595 = arith.constant 0 : i32
        %swap3A_596 = arith.index_cast %swap3A_595 : i32 to index
        %swap3A_597 = arith.index_cast %add3A_583 : i32 to index
        %swap3A_598 = arith.constant 80 : index
        %swap3A_599 = tpu.vector_load %arg11[%swap3A_596, %swap3A_597, %swap3A_598] {strides = array<i32>} : memref<2x256x128xf32, #tpu.memory_space<vmem>>, vector<1x1x16xf32>,
        %swap3A_600 = vector.shape_cast %swap3A_599 : vector<1x1x16xf32> to vector<16xf32>
        %swap3A_601 = vector.shape_cast %add3A_594 : vector<16xf32> to vector<1x1x16xf32>
        tpu.vector_store %arg11[%swap3A_596, %swap3A_597, %swap3A_598], %swap3A_601 {strides = array<i32>} : memref<2x256x128xf32, #tpu.memory_space<vmem>>, vector<1x1x16xf32>,
        %mul3A_602 = arith.mulf %broadcast_in_dim3A_579, %get3A_12 : vector<16xf32>
        %add3A_603 = arith.addf %mul3A_602, %get3A_24 : vector<16xf32>
        %swap3A_604 = arith.constant 0 : i32
        %swap3A_605 = arith.index_cast %swap3A_604 : i32 to index
        %swap3A_606 = arith.index_cast %add3A_583 : i32 to index
        %swap3A_607 = arith.constant 96 : index
        %swap3A_608 = tpu.vector_load %arg11[%swap3A_605, %swap3A_606, %swap3A_607] {strides = array<i32>} : memref<2x256x128xf32, #tpu.memory_space<vmem>>, vector<1x1x16xf32>,
        %swap3A_609 = vector.shape_cast %swap3A_608 : vector<1x1x16xf32> to vector<16xf32>
        %swap3A_610 = vector.shape_cast %add3A_603 : vector<16xf32> to vector<1x1x16xf32>
        tpu.vector_store %arg11[%swap3A_605, %swap3A_606, %swap3A_607], %swap3A_610 {strides = array<i32>} : memref<2x256x128xf32, #tpu.memory_space<vmem>>, vector<1x1x16xf32>,
        %mul3A_611 = arith.mulf %broadcast_in_dim3A_579, %select_n3A : vector<16xf32>
        %add3A_612 = arith.addf %mul3A_611, %select_n3A_30 : vector<16xf32>
        %swap3A_613 = arith.constant 0 : i32
        %swap3A_614 = arith.index_cast %swap3A_613 : i32 to index
        %swap3A_615 = arith.index_cast %add3A_583 : i32 to index
        %swap3A_616 = arith.constant 112 : index
        %swap3A_617 = tpu.vector_load %arg11[%swap3A_614, %swap3A_615, %swap3A_616] {strides = array<i32>} : memref<2x256x128xf32, #tpu.memory_space<vmem>>, vector<1x1x16xf32>,
        %swap3A_618 = vector.shape_cast %swap3A_617 : vector<1x1x16xf32> to vector<16xf32>
        %swap3A_619 = vector.shape_cast %add3A_612 : vector<16xf32> to vector<1x1x16xf32>
        tpu.vector_store %arg11[%swap3A_614, %swap3A_615, %swap3A_616], %swap3A_619 {strides = array<i32>} : memref<2x256x128xf32, #tpu.memory_space<vmem>>, vector<1x1x16xf32>,
        %slice3A_620 = vector.extract_strided_slice %get3A_278 {offsets = [8], sizes = [1], strides = [1]} : vector<16xf32> to vector<1xf32>
        %squeeze3A_621 = vector.extract %slice3A_620[0] : f32 from vector<1xf32>
        %broadcast_in_dim3A_622 = vector.broadcast %squeeze3A_621 : f32 to vector<16xf32>
        %mul3A_623 = arith.constant 16 : i32
        %mul3A_624 = arith.muli %scan3A_271, %mul3A_623 : i32
        %add3A_625 = arith.constant 8 : i32
        %add3A_626 = arith.addi %mul3A_624, %add3A_625 : i32
        %mul3A_627 = arith.mulf %broadcast_in_dim3A_622, %get3A_6 : vector<16xf32>
        %add3A_628 = arith.addf %mul3A_627, %get3A_18 : vector<16xf32>
        %swap3A_629 = arith.constant 0 : i32
        %swap3A_630 = arith.index_cast %swap3A_629 : i32 to index
        %swap3A_631 = arith.index_cast %add3A_626 : i32 to index
        %swap3A_632 = arith.constant 64 : index
        %swap3A_633 = tpu.vector_load %arg11[%swap3A_630, %swap3A_631, %swap3A_632] {strides = array<i32>} : memref<2x256x128xf32, #tpu.memory_space<vmem>>, vector<1x1x16xf32>,
        %swap3A_634 = vector.shape_cast %swap3A_633 : vector<1x1x16xf32> to vector<16xf32>
        %swap3A_635 = vector.shape_cast %add3A_628 : vector<16xf32> to vector<1x1x16xf32>
        tpu.vector_store %arg11[%swap3A_630, %swap3A_631, %swap3A_632], %swap3A_635 {strides = array<i32>} : memref<2x256x128xf32, #tpu.memory_space<vmem>>, vector<1x1x16xf32>,
        %mul3A_636 = arith.mulf %broadcast_in_dim3A_622, %get3A_9 : vector<16xf32>
        %add3A_637 = arith.addf %mul3A_636, %get3A_21 : vector<16xf32>
        %swap3A_638 = arith.constant 0 : i32
        %swap3A_639 = arith.index_cast %swap3A_638 : i32 to index
        %swap3A_640 = arith.index_cast %add3A_626 : i32 to index
        %swap3A_641 = arith.constant 80 : index
        %swap3A_642 = tpu.vector_load %arg11[%swap3A_639, %swap3A_640, %swap3A_641] {strides = array<i32>} : memref<2x256x128xf32, #tpu.memory_space<vmem>>, vector<1x1x16xf32>,
        %swap3A_643 = vector.shape_cast %swap3A_642 : vector<1x1x16xf32> to vector<16xf32>
        %swap3A_644 = vector.shape_cast %add3A_637 : vector<16xf32> to vector<1x1x16xf32>
        tpu.vector_store %arg11[%swap3A_639, %swap3A_640, %swap3A_641], %swap3A_644 {strides = array<i32>} : memref<2x256x128xf32, #tpu.memory_space<vmem>>, vector<1x1x16xf32>,
        %mul3A_645 = arith.mulf %broadcast_in_dim3A_622, %get3A_12 : vector<16xf32>
        %add3A_646 = arith.addf %mul3A_645, %get3A_24 : vector<16xf32>
        %swap3A_647 = arith.constant 0 : i32
        %swap3A_648 = arith.index_cast %swap3A_647 : i32 to index
        %swap3A_649 = arith.index_cast %add3A_626 : i32 to index
        %swap3A_650 = arith.constant 96 : index
        %swap3A_651 = tpu.vector_load %arg11[%swap3A_648, %swap3A_649, %swap3A_650] {strides = array<i32>} : memref<2x256x128xf32, #tpu.memory_space<vmem>>, vector<1x1x16xf32>,
        %swap3A_652 = vector.shape_cast %swap3A_651 : vector<1x1x16xf32> to vector<16xf32>
        %swap3A_653 = vector.shape_cast %add3A_646 : vector<16xf32> to vector<1x1x16xf32>
        tpu.vector_store %arg11[%swap3A_648, %swap3A_649, %swap3A_650], %swap3A_653 {strides = array<i32>} : memref<2x256x128xf32, #tpu.memory_space<vmem>>, vector<1x1x16xf32>,
        %mul3A_654 = arith.mulf %broadcast_in_dim3A_622, %select_n3A : vector<16xf32>
        %add3A_655 = arith.addf %mul3A_654, %select_n3A_30 : vector<16xf32>
        %swap3A_656 = arith.constant 0 : i32
        %swap3A_657 = arith.index_cast %swap3A_656 : i32 to index
        %swap3A_658 = arith.index_cast %add3A_626 : i32 to index
        %swap3A_659 = arith.constant 112 : index
        %swap3A_660 = tpu.vector_load %arg11[%swap3A_657, %swap3A_658, %swap3A_659] {strides = array<i32>} : memref<2x256x128xf32, #tpu.memory_space<vmem>>, vector<1x1x16xf32>,
        %swap3A_661 = vector.shape_cast %swap3A_660 : vector<1x1x16xf32> to vector<16xf32>
        %swap3A_662 = vector.shape_cast %add3A_655 : vector<16xf32> to vector<1x1x16xf32>
        tpu.vector_store %arg11[%swap3A_657, %swap3A_658, %swap3A_659], %swap3A_662 {strides = array<i32>} : memref<2x256x128xf32, #tpu.memory_space<vmem>>, vector<1x1x16xf32>,
        %slice3A_663 = vector.extract_strided_slice %get3A_278 {offsets = [9], sizes = [1], strides = [1]} : vector<16xf32> to vector<1xf32>
        %squeeze3A_664 = vector.extract %slice3A_663[0] : f32 from vector<1xf32>
        %broadcast_in_dim3A_665 = vector.broadcast %squeeze3A_664 : f32 to vector<16xf32>
        %mul3A_666 = arith.constant 16 : i32
        %mul3A_667 = arith.muli %scan3A_271, %mul3A_666 : i32
        %add3A_668 = arith.constant 9 : i32
        %add3A_669 = arith.addi %mul3A_667, %add3A_668 : i32
        %mul3A_670 = arith.mulf %broadcast_in_dim3A_665, %get3A_6 : vector<16xf32>
        %add3A_671 = arith.addf %mul3A_670, %get3A_18 : vector<16xf32>
        %swap3A_672 = arith.constant 0 : i32
        %swap3A_673 = arith.index_cast %swap3A_672 : i32 to index
        %swap3A_674 = arith.index_cast %add3A_669 : i32 to index
        %swap3A_675 = arith.constant 64 : index
        %swap3A_676 = tpu.vector_load %arg11[%swap3A_673, %swap3A_674, %swap3A_675] {strides = array<i32>} : memref<2x256x128xf32, #tpu.memory_space<vmem>>, vector<1x1x16xf32>,
        %swap3A_677 = vector.shape_cast %swap3A_676 : vector<1x1x16xf32> to vector<16xf32>
        %swap3A_678 = vector.shape_cast %add3A_671 : vector<16xf32> to vector<1x1x16xf32>
        tpu.vector_store %arg11[%swap3A_673, %swap3A_674, %swap3A_675], %swap3A_678 {strides = array<i32>} : memref<2x256x128xf32, #tpu.memory_space<vmem>>, vector<1x1x16xf32>,
        %mul3A_679 = arith.mulf %broadcast_in_dim3A_665, %get3A_9 : vector<16xf32>
        %add3A_680 = arith.addf %mul3A_679, %get3A_21 : vector<16xf32>
        %swap3A_681 = arith.constant 0 : i32
        %swap3A_682 = arith.index_cast %swap3A_681 : i32 to index
        %swap3A_683 = arith.index_cast %add3A_669 : i32 to index
        %swap3A_684 = arith.constant 80 : index
        %swap3A_685 = tpu.vector_load %arg11[%swap3A_682, %swap3A_683, %swap3A_684] {strides = array<i32>} : memref<2x256x128xf32, #tpu.memory_space<vmem>>, vector<1x1x16xf32>,
        %swap3A_686 = vector.shape_cast %swap3A_685 : vector<1x1x16xf32> to vector<16xf32>
        %swap3A_687 = vector.shape_cast %add3A_680 : vector<16xf32> to vector<1x1x16xf32>
        tpu.vector_store %arg11[%swap3A_682, %swap3A_683, %swap3A_684], %swap3A_687 {strides = array<i32>} : memref<2x256x128xf32, #tpu.memory_space<vmem>>, vector<1x1x16xf32>,
        %mul3A_688 = arith.mulf %broadcast_in_dim3A_665, %get3A_12 : vector<16xf32>
        %add3A_689 = arith.addf %mul3A_688, %get3A_24 : vector<16xf32>
        %swap3A_690 = arith.constant 0 : i32
        %swap3A_691 = arith.index_cast %swap3A_690 : i32 to index
        %swap3A_692 = arith.index_cast %add3A_669 : i32 to index
        %swap3A_693 = arith.constant 96 : index
        %swap3A_694 = tpu.vector_load %arg11[%swap3A_691, %swap3A_692, %swap3A_693] {strides = array<i32>} : memref<2x256x128xf32, #tpu.memory_space<vmem>>, vector<1x1x16xf32>,
        %swap3A_695 = vector.shape_cast %swap3A_694 : vector<1x1x16xf32> to vector<16xf32>
        %swap3A_696 = vector.shape_cast %add3A_689 : vector<16xf32> to vector<1x1x16xf32>
        tpu.vector_store %arg11[%swap3A_691, %swap3A_692, %swap3A_693], %swap3A_696 {strides = array<i32>} : memref<2x256x128xf32, #tpu.memory_space<vmem>>, vector<1x1x16xf32>,
        %mul3A_697 = arith.mulf %broadcast_in_dim3A_665, %select_n3A : vector<16xf32>
        %add3A_698 = arith.addf %mul3A_697, %select_n3A_30 : vector<16xf32>
        %swap3A_699 = arith.constant 0 : i32
        %swap3A_700 = arith.index_cast %swap3A_699 : i32 to index
        %swap3A_701 = arith.index_cast %add3A_669 : i32 to index
        %swap3A_702 = arith.constant 112 : index
        %swap3A_703 = tpu.vector_load %arg11[%swap3A_700, %swap3A_701, %swap3A_702] {strides = array<i32>} : memref<2x256x128xf32, #tpu.memory_space<vmem>>, vector<1x1x16xf32>,
        %swap3A_704 = vector.shape_cast %swap3A_703 : vector<1x1x16xf32> to vector<16xf32>
        %swap3A_705 = vector.shape_cast %add3A_698 : vector<16xf32> to vector<1x1x16xf32>
        tpu.vector_store %arg11[%swap3A_700, %swap3A_701, %swap3A_702], %swap3A_705 {strides = array<i32>} : memref<2x256x128xf32, #tpu.memory_space<vmem>>, vector<1x1x16xf32>,
        %slice3A_706 = vector.extract_strided_slice %get3A_278 {offsets = [10], sizes = [1], strides = [1]} : vector<16xf32> to vector<1xf32>
        %squeeze3A_707 = vector.extract %slice3A_706[0] : f32 from vector<1xf32>
        %broadcast_in_dim3A_708 = vector.broadcast %squeeze3A_707 : f32 to vector<16xf32>
        %mul3A_709 = arith.constant 16 : i32
        %mul3A_710 = arith.muli %scan3A_271, %mul3A_709 : i32
        %add3A_711 = arith.constant 10 : i32
        %add3A_712 = arith.addi %mul3A_710, %add3A_711 : i32
        %mul3A_713 = arith.mulf %broadcast_in_dim3A_708, %get3A_6 : vector<16xf32>
        %add3A_714 = arith.addf %mul3A_713, %get3A_18 : vector<16xf32>
        %swap3A_715 = arith.constant 0 : i32
        %swap3A_716 = arith.index_cast %swap3A_715 : i32 to index
        %swap3A_717 = arith.index_cast %add3A_712 : i32 to index
        %swap3A_718 = arith.constant 64 : index
        %swap3A_719 = tpu.vector_load %arg11[%swap3A_716, %swap3A_717, %swap3A_718] {strides = array<i32>} : memref<2x256x128xf32, #tpu.memory_space<vmem>>, vector<1x1x16xf32>,
        %swap3A_720 = vector.shape_cast %swap3A_719 : vector<1x1x16xf32> to vector<16xf32>
        %swap3A_721 = vector.shape_cast %add3A_714 : vector<16xf32> to vector<1x1x16xf32>
        tpu.vector_store %arg11[%swap3A_716, %swap3A_717, %swap3A_718], %swap3A_721 {strides = array<i32>} : memref<2x256x128xf32, #tpu.memory_space<vmem>>, vector<1x1x16xf32>,
        %mul3A_722 = arith.mulf %broadcast_in_dim3A_708, %get3A_9 : vector<16xf32>
        %add3A_723 = arith.addf %mul3A_722, %get3A_21 : vector<16xf32>
        %swap3A_724 = arith.constant 0 : i32
        %swap3A_725 = arith.index_cast %swap3A_724 : i32 to index
        %swap3A_726 = arith.index_cast %add3A_712 : i32 to index
        %swap3A_727 = arith.constant 80 : index
        %swap3A_728 = tpu.vector_load %arg11[%swap3A_725, %swap3A_726, %swap3A_727] {strides = array<i32>} : memref<2x256x128xf32, #tpu.memory_space<vmem>>, vector<1x1x16xf32>,
        %swap3A_729 = vector.shape_cast %swap3A_728 : vector<1x1x16xf32> to vector<16xf32>
        %swap3A_730 = vector.shape_cast %add3A_723 : vector<16xf32> to vector<1x1x16xf32>
        tpu.vector_store %arg11[%swap3A_725, %swap3A_726, %swap3A_727], %swap3A_730 {strides = array<i32>} : memref<2x256x128xf32, #tpu.memory_space<vmem>>, vector<1x1x16xf32>,
        %mul3A_731 = arith.mulf %broadcast_in_dim3A_708, %get3A_12 : vector<16xf32>
        %add3A_732 = arith.addf %mul3A_731, %get3A_24 : vector<16xf32>
        %swap3A_733 = arith.constant 0 : i32
        %swap3A_734 = arith.index_cast %swap3A_733 : i32 to index
        %swap3A_735 = arith.index_cast %add3A_712 : i32 to index
        %swap3A_736 = arith.constant 96 : index
        %swap3A_737 = tpu.vector_load %arg11[%swap3A_734, %swap3A_735, %swap3A_736] {strides = array<i32>} : memref<2x256x128xf32, #tpu.memory_space<vmem>>, vector<1x1x16xf32>,
        %swap3A_738 = vector.shape_cast %swap3A_737 : vector<1x1x16xf32> to vector<16xf32>
        %swap3A_739 = vector.shape_cast %add3A_732 : vector<16xf32> to vector<1x1x16xf32>
        tpu.vector_store %arg11[%swap3A_734, %swap3A_735, %swap3A_736], %swap3A_739 {strides = array<i32>} : memref<2x256x128xf32, #tpu.memory_space<vmem>>, vector<1x1x16xf32>,
        %mul3A_740 = arith.mulf %broadcast_in_dim3A_708, %select_n3A : vector<16xf32>
        %add3A_741 = arith.addf %mul3A_740, %select_n3A_30 : vector<16xf32>
        %swap3A_742 = arith.constant 0 : i32
        %swap3A_743 = arith.index_cast %swap3A_742 : i32 to index
        %swap3A_744 = arith.index_cast %add3A_712 : i32 to index
        %swap3A_745 = arith.constant 112 : index
        %swap3A_746 = tpu.vector_load %arg11[%swap3A_743, %swap3A_744, %swap3A_745] {strides = array<i32>} : memref<2x256x128xf32, #tpu.memory_space<vmem>>, vector<1x1x16xf32>,
        %swap3A_747 = vector.shape_cast %swap3A_746 : vector<1x1x16xf32> to vector<16xf32>
        %swap3A_748 = vector.shape_cast %add3A_741 : vector<16xf32> to vector<1x1x16xf32>
        tpu.vector_store %arg11[%swap3A_743, %swap3A_744, %swap3A_745], %swap3A_748 {strides = array<i32>} : memref<2x256x128xf32, #tpu.memory_space<vmem>>, vector<1x1x16xf32>,
        %slice3A_749 = vector.extract_strided_slice %get3A_278 {offsets = [11], sizes = [1], strides = [1]} : vector<16xf32> to vector<1xf32>
        %squeeze3A_750 = vector.extract %slice3A_749[0] : f32 from vector<1xf32>
        %broadcast_in_dim3A_751 = vector.broadcast %squeeze3A_750 : f32 to vector<16xf32>
        %mul3A_752 = arith.constant 16 : i32
        %mul3A_753 = arith.muli %scan3A_271, %mul3A_752 : i32
        %add3A_754 = arith.constant 11 : i32
        %add3A_755 = arith.addi %mul3A_753, %add3A_754 : i32
        %mul3A_756 = arith.mulf %broadcast_in_dim3A_751, %get3A_6 : vector<16xf32>
        %add3A_757 = arith.addf %mul3A_756, %get3A_18 : vector<16xf32>
        %swap3A_758 = arith.constant 0 : i32
        %swap3A_759 = arith.index_cast %swap3A_758 : i32 to index
        %swap3A_760 = arith.index_cast %add3A_755 : i32 to index
        %swap3A_761 = arith.constant 64 : index
        %swap3A_762 = tpu.vector_load %arg11[%swap3A_759, %swap3A_760, %swap3A_761] {strides = array<i32>} : memref<2x256x128xf32, #tpu.memory_space<vmem>>, vector<1x1x16xf32>,
        %swap3A_763 = vector.shape_cast %swap3A_762 : vector<1x1x16xf32> to vector<16xf32>
        %swap3A_764 = vector.shape_cast %add3A_757 : vector<16xf32> to vector<1x1x16xf32>
        tpu.vector_store %arg11[%swap3A_759, %swap3A_760, %swap3A_761], %swap3A_764 {strides = array<i32>} : memref<2x256x128xf32, #tpu.memory_space<vmem>>, vector<1x1x16xf32>,
        %mul3A_765 = arith.mulf %broadcast_in_dim3A_751, %get3A_9 : vector<16xf32>
        %add3A_766 = arith.addf %mul3A_765, %get3A_21 : vector<16xf32>
        %swap3A_767 = arith.constant 0 : i32
        %swap3A_768 = arith.index_cast %swap3A_767 : i32 to index
        %swap3A_769 = arith.index_cast %add3A_755 : i32 to index
        %swap3A_770 = arith.constant 80 : index
        %swap3A_771 = tpu.vector_load %arg11[%swap3A_768, %swap3A_769, %swap3A_770] {strides = array<i32>} : memref<2x256x128xf32, #tpu.memory_space<vmem>>, vector<1x1x16xf32>,
        %swap3A_772 = vector.shape_cast %swap3A_771 : vector<1x1x16xf32> to vector<16xf32>
        %swap3A_773 = vector.shape_cast %add3A_766 : vector<16xf32> to vector<1x1x16xf32>
        tpu.vector_store %arg11[%swap3A_768, %swap3A_769, %swap3A_770], %swap3A_773 {strides = array<i32>} : memref<2x256x128xf32, #tpu.memory_space<vmem>>, vector<1x1x16xf32>,
        %mul3A_774 = arith.mulf %broadcast_in_dim3A_751, %get3A_12 : vector<16xf32>
        %add3A_775 = arith.addf %mul3A_774, %get3A_24 : vector<16xf32>
        %swap3A_776 = arith.constant 0 : i32
        %swap3A_777 = arith.index_cast %swap3A_776 : i32 to index
        %swap3A_778 = arith.index_cast %add3A_755 : i32 to index
        %swap3A_779 = arith.constant 96 : index
        %swap3A_780 = tpu.vector_load %arg11[%swap3A_777, %swap3A_778, %swap3A_779] {strides = array<i32>} : memref<2x256x128xf32, #tpu.memory_space<vmem>>, vector<1x1x16xf32>,
        %swap3A_781 = vector.shape_cast %swap3A_780 : vector<1x1x16xf32> to vector<16xf32>
        %swap3A_782 = vector.shape_cast %add3A_775 : vector<16xf32> to vector<1x1x16xf32>
        tpu.vector_store %arg11[%swap3A_777, %swap3A_778, %swap3A_779], %swap3A_782 {strides = array<i32>} : memref<2x256x128xf32, #tpu.memory_space<vmem>>, vector<1x1x16xf32>,
        %mul3A_783 = arith.mulf %broadcast_in_dim3A_751, %select_n3A : vector<16xf32>
        %add3A_784 = arith.addf %mul3A_783, %select_n3A_30 : vector<16xf32>
        %swap3A_785 = arith.constant 0 : i32
        %swap3A_786 = arith.index_cast %swap3A_785 : i32 to index
        %swap3A_787 = arith.index_cast %add3A_755 : i32 to index
        %swap3A_788 = arith.constant 112 : index
        %swap3A_789 = tpu.vector_load %arg11[%swap3A_786, %swap3A_787, %swap3A_788] {strides = array<i32>} : memref<2x256x128xf32, #tpu.memory_space<vmem>>, vector<1x1x16xf32>,
        %swap3A_790 = vector.shape_cast %swap3A_789 : vector<1x1x16xf32> to vector<16xf32>
        %swap3A_791 = vector.shape_cast %add3A_784 : vector<16xf32> to vector<1x1x16xf32>
        tpu.vector_store %arg11[%swap3A_786, %swap3A_787, %swap3A_788], %swap3A_791 {strides = array<i32>} : memref<2x256x128xf32, #tpu.memory_space<vmem>>, vector<1x1x16xf32>,
        %slice3A_792 = vector.extract_strided_slice %get3A_278 {offsets = [12], sizes = [1], strides = [1]} : vector<16xf32> to vector<1xf32>
        %squeeze3A_793 = vector.extract %slice3A_792[0] : f32 from vector<1xf32>
        %broadcast_in_dim3A_794 = vector.broadcast %squeeze3A_793 : f32 to vector<16xf32>
        %mul3A_795 = arith.constant 16 : i32
        %mul3A_796 = arith.muli %scan3A_271, %mul3A_795 : i32
        %add3A_797 = arith.constant 12 : i32
        %add3A_798 = arith.addi %mul3A_796, %add3A_797 : i32
        %mul3A_799 = arith.mulf %broadcast_in_dim3A_794, %get3A_6 : vector<16xf32>
        %add3A_800 = arith.addf %mul3A_799, %get3A_18 : vector<16xf32>
        %swap3A_801 = arith.constant 0 : i32
        %swap3A_802 = arith.index_cast %swap3A_801 : i32 to index
        %swap3A_803 = arith.index_cast %add3A_798 : i32 to index
        %swap3A_804 = arith.constant 64 : index
        %swap3A_805 = tpu.vector_load %arg11[%swap3A_802, %swap3A_803, %swap3A_804] {strides = array<i32>} : memref<2x256x128xf32, #tpu.memory_space<vmem>>, vector<1x1x16xf32>,
        %swap3A_806 = vector.shape_cast %swap3A_805 : vector<1x1x16xf32> to vector<16xf32>
        %swap3A_807 = vector.shape_cast %add3A_800 : vector<16xf32> to vector<1x1x16xf32>
        tpu.vector_store %arg11[%swap3A_802, %swap3A_803, %swap3A_804], %swap3A_807 {strides = array<i32>} : memref<2x256x128xf32, #tpu.memory_space<vmem>>, vector<1x1x16xf32>,
        %mul3A_808 = arith.mulf %broadcast_in_dim3A_794, %get3A_9 : vector<16xf32>
        %add3A_809 = arith.addf %mul3A_808, %get3A_21 : vector<16xf32>
        %swap3A_810 = arith.constant 0 : i32
        %swap3A_811 = arith.index_cast %swap3A_810 : i32 to index
        %swap3A_812 = arith.index_cast %add3A_798 : i32 to index
        %swap3A_813 = arith.constant 80 : index
        %swap3A_814 = tpu.vector_load %arg11[%swap3A_811, %swap3A_812, %swap3A_813] {strides = array<i32>} : memref<2x256x128xf32, #tpu.memory_space<vmem>>, vector<1x1x16xf32>,
        %swap3A_815 = vector.shape_cast %swap3A_814 : vector<1x1x16xf32> to vector<16xf32>
        %swap3A_816 = vector.shape_cast %add3A_809 : vector<16xf32> to vector<1x1x16xf32>
        tpu.vector_store %arg11[%swap3A_811, %swap3A_812, %swap3A_813], %swap3A_816 {strides = array<i32>} : memref<2x256x128xf32, #tpu.memory_space<vmem>>, vector<1x1x16xf32>,
        %mul3A_817 = arith.mulf %broadcast_in_dim3A_794, %get3A_12 : vector<16xf32>
        %add3A_818 = arith.addf %mul3A_817, %get3A_24 : vector<16xf32>
        %swap3A_819 = arith.constant 0 : i32
        %swap3A_820 = arith.index_cast %swap3A_819 : i32 to index
        %swap3A_821 = arith.index_cast %add3A_798 : i32 to index
        %swap3A_822 = arith.constant 96 : index
        %swap3A_823 = tpu.vector_load %arg11[%swap3A_820, %swap3A_821, %swap3A_822] {strides = array<i32>} : memref<2x256x128xf32, #tpu.memory_space<vmem>>, vector<1x1x16xf32>,
        %swap3A_824 = vector.shape_cast %swap3A_823 : vector<1x1x16xf32> to vector<16xf32>
        %swap3A_825 = vector.shape_cast %add3A_818 : vector<16xf32> to vector<1x1x16xf32>
        tpu.vector_store %arg11[%swap3A_820, %swap3A_821, %swap3A_822], %swap3A_825 {strides = array<i32>} : memref<2x256x128xf32, #tpu.memory_space<vmem>>, vector<1x1x16xf32>,
        %mul3A_826 = arith.mulf %broadcast_in_dim3A_794, %select_n3A : vector<16xf32>
        %add3A_827 = arith.addf %mul3A_826, %select_n3A_30 : vector<16xf32>
        %swap3A_828 = arith.constant 0 : i32
        %swap3A_829 = arith.index_cast %swap3A_828 : i32 to index
        %swap3A_830 = arith.index_cast %add3A_798 : i32 to index
        %swap3A_831 = arith.constant 112 : index
        %swap3A_832 = tpu.vector_load %arg11[%swap3A_829, %swap3A_830, %swap3A_831] {strides = array<i32>} : memref<2x256x128xf32, #tpu.memory_space<vmem>>, vector<1x1x16xf32>,
        %swap3A_833 = vector.shape_cast %swap3A_832 : vector<1x1x16xf32> to vector<16xf32>
        %swap3A_834 = vector.shape_cast %add3A_827 : vector<16xf32> to vector<1x1x16xf32>
        tpu.vector_store %arg11[%swap3A_829, %swap3A_830, %swap3A_831], %swap3A_834 {strides = array<i32>} : memref<2x256x128xf32, #tpu.memory_space<vmem>>, vector<1x1x16xf32>,
        %slice3A_835 = vector.extract_strided_slice %get3A_278 {offsets = [13], sizes = [1], strides = [1]} : vector<16xf32> to vector<1xf32>
        %squeeze3A_836 = vector.extract %slice3A_835[0] : f32 from vector<1xf32>
        %broadcast_in_dim3A_837 = vector.broadcast %squeeze3A_836 : f32 to vector<16xf32>
        %mul3A_838 = arith.constant 16 : i32
        %mul3A_839 = arith.muli %scan3A_271, %mul3A_838 : i32
        %add3A_840 = arith.constant 13 : i32
        %add3A_841 = arith.addi %mul3A_839, %add3A_840 : i32
        %mul3A_842 = arith.mulf %broadcast_in_dim3A_837, %get3A_6 : vector<16xf32>
        %add3A_843 = arith.addf %mul3A_842, %get3A_18 : vector<16xf32>
        %swap3A_844 = arith.constant 0 : i32
        %swap3A_845 = arith.index_cast %swap3A_844 : i32 to index
        %swap3A_846 = arith.index_cast %add3A_841 : i32 to index
        %swap3A_847 = arith.constant 64 : index
        %swap3A_848 = tpu.vector_load %arg11[%swap3A_845, %swap3A_846, %swap3A_847] {strides = array<i32>} : memref<2x256x128xf32, #tpu.memory_space<vmem>>, vector<1x1x16xf32>,
        %swap3A_849 = vector.shape_cast %swap3A_848 : vector<1x1x16xf32> to vector<16xf32>
        %swap3A_850 = vector.shape_cast %add3A_843 : vector<16xf32> to vector<1x1x16xf32>
        tpu.vector_store %arg11[%swap3A_845, %swap3A_846, %swap3A_847], %swap3A_850 {strides = array<i32>} : memref<2x256x128xf32, #tpu.memory_space<vmem>>, vector<1x1x16xf32>,
        %mul3A_851 = arith.mulf %broadcast_in_dim3A_837, %get3A_9 : vector<16xf32>
        %add3A_852 = arith.addf %mul3A_851, %get3A_21 : vector<16xf32>
        %swap3A_853 = arith.constant 0 : i32
        %swap3A_854 = arith.index_cast %swap3A_853 : i32 to index
        %swap3A_855 = arith.index_cast %add3A_841 : i32 to index
        %swap3A_856 = arith.constant 80 : index
        %swap3A_857 = tpu.vector_load %arg11[%swap3A_854, %swap3A_855, %swap3A_856] {strides = array<i32>} : memref<2x256x128xf32, #tpu.memory_space<vmem>>, vector<1x1x16xf32>,
        %swap3A_858 = vector.shape_cast %swap3A_857 : vector<1x1x16xf32> to vector<16xf32>
        %swap3A_859 = vector.shape_cast %add3A_852 : vector<16xf32> to vector<1x1x16xf32>
        tpu.vector_store %arg11[%swap3A_854, %swap3A_855, %swap3A_856], %swap3A_859 {strides = array<i32>} : memref<2x256x128xf32, #tpu.memory_space<vmem>>, vector<1x1x16xf32>,
        %mul3A_860 = arith.mulf %broadcast_in_dim3A_837, %get3A_12 : vector<16xf32>
        %add3A_861 = arith.addf %mul3A_860, %get3A_24 : vector<16xf32>
        %swap3A_862 = arith.constant 0 : i32
        %swap3A_863 = arith.index_cast %swap3A_862 : i32 to index
        %swap3A_864 = arith.index_cast %add3A_841 : i32 to index
        %swap3A_865 = arith.constant 96 : index
        %swap3A_866 = tpu.vector_load %arg11[%swap3A_863, %swap3A_864, %swap3A_865] {strides = array<i32>} : memref<2x256x128xf32, #tpu.memory_space<vmem>>, vector<1x1x16xf32>,
        %swap3A_867 = vector.shape_cast %swap3A_866 : vector<1x1x16xf32> to vector<16xf32>
        %swap3A_868 = vector.shape_cast %add3A_861 : vector<16xf32> to vector<1x1x16xf32>
        tpu.vector_store %arg11[%swap3A_863, %swap3A_864, %swap3A_865], %swap3A_868 {strides = array<i32>} : memref<2x256x128xf32, #tpu.memory_space<vmem>>, vector<1x1x16xf32>,
        %mul3A_869 = arith.mulf %broadcast_in_dim3A_837, %select_n3A : vector<16xf32>
        %add3A_870 = arith.addf %mul3A_869, %select_n3A_30 : vector<16xf32>
        %swap3A_871 = arith.constant 0 : i32
        %swap3A_872 = arith.index_cast %swap3A_871 : i32 to index
        %swap3A_873 = arith.index_cast %add3A_841 : i32 to index
        %swap3A_874 = arith.constant 112 : index
        %swap3A_875 = tpu.vector_load %arg11[%swap3A_872, %swap3A_873, %swap3A_874] {strides = array<i32>} : memref<2x256x128xf32, #tpu.memory_space<vmem>>, vector<1x1x16xf32>,
        %swap3A_876 = vector.shape_cast %swap3A_875 : vector<1x1x16xf32> to vector<16xf32>
        %swap3A_877 = vector.shape_cast %add3A_870 : vector<16xf32> to vector<1x1x16xf32>
        tpu.vector_store %arg11[%swap3A_872, %swap3A_873, %swap3A_874], %swap3A_877 {strides = array<i32>} : memref<2x256x128xf32, #tpu.memory_space<vmem>>, vector<1x1x16xf32>,
        %slice3A_878 = vector.extract_strided_slice %get3A_278 {offsets = [14], sizes = [1], strides = [1]} : vector<16xf32> to vector<1xf32>
        %squeeze3A_879 = vector.extract %slice3A_878[0] : f32 from vector<1xf32>
        %broadcast_in_dim3A_880 = vector.broadcast %squeeze3A_879 : f32 to vector<16xf32>
        %mul3A_881 = arith.constant 16 : i32
        %mul3A_882 = arith.muli %scan3A_271, %mul3A_881 : i32
        %add3A_883 = arith.constant 14 : i32
        %add3A_884 = arith.addi %mul3A_882, %add3A_883 : i32
        %mul3A_885 = arith.mulf %broadcast_in_dim3A_880, %get3A_6 : vector<16xf32>
        %add3A_886 = arith.addf %mul3A_885, %get3A_18 : vector<16xf32>
        %swap3A_887 = arith.constant 0 : i32
        %swap3A_888 = arith.index_cast %swap3A_887 : i32 to index
        %swap3A_889 = arith.index_cast %add3A_884 : i32 to index
        %swap3A_890 = arith.constant 64 : index
        %swap3A_891 = tpu.vector_load %arg11[%swap3A_888, %swap3A_889, %swap3A_890] {strides = array<i32>} : memref<2x256x128xf32, #tpu.memory_space<vmem>>, vector<1x1x16xf32>,
        %swap3A_892 = vector.shape_cast %swap3A_891 : vector<1x1x16xf32> to vector<16xf32>
        %swap3A_893 = vector.shape_cast %add3A_886 : vector<16xf32> to vector<1x1x16xf32>
        tpu.vector_store %arg11[%swap3A_888, %swap3A_889, %swap3A_890], %swap3A_893 {strides = array<i32>} : memref<2x256x128xf32, #tpu.memory_space<vmem>>, vector<1x1x16xf32>,
        %mul3A_894 = arith.mulf %broadcast_in_dim3A_880, %get3A_9 : vector<16xf32>
        %add3A_895 = arith.addf %mul3A_894, %get3A_21 : vector<16xf32>
        %swap3A_896 = arith.constant 0 : i32
        %swap3A_897 = arith.index_cast %swap3A_896 : i32 to index
        %swap3A_898 = arith.index_cast %add3A_884 : i32 to index
        %swap3A_899 = arith.constant 80 : index
        %swap3A_900 = tpu.vector_load %arg11[%swap3A_897, %swap3A_898, %swap3A_899] {strides = array<i32>} : memref<2x256x128xf32, #tpu.memory_space<vmem>>, vector<1x1x16xf32>,
        %swap3A_901 = vector.shape_cast %swap3A_900 : vector<1x1x16xf32> to vector<16xf32>
        %swap3A_902 = vector.shape_cast %add3A_895 : vector<16xf32> to vector<1x1x16xf32>
        tpu.vector_store %arg11[%swap3A_897, %swap3A_898, %swap3A_899], %swap3A_902 {strides = array<i32>} : memref<2x256x128xf32, #tpu.memory_space<vmem>>, vector<1x1x16xf32>,
        %mul3A_903 = arith.mulf %broadcast_in_dim3A_880, %get3A_12 : vector<16xf32>
        %add3A_904 = arith.addf %mul3A_903, %get3A_24 : vector<16xf32>
        %swap3A_905 = arith.constant 0 : i32
        %swap3A_906 = arith.index_cast %swap3A_905 : i32 to index
        %swap3A_907 = arith.index_cast %add3A_884 : i32 to index
        %swap3A_908 = arith.constant 96 : index
        %swap3A_909 = tpu.vector_load %arg11[%swap3A_906, %swap3A_907, %swap3A_908] {strides = array<i32>} : memref<2x256x128xf32, #tpu.memory_space<vmem>>, vector<1x1x16xf32>,
        %swap3A_910 = vector.shape_cast %swap3A_909 : vector<1x1x16xf32> to vector<16xf32>
        %swap3A_911 = vector.shape_cast %add3A_904 : vector<16xf32> to vector<1x1x16xf32>
        tpu.vector_store %arg11[%swap3A_906, %swap3A_907, %swap3A_908], %swap3A_911 {strides = array<i32>} : memref<2x256x128xf32, #tpu.memory_space<vmem>>, vector<1x1x16xf32>,
        %mul3A_912 = arith.mulf %broadcast_in_dim3A_880, %select_n3A : vector<16xf32>
        %add3A_913 = arith.addf %mul3A_912, %select_n3A_30 : vector<16xf32>
        %swap3A_914 = arith.constant 0 : i32
        %swap3A_915 = arith.index_cast %swap3A_914 : i32 to index
        %swap3A_916 = arith.index_cast %add3A_884 : i32 to index
        %swap3A_917 = arith.constant 112 : index
        %swap3A_918 = tpu.vector_load %arg11[%swap3A_915, %swap3A_916, %swap3A_917] {strides = array<i32>} : memref<2x256x128xf32, #tpu.memory_space<vmem>>, vector<1x1x16xf32>,
        %swap3A_919 = vector.shape_cast %swap3A_918 : vector<1x1x16xf32> to vector<16xf32>
        %swap3A_920 = vector.shape_cast %add3A_913 : vector<16xf32> to vector<1x1x16xf32>
        tpu.vector_store %arg11[%swap3A_915, %swap3A_916, %swap3A_917], %swap3A_920 {strides = array<i32>} : memref<2x256x128xf32, #tpu.memory_space<vmem>>, vector<1x1x16xf32>,
        %slice3A_921 = vector.extract_strided_slice %get3A_278 {offsets = [15], sizes = [1], strides = [1]} : vector<16xf32> to vector<1xf32>
        %squeeze3A_922 = vector.extract %slice3A_921[0] : f32 from vector<1xf32>
        %broadcast_in_dim3A_923 = vector.broadcast %squeeze3A_922 : f32 to vector<16xf32>
        %mul3A_924 = arith.constant 16 : i32
        %mul3A_925 = arith.muli %scan3A_271, %mul3A_924 : i32
        %add3A_926 = arith.constant 15 : i32
        %add3A_927 = arith.addi %mul3A_925, %add3A_926 : i32
        %mul3A_928 = arith.mulf %broadcast_in_dim3A_923, %get3A_6 : vector<16xf32>
        %add3A_929 = arith.addf %mul3A_928, %get3A_18 : vector<16xf32>
        %swap3A_930 = arith.constant 0 : i32
        %swap3A_931 = arith.index_cast %swap3A_930 : i32 to index
        %swap3A_932 = arith.index_cast %add3A_927 : i32 to index
        %swap3A_933 = arith.constant 64 : index
        %swap3A_934 = tpu.vector_load %arg11[%swap3A_931, %swap3A_932, %swap3A_933] {strides = array<i32>} : memref<2x256x128xf32, #tpu.memory_space<vmem>>, vector<1x1x16xf32>,
        %swap3A_935 = vector.shape_cast %swap3A_934 : vector<1x1x16xf32> to vector<16xf32>
        %swap3A_936 = vector.shape_cast %add3A_929 : vector<16xf32> to vector<1x1x16xf32>
        tpu.vector_store %arg11[%swap3A_931, %swap3A_932, %swap3A_933], %swap3A_936 {strides = array<i32>} : memref<2x256x128xf32, #tpu.memory_space<vmem>>, vector<1x1x16xf32>,
        %mul3A_937 = arith.mulf %broadcast_in_dim3A_923, %get3A_9 : vector<16xf32>
        %add3A_938 = arith.addf %mul3A_937, %get3A_21 : vector<16xf32>
        %swap3A_939 = arith.constant 0 : i32
        %swap3A_940 = arith.index_cast %swap3A_939 : i32 to index
        %swap3A_941 = arith.index_cast %add3A_927 : i32 to index
        %swap3A_942 = arith.constant 80 : index
        %swap3A_943 = tpu.vector_load %arg11[%swap3A_940, %swap3A_941, %swap3A_942] {strides = array<i32>} : memref<2x256x128xf32, #tpu.memory_space<vmem>>, vector<1x1x16xf32>,
        %swap3A_944 = vector.shape_cast %swap3A_943 : vector<1x1x16xf32> to vector<16xf32>
        %swap3A_945 = vector.shape_cast %add3A_938 : vector<16xf32> to vector<1x1x16xf32>
        tpu.vector_store %arg11[%swap3A_940, %swap3A_941, %swap3A_942], %swap3A_945 {strides = array<i32>} : memref<2x256x128xf32, #tpu.memory_space<vmem>>, vector<1x1x16xf32>,
        %mul3A_946 = arith.mulf %broadcast_in_dim3A_923, %get3A_12 : vector<16xf32>
        %add3A_947 = arith.addf %mul3A_946, %get3A_24 : vector<16xf32>
        %swap3A_948 = arith.constant 0 : i32
        %swap3A_949 = arith.index_cast %swap3A_948 : i32 to index
        %swap3A_950 = arith.index_cast %add3A_927 : i32 to index
        %swap3A_951 = arith.constant 96 : index
        %swap3A_952 = tpu.vector_load %arg11[%swap3A_949, %swap3A_950, %swap3A_951] {strides = array<i32>} : memref<2x256x128xf32, #tpu.memory_space<vmem>>, vector<1x1x16xf32>,
        %swap3A_953 = vector.shape_cast %swap3A_952 : vector<1x1x16xf32> to vector<16xf32>
        %swap3A_954 = vector.shape_cast %add3A_947 : vector<16xf32> to vector<1x1x16xf32>
        tpu.vector_store %arg11[%swap3A_949, %swap3A_950, %swap3A_951], %swap3A_954 {strides = array<i32>} : memref<2x256x128xf32, #tpu.memory_space<vmem>>, vector<1x1x16xf32>,
        %mul3A_955 = arith.mulf %broadcast_in_dim3A_923, %select_n3A : vector<16xf32>
        %add3A_956 = arith.addf %mul3A_955, %select_n3A_30 : vector<16xf32>
        %swap3A_957 = arith.constant 0 : i32
        %swap3A_958 = arith.index_cast %swap3A_957 : i32 to index
        %swap3A_959 = arith.index_cast %add3A_927 : i32 to index
        %swap3A_960 = arith.constant 112 : index
        %swap3A_961 = tpu.vector_load %arg11[%swap3A_958, %swap3A_959, %swap3A_960] {strides = array<i32>} : memref<2x256x128xf32, #tpu.memory_space<vmem>>, vector<1x1x16xf32>,
        %swap3A_962 = vector.shape_cast %swap3A_961 : vector<1x1x16xf32> to vector<16xf32>
        %swap3A_963 = vector.shape_cast %add3A_956 : vector<16xf32> to vector<1x1x16xf32>
        tpu.vector_store %arg11[%swap3A_958, %swap3A_959, %swap3A_960], %swap3A_963 {strides = array<i32>} : memref<2x256x128xf32, #tpu.memory_space<vmem>>, vector<1x1x16xf32>,
      }
      %scan3A_149 = arith.constant 16 : i32
      %add3A_150 = arith.addi %mul3A_2, %add3A_95 : i32
      %dma_start3A = arith.constant 0 : i32
      %dma_start3A_151 = arith.constant 0 : i32
      %dma_start3A_152 = arith.constant 0 : i32
      %dma_start3A_153 = tpu.memref_slice %arg11[%dma_start3A, %dma_start3A_151, %dma_start3A_152] : memref<2x256x128xf32, #tpu.memory_space<vmem>> -> memref<1x256x128xf32, #tpu.memory_space<vmem>>
      %dma_start3A_154 = tpu.memref_squeeze %dma_start3A_153 : memref<1x256x128xf32, #tpu.memory_space<vmem>> -> memref<256x128xf32, #tpu.memory_space<vmem>>
      %dma_start3A_155 = arith.constant 0 : i32
      %dma_start3A_156 = tpu.memref_slice %arg6[%add3A_150, %mul3A_136, %dma_start3A_155] : memref<128x4096x128xf32, #tpu.memory_space<hbm>> -> memref<1x256x128xf32, #tpu.memory_space<hbm>>
      %dma_start3A_157 = tpu.memref_squeeze %dma_start3A_156 : memref<1x256x128xf32, #tpu.memory_space<hbm>> -> memref<256x128xf32, #tpu.memory_space<hbm>>
      %dma_start3A_158 = arith.constant 0 : i32
      %dma_start3A_159 = tpu.memref_slice %arg6[%add3A_150, %mul3A_136, %dma_start3A_158] : memref<128x4096x128xf32, #tpu.memory_space<hbm>> -> memref<1x256x128xf32, #tpu.memory_space<hbm>>
      %dma_start3A_160 = tpu.memref_squeeze %dma_start3A_159 : memref<1x256x128xf32, #tpu.memory_space<hbm>> -> memref<256x128xf32, #tpu.memory_space<hbm>>
      %dma_start3A_161 = arith.constant 0 : i32
      %dma_start3A_162 = arith.constant 0 : i32
      %dma_start3A_163 = tpu.memref_slice %arg11[%dma_start3A, %dma_start3A_161, %dma_start3A_162] : memref<2x256x128xf32, #tpu.memory_space<vmem>> -> memref<1x256x128xf32, #tpu.memory_space<vmem>>
      %dma_start3A_164 = tpu.memref_squeeze %dma_start3A_163 : memref<1x256x128xf32, #tpu.memory_space<vmem>> -> memref<256x128xf32, #tpu.memory_space<vmem>>
      tpu.enqueue_dma source(%dma_start3A_164 : memref<256x128xf32, #tpu.memory_space<vmem>>) target(%dma_start3A_160 : memref<256x128xf32, #tpu.memory_space<hbm>>) target_semaphore(%arg12 : memref<!tpu.dma_semaphore, #tpu.memory_space<semaphore_mem>>)
      %mul3A_165 = arith.constant 2 : i32
      %mul3A_166 = arith.muli %mul3A_165, %scan3A_69 : i32
      %add3A_167 = arith.constant 1 : i32
      %add3A_168 = arith.addi %mul3A_166, %add3A_167 : i32
      %jit3A_169 = arith.constant 32 : i32
      %div3A_170 = arith.divsi %add3A_168, %jit3A_169 : i32
      %sign3A_171 = arith.constant 0 : i32
      %sign3A_172 = arith.cmpi sgt, %add3A_168, %sign3A_171 : i32
      %sign3A_173 = arith.extui %sign3A_172 : i1 to i32
      %sign3A_174 = arith.constant 0 : i32
      %sign3A_175 = arith.cmpi slt, %add3A_168, %sign3A_174 : i32
      %sign3A_176 = arith.extui %sign3A_175 : i1 to i32
      %sign3A_177 = arith.subi %sign3A_173, %sign3A_176 : i32
      %sign3A_178 = arith.constant 0 : i32
      %sign3A_179 = arith.cmpi sgt, %jit3A_169, %sign3A_178 : i32
      %sign3A_180 = arith.extui %sign3A_179 : i1 to i32
      %sign3A_181 = arith.constant 0 : i32
      %sign3A_182 = arith.cmpi slt, %jit3A_169, %sign3A_181 : i32
      %sign3A_183 = arith.extui %sign3A_182 : i1 to i32
      %sign3A_184 = arith.subi %sign3A_180, %sign3A_183 : i32
      %ne3A_185 = arith.cmpi ne, %sign3A_177, %sign3A_184 : i32
      %rem3A_186 = arith.remsi %add3A_168, %jit3A_169 : i32
      %ne3A_187 = arith.constant 0 : i32
      %ne3A_188 = arith.cmpi ne, %rem3A_186, %ne3A_187 : i32
      %and3A_189 = arith.andi %ne3A_185, %ne3A_188 : i1
      %sub3A_190 = arith.constant 1 : i32
      %sub3A_191 = arith.subi %div3A_170, %sub3A_190 : i32
      %select_n3A_192 = arith.select %and3A_189, %sub3A_191, %div3A_170 : i32
      %mul3A_193 = arith.constant 2 : i32
      %mul3A_194 = arith.muli %mul3A_193, %select_n3A_192 : i32
      %add3A_195 = arith.constant 1 : i32
      %add3A_196 = arith.addi %mul3A_194, %add3A_195 : i32
      %jit3A_197 = arith.constant 2 : i32
      %div3A_198 = arith.divsi %add3A_168, %jit3A_197 : i32
      %sign3A_199 = arith.constant 0 : i32
      %sign3A_200 = arith.cmpi sgt, %add3A_168, %sign3A_199 : i32
      %sign3A_201 = arith.extui %sign3A_200 : i1 to i32
      %sign3A_202 = arith.constant 0 : i32
      %sign3A_203 = arith.cmpi slt, %add3A_168, %sign3A_202 : i32
      %sign3A_204 = arith.extui %sign3A_203 : i1 to i32
      %sign3A_205 = arith.subi %sign3A_201, %sign3A_204 : i32
      %sign3A_206 = arith.constant 0 : i32
      %sign3A_207 = arith.cmpi sgt, %jit3A_197, %sign3A_206 : i32
      %sign3A_208 = arith.extui %sign3A_207 : i1 to i32
      %sign3A_209 = arith.constant 0 : i32
      %sign3A_210 = arith.cmpi slt, %jit3A_197, %sign3A_209 : i32
      %sign3A_211 = arith.extui %sign3A_210 : i1 to i32
      %sign3A_212 = arith.subi %sign3A_208, %sign3A_211 : i32
      %ne3A_213 = arith.cmpi ne, %sign3A_205, %sign3A_212 : i32
      %rem3A_214 = arith.remsi %add3A_168, %jit3A_197 : i32
      %ne3A_215 = arith.constant 0 : i32
      %ne3A_216 = arith.cmpi ne, %rem3A_214, %ne3A_215 : i32
      %and3A_217 = arith.andi %ne3A_213, %ne3A_216 : i1
      %sub3A_218 = arith.constant 1 : i32
      %sub3A_219 = arith.subi %div3A_198, %sub3A_218 : i32
      %select_n3A_220 = arith.select %and3A_217, %sub3A_219, %div3A_198 : i32
      %jit3A_221 = arith.constant 16 : i32
      %eq3A_222 = arith.constant 0 : i32
      %eq3A_223 = arith.cmpi eq, %jit3A_221, %eq3A_222 : i32
      %jit3A_224 = arith.constant 1 : i32
      %select_n3A_225 = arith.select %eq3A_223, %jit3A_224, %jit3A_221 : i32
      %rem3A_226 = arith.remsi %select_n3A_220, %select_n3A_225 : i32
      %ne3A_227 = arith.constant 0 : i32
      %ne3A_228 = arith.cmpi ne, %rem3A_226, %ne3A_227 : i32
      %lt3A_229 = arith.constant 0 : i32
      %lt3A_230 = arith.cmpi slt, %rem3A_226, %lt3A_229 : i32
      %lt3A_231 = arith.constant 0 : i32
      %lt3A_232 = arith.cmpi slt, %select_n3A_225, %lt3A_231 : i32
      %ne3A_233 = arith.xori %lt3A_230, %lt3A_232 : i1
      %and3A_234 = arith.andi %ne3A_233, %ne3A_228 : i1
      %add3A_235 = arith.addi %rem3A_226, %select_n3A_225 : i32
      %select_n3A_236 = arith.select %and3A_234, %add3A_235, %rem3A_226 : i32
      %mul3A_237 = arith.constant 256 : i32
      %mul3A_238 = arith.muli %select_n3A_236, %mul3A_237 : i32
      %gt3A_239 = arith.constant 0 : i32
      %gt3A_240 = arith.cmpi sgt, %scan3A_69, %gt3A_239 : i32
      %convert_element_type3A_241 = arith.extui %gt3A_240 : i1 to i32
      %cond3A_242 = arith.constant 0 : i32
      %cond3A_243 = arith.cmpi ne, %convert_element_type3A_241, %cond3A_242 : i32
      scf.if %cond3A_243 {
        %add3A_271 = arith.addi %mul3A_2, %add3A_196 : i32
        %dma_wait3A_272 = arith.constant 1 : i32
        %dma_wait3A_273 = arith.constant 0 : i32
        %dma_wait3A_274 = arith.constant 0 : i32
        %dma_wait3A_275 = tpu.memref_slice %arg11[%dma_wait3A_272, %dma_wait3A_273, %dma_wait3A_274] : memref<2x256x128xf32, #tpu.memory_space<vmem>> -> memref<1x256x128xf32, #tpu.memory_space<vmem>>
        %dma_wait3A_276 = tpu.memref_squeeze %dma_wait3A_275 : memref<1x256x128xf32, #tpu.memory_space<vmem>> -> memref<256x128xf32, #tpu.memory_space<vmem>>
        %dma_wait3A_277 = arith.constant 0 : i32
        %dma_wait3A_278 = tpu.memref_slice %arg6[%add3A_271, %mul3A_238, %dma_wait3A_277] : memref<128x4096x128xf32, #tpu.memory_space<hbm>> -> memref<1x256x128xf32, #tpu.memory_space<hbm>>
        %dma_wait3A_279 = tpu.memref_squeeze %dma_wait3A_278 : memref<1x256x128xf32, #tpu.memory_space<hbm>> -> memref<256x128xf32, #tpu.memory_space<hbm>>
        %dma_wait3A_280 = arith.constant 0 : i32
        %dma_wait3A_281 = tpu.memref_slice %arg6[%add3A_271, %mul3A_238, %dma_wait3A_280] : memref<128x4096x128xf32, #tpu.memory_space<hbm>> -> memref<1x256x128xf32, #tpu.memory_space<hbm>>
        %dma_wait3A_282 = tpu.memref_squeeze %dma_wait3A_281 : memref<1x256x128xf32, #tpu.memory_space<hbm>> -> memref<256x128xf32, #tpu.memory_space<hbm>>
        %dma_wait3A_283 = arith.constant 0 : i32
        %dma_wait3A_284 = arith.constant 0 : i32
        %dma_wait3A_285 = tpu.memref_slice %arg11[%dma_wait3A_272, %dma_wait3A_283, %dma_wait3A_284] : memref<2x256x128xf32, #tpu.memory_space<vmem>> -> memref<1x256x128xf32, #tpu.memory_space<vmem>>
        %dma_wait3A_286 = tpu.memref_squeeze %dma_wait3A_285 : memref<1x256x128xf32, #tpu.memory_space<vmem>> -> memref<256x128xf32, #tpu.memory_space<vmem>>
        tpu.wait_dma2 semaphore(%arg13 : memref<!tpu.dma_semaphore, #tpu.memory_space<semaphore_mem>>) src(%dma_wait3A_286 : memref<256x128xf32, #tpu.memory_space<vmem>>) dst(%dma_wait3A_282 : memref<256x128xf32, #tpu.memory_space<hbm>>)
      } else {
      }
      %eq3A_244 = arith.constant 0 : i32
      %eq3A_245 = arith.cmpi eq, %select_n3A_236, %eq3A_244 : i32
      %convert_element_type3A_246 = arith.extui %eq3A_245 : i1 to i32
      %cond3A_247 = arith.constant 0 : i32
      %cond3A_248 = arith.cmpi ne, %convert_element_type3A_246, %cond3A_247 : i32
      scf.if %cond3A_248 {
        %get3A_271 = arith.index_cast %add3A_196 : i32 to index
        %get3A_272 = arith.constant 0 : index
        %get3A_273 = tpu.vector_load %arg8[%get3A_271, %get3A_272] {strides = array<i32>} : memref<4x64xf32, #tpu.memory_space<vmem>>, vector<1x16xf32>,
        %get3A_274 = vector.shape_cast %get3A_273 : vector<1x16xf32> to vector<16xf32>
        %get3A_275 = arith.index_cast %add3A_196 : i32 to index
        %get3A_276 = arith.constant 16 : index
        %get3A_277 = tpu.vector_load %arg8[%get3A_275, %get3A_276] {strides = array<i32>} : memref<4x64xf32, #tpu.memory_space<vmem>>, vector<1x16xf32>,
        %get3A_278 = vector.shape_cast %get3A_277 : vector<1x16xf32> to vector<16xf32>
        %get3A_279 = arith.index_cast %add3A_196 : i32 to index
        %get3A_280 = arith.constant 32 : index
        %get3A_281 = tpu.vector_load %arg8[%get3A_279, %get3A_280] {strides = array<i32>} : memref<4x64xf32, #tpu.memory_space<vmem>>, vector<1x16xf32>,
        %get3A_282 = vector.shape_cast %get3A_281 : vector<1x16xf32> to vector<16xf32>
        %get3A_283 = arith.index_cast %add3A_196 : i32 to index
        %get3A_284 = arith.constant 48 : index
        %get3A_285 = tpu.vector_load %arg8[%get3A_283, %get3A_284] {strides = array<i32>} : memref<4x64xf32, #tpu.memory_space<vmem>>, vector<1x16xf32>,
        %get3A_286 = vector.shape_cast %get3A_285 : vector<1x16xf32> to vector<16xf32>
        %scan3A_287 = arith.constant 0 : i32
        %scan3A_288 = arith.constant 0 : i32
        %scan3A_289 = arith.constant 256 : i32
        %scan3A_290 = arith.addi %scan3A_288, %scan3A_289 : i32
        %scan3A_291 = arith.constant 4 : i32
        scf.for %scan3A_293 = %scan3A_288 to %scan3A_290 step %scan3A_291  : i32 {
          %swap3A = arith.constant 1 : i32
          %swap3A_294 = arith.index_cast %swap3A : i32 to index
          %swap3A_295 = arith.index_cast %scan3A_293 : i32 to index
          %swap3A_296 = arith.constant 0 : index
          %swap3A_297 = tpu.vector_load %arg11[%swap3A_294, %swap3A_295, %swap3A_296] {strides = array<i32>} : memref<2x256x128xf32, #tpu.memory_space<vmem>>, vector<1x1x16xf32>,
          %swap3A_298 = vector.shape_cast %swap3A_297 : vector<1x1x16xf32> to vector<16xf32>
          %swap3A_299 = vector.shape_cast %get3A_274 : vector<16xf32> to vector<1x1x16xf32>
          tpu.vector_store %arg11[%swap3A_294, %swap3A_295, %swap3A_296], %swap3A_299 {strides = array<i32>} : memref<2x256x128xf32, #tpu.memory_space<vmem>>, vector<1x1x16xf32>,
          %swap3A_300 = arith.constant 1 : i32
          %swap3A_301 = arith.index_cast %swap3A_300 : i32 to index
          %swap3A_302 = arith.index_cast %scan3A_293 : i32 to index
          %swap3A_303 = arith.constant 16 : index
          %swap3A_304 = tpu.vector_load %arg11[%swap3A_301, %swap3A_302, %swap3A_303] {strides = array<i32>} : memref<2x256x128xf32, #tpu.memory_space<vmem>>, vector<1x1x16xf32>,
          %swap3A_305 = vector.shape_cast %swap3A_304 : vector<1x1x16xf32> to vector<16xf32>
          %swap3A_306 = vector.shape_cast %get3A_278 : vector<16xf32> to vector<1x1x16xf32>
          tpu.vector_store %arg11[%swap3A_301, %swap3A_302, %swap3A_303], %swap3A_306 {strides = array<i32>} : memref<2x256x128xf32, #tpu.memory_space<vmem>>, vector<1x1x16xf32>,
          %swap3A_307 = arith.constant 1 : i32
          %swap3A_308 = arith.index_cast %swap3A_307 : i32 to index
          %swap3A_309 = arith.index_cast %scan3A_293 : i32 to index
          %swap3A_310 = arith.constant 32 : index
          %swap3A_311 = tpu.vector_load %arg11[%swap3A_308, %swap3A_309, %swap3A_310] {strides = array<i32>} : memref<2x256x128xf32, #tpu.memory_space<vmem>>, vector<1x1x16xf32>,
          %swap3A_312 = vector.shape_cast %swap3A_311 : vector<1x1x16xf32> to vector<16xf32>
          %swap3A_313 = vector.shape_cast %get3A_282 : vector<16xf32> to vector<1x1x16xf32>
          tpu.vector_store %arg11[%swap3A_308, %swap3A_309, %swap3A_310], %swap3A_313 {strides = array<i32>} : memref<2x256x128xf32, #tpu.memory_space<vmem>>, vector<1x1x16xf32>,
          %swap3A_314 = arith.constant 1 : i32
          %swap3A_315 = arith.index_cast %swap3A_314 : i32 to index
          %swap3A_316 = arith.index_cast %scan3A_293 : i32 to index
          %swap3A_317 = arith.constant 48 : index
          %swap3A_318 = tpu.vector_load %arg11[%swap3A_315, %swap3A_316, %swap3A_317] {strides = array<i32>} : memref<2x256x128xf32, #tpu.memory_space<vmem>>, vector<1x1x16xf32>,
          %swap3A_319 = vector.shape_cast %swap3A_318 : vector<1x1x16xf32> to vector<16xf32>
          %swap3A_320 = vector.shape_cast %get3A_286 : vector<16xf32> to vector<1x1x16xf32>
          tpu.vector_store %arg11[%swap3A_315, %swap3A_316, %swap3A_317], %swap3A_320 {strides = array<i32>} : memref<2x256x128xf32, #tpu.memory_space<vmem>>, vector<1x1x16xf32>,
          %scan3A_321 = arith.constant 1 : i32
          %scan3A_322 = arith.addi %scan3A_293, %scan3A_321 : i32
          %swap3A_323 = arith.constant 1 : i32
          %swap3A_324 = arith.index_cast %swap3A_323 : i32 to index
          %swap3A_325 = arith.index_cast %scan3A_322 : i32 to index
          %swap3A_326 = arith.constant 0 : index
          %swap3A_327 = tpu.vector_load %arg11[%swap3A_324, %swap3A_325, %swap3A_326] {strides = array<i32>} : memref<2x256x128xf32, #tpu.memory_space<vmem>>, vector<1x1x16xf32>,
          %swap3A_328 = vector.shape_cast %swap3A_327 : vector<1x1x16xf32> to vector<16xf32>
          %swap3A_329 = vector.shape_cast %get3A_274 : vector<16xf32> to vector<1x1x16xf32>
          tpu.vector_store %arg11[%swap3A_324, %swap3A_325, %swap3A_326], %swap3A_329 {strides = array<i32>} : memref<2x256x128xf32, #tpu.memory_space<vmem>>, vector<1x1x16xf32>,
          %swap3A_330 = arith.constant 1 : i32
          %swap3A_331 = arith.index_cast %swap3A_330 : i32 to index
          %swap3A_332 = arith.index_cast %scan3A_322 : i32 to index
          %swap3A_333 = arith.constant 16 : index
          %swap3A_334 = tpu.vector_load %arg11[%swap3A_331, %swap3A_332, %swap3A_333] {strides = array<i32>} : memref<2x256x128xf32, #tpu.memory_space<vmem>>, vector<1x1x16xf32>,
          %swap3A_335 = vector.shape_cast %swap3A_334 : vector<1x1x16xf32> to vector<16xf32>
          %swap3A_336 = vector.shape_cast %get3A_278 : vector<16xf32> to vector<1x1x16xf32>
          tpu.vector_store %arg11[%swap3A_331, %swap3A_332, %swap3A_333], %swap3A_336 {strides = array<i32>} : memref<2x256x128xf32, #tpu.memory_space<vmem>>, vector<1x1x16xf32>,
          %swap3A_337 = arith.constant 1 : i32
          %swap3A_338 = arith.index_cast %swap3A_337 : i32 to index
          %swap3A_339 = arith.index_cast %scan3A_322 : i32 to index
          %swap3A_340 = arith.constant 32 : index
          %swap3A_341 = tpu.vector_load %arg11[%swap3A_338, %swap3A_339, %swap3A_340] {strides = array<i32>} : memref<2x256x128xf32, #tpu.memory_space<vmem>>, vector<1x1x16xf32>,
          %swap3A_342 = vector.shape_cast %swap3A_341 : vector<1x1x16xf32> to vector<16xf32>
          %swap3A_343 = vector.shape_cast %get3A_282 : vector<16xf32> to vector<1x1x16xf32>
          tpu.vector_store %arg11[%swap3A_338, %swap3A_339, %swap3A_340], %swap3A_343 {strides = array<i32>} : memref<2x256x128xf32, #tpu.memory_space<vmem>>, vector<1x1x16xf32>,
          %swap3A_344 = arith.constant 1 : i32
          %swap3A_345 = arith.index_cast %swap3A_344 : i32 to index
          %swap3A_346 = arith.index_cast %scan3A_322 : i32 to index
          %swap3A_347 = arith.constant 48 : index
          %swap3A_348 = tpu.vector_load %arg11[%swap3A_345, %swap3A_346, %swap3A_347] {strides = array<i32>} : memref<2x256x128xf32, #tpu.memory_space<vmem>>, vector<1x1x16xf32>,
          %swap3A_349 = vector.shape_cast %swap3A_348 : vector<1x1x16xf32> to vector<16xf32>
          %swap3A_350 = vector.shape_cast %get3A_286 : vector<16xf32> to vector<1x1x16xf32>
          tpu.vector_store %arg11[%swap3A_345, %swap3A_346, %swap3A_347], %swap3A_350 {strides = array<i32>} : memref<2x256x128xf32, #tpu.memory_space<vmem>>, vector<1x1x16xf32>,
          %scan3A_351 = arith.constant 2 : i32
          %scan3A_352 = arith.addi %scan3A_293, %scan3A_351 : i32
          %swap3A_353 = arith.constant 1 : i32
          %swap3A_354 = arith.index_cast %swap3A_353 : i32 to index
          %swap3A_355 = arith.index_cast %scan3A_352 : i32 to index
          %swap3A_356 = arith.constant 0 : index
          %swap3A_357 = tpu.vector_load %arg11[%swap3A_354, %swap3A_355, %swap3A_356] {strides = array<i32>} : memref<2x256x128xf32, #tpu.memory_space<vmem>>, vector<1x1x16xf32>,
          %swap3A_358 = vector.shape_cast %swap3A_357 : vector<1x1x16xf32> to vector<16xf32>
          %swap3A_359 = vector.shape_cast %get3A_274 : vector<16xf32> to vector<1x1x16xf32>
          tpu.vector_store %arg11[%swap3A_354, %swap3A_355, %swap3A_356], %swap3A_359 {strides = array<i32>} : memref<2x256x128xf32, #tpu.memory_space<vmem>>, vector<1x1x16xf32>,
          %swap3A_360 = arith.constant 1 : i32
          %swap3A_361 = arith.index_cast %swap3A_360 : i32 to index
          %swap3A_362 = arith.index_cast %scan3A_352 : i32 to index
          %swap3A_363 = arith.constant 16 : index
          %swap3A_364 = tpu.vector_load %arg11[%swap3A_361, %swap3A_362, %swap3A_363] {strides = array<i32>} : memref<2x256x128xf32, #tpu.memory_space<vmem>>, vector<1x1x16xf32>,
          %swap3A_365 = vector.shape_cast %swap3A_364 : vector<1x1x16xf32> to vector<16xf32>
          %swap3A_366 = vector.shape_cast %get3A_278 : vector<16xf32> to vector<1x1x16xf32>
          tpu.vector_store %arg11[%swap3A_361, %swap3A_362, %swap3A_363], %swap3A_366 {strides = array<i32>} : memref<2x256x128xf32, #tpu.memory_space<vmem>>, vector<1x1x16xf32>,
          %swap3A_367 = arith.constant 1 : i32
          %swap3A_368 = arith.index_cast %swap3A_367 : i32 to index
          %swap3A_369 = arith.index_cast %scan3A_352 : i32 to index
          %swap3A_370 = arith.constant 32 : index
          %swap3A_371 = tpu.vector_load %arg11[%swap3A_368, %swap3A_369, %swap3A_370] {strides = array<i32>} : memref<2x256x128xf32, #tpu.memory_space<vmem>>, vector<1x1x16xf32>,
          %swap3A_372 = vector.shape_cast %swap3A_371 : vector<1x1x16xf32> to vector<16xf32>
          %swap3A_373 = vector.shape_cast %get3A_282 : vector<16xf32> to vector<1x1x16xf32>
          tpu.vector_store %arg11[%swap3A_368, %swap3A_369, %swap3A_370], %swap3A_373 {strides = array<i32>} : memref<2x256x128xf32, #tpu.memory_space<vmem>>, vector<1x1x16xf32>,
          %swap3A_374 = arith.constant 1 : i32
          %swap3A_375 = arith.index_cast %swap3A_374 : i32 to index
          %swap3A_376 = arith.index_cast %scan3A_352 : i32 to index
          %swap3A_377 = arith.constant 48 : index
          %swap3A_378 = tpu.vector_load %arg11[%swap3A_375, %swap3A_376, %swap3A_377] {strides = array<i32>} : memref<2x256x128xf32, #tpu.memory_space<vmem>>, vector<1x1x16xf32>,
          %swap3A_379 = vector.shape_cast %swap3A_378 : vector<1x1x16xf32> to vector<16xf32>
          %swap3A_380 = vector.shape_cast %get3A_286 : vector<16xf32> to vector<1x1x16xf32>
          tpu.vector_store %arg11[%swap3A_375, %swap3A_376, %swap3A_377], %swap3A_380 {strides = array<i32>} : memref<2x256x128xf32, #tpu.memory_space<vmem>>, vector<1x1x16xf32>,
          %scan3A_381 = arith.constant 3 : i32
          %scan3A_382 = arith.addi %scan3A_293, %scan3A_381 : i32
          %swap3A_383 = arith.constant 1 : i32
          %swap3A_384 = arith.index_cast %swap3A_383 : i32 to index
          %swap3A_385 = arith.index_cast %scan3A_382 : i32 to index
          %swap3A_386 = arith.constant 0 : index
          %swap3A_387 = tpu.vector_load %arg11[%swap3A_384, %swap3A_385, %swap3A_386] {strides = array<i32>} : memref<2x256x128xf32, #tpu.memory_space<vmem>>, vector<1x1x16xf32>,
          %swap3A_388 = vector.shape_cast %swap3A_387 : vector<1x1x16xf32> to vector<16xf32>
          %swap3A_389 = vector.shape_cast %get3A_274 : vector<16xf32> to vector<1x1x16xf32>
          tpu.vector_store %arg11[%swap3A_384, %swap3A_385, %swap3A_386], %swap3A_389 {strides = array<i32>} : memref<2x256x128xf32, #tpu.memory_space<vmem>>, vector<1x1x16xf32>,
          %swap3A_390 = arith.constant 1 : i32
          %swap3A_391 = arith.index_cast %swap3A_390 : i32 to index
          %swap3A_392 = arith.index_cast %scan3A_382 : i32 to index
          %swap3A_393 = arith.constant 16 : index
          %swap3A_394 = tpu.vector_load %arg11[%swap3A_391, %swap3A_392, %swap3A_393] {strides = array<i32>} : memref<2x256x128xf32, #tpu.memory_space<vmem>>, vector<1x1x16xf32>,
          %swap3A_395 = vector.shape_cast %swap3A_394 : vector<1x1x16xf32> to vector<16xf32>
          %swap3A_396 = vector.shape_cast %get3A_278 : vector<16xf32> to vector<1x1x16xf32>
          tpu.vector_store %arg11[%swap3A_391, %swap3A_392, %swap3A_393], %swap3A_396 {strides = array<i32>} : memref<2x256x128xf32, #tpu.memory_space<vmem>>, vector<1x1x16xf32>,
          %swap3A_397 = arith.constant 1 : i32
          %swap3A_398 = arith.index_cast %swap3A_397 : i32 to index
          %swap3A_399 = arith.index_cast %scan3A_382 : i32 to index
          %swap3A_400 = arith.constant 32 : index
          %swap3A_401 = tpu.vector_load %arg11[%swap3A_398, %swap3A_399, %swap3A_400] {strides = array<i32>} : memref<2x256x128xf32, #tpu.memory_space<vmem>>, vector<1x1x16xf32>,
          %swap3A_402 = vector.shape_cast %swap3A_401 : vector<1x1x16xf32> to vector<16xf32>
          %swap3A_403 = vector.shape_cast %get3A_282 : vector<16xf32> to vector<1x1x16xf32>
          tpu.vector_store %arg11[%swap3A_398, %swap3A_399, %swap3A_400], %swap3A_403 {strides = array<i32>} : memref<2x256x128xf32, #tpu.memory_space<vmem>>, vector<1x1x16xf32>,
          %swap3A_404 = arith.constant 1 : i32
          %swap3A_405 = arith.index_cast %swap3A_404 : i32 to index
          %swap3A_406 = arith.index_cast %scan3A_382 : i32 to index
          %swap3A_407 = arith.constant 48 : index
          %swap3A_408 = tpu.vector_load %arg11[%swap3A_405, %swap3A_406, %swap3A_407] {strides = array<i32>} : memref<2x256x128xf32, #tpu.memory_space<vmem>>, vector<1x1x16xf32>,
          %swap3A_409 = vector.shape_cast %swap3A_408 : vector<1x1x16xf32> to vector<16xf32>
          %swap3A_410 = vector.shape_cast %get3A_286 : vector<16xf32> to vector<1x1x16xf32>
          tpu.vector_store %arg11[%swap3A_405, %swap3A_406, %swap3A_407], %swap3A_410 {strides = array<i32>} : memref<2x256x128xf32, #tpu.memory_space<vmem>>, vector<1x1x16xf32>,
        }
        %scan3A_292 = arith.constant 256 : i32
      } else {
      }
      %scan3A_249 = arith.constant 0 : i32
      %scan3A_250 = arith.constant 0 : i32
      %scan3A_251 = arith.constant 16 : i32
      %scan3A_252 = arith.addi %scan3A_250, %scan3A_251 : i32
      %scan3A_253 = arith.constant 1 : i32
      scf.for %scan3A_271 = %scan3A_250 to %scan3A_252 step %scan3A_253  : i32 {
        %mul3A_272 = arith.constant 16 : i32
        %mul3A_273 = arith.muli %scan3A_271, %mul3A_272 : i32
        %add3A_274 = arith.addi %mul3A_238, %mul3A_273 : i32
        %get3A_275 = arith.index_cast %add3A_196 : i32 to index
        %get3A_276 = arith.index_cast %add3A_274 : i32 to index
        %get3A_277 = tpu.vector_load %arg7[%get3A_275, %get3A_276] {strides = array<i32>} : memref<4x4096xf32, #tpu.memory_space<vmem>>, vector<1x16xf32>,
        %get3A_278 = vector.shape_cast %get3A_277 : vector<1x16xf32> to vector<16xf32>
        %slice3A = vector.extract_strided_slice %get3A_278 {offsets = [0], sizes = [1], strides = [1]} : vector<16xf32> to vector<1xf32>
        %squeeze3A = vector.extract %slice3A[0] : f32 from vector<1xf32>
        %broadcast_in_dim3A_279 = vector.broadcast %squeeze3A : f32 to vector<16xf32>
        %mul3A_280 = arith.constant 16 : i32
        %mul3A_281 = arith.muli %scan3A_271, %mul3A_280 : i32
        %add3A_282 = arith.constant 0 : i32
        %add3A_283 = arith.addi %mul3A_281, %add3A_282 : i32
        %mul3A_284 = arith.mulf %broadcast_in_dim3A_279, %get3A_6 : vector<16xf32>
        %add3A_285 = arith.addf %mul3A_284, %get3A_18 : vector<16xf32>
        %swap3A = arith.constant 1 : i32
        %swap3A_286 = arith.index_cast %swap3A : i32 to index
        %swap3A_287 = arith.index_cast %add3A_283 : i32 to index
        %swap3A_288 = arith.constant 64 : index
        %swap3A_289 = tpu.vector_load %arg11[%swap3A_286, %swap3A_287, %swap3A_288] {strides = array<i32>} : memref<2x256x128xf32, #tpu.memory_space<vmem>>, vector<1x1x16xf32>,
        %swap3A_290 = vector.shape_cast %swap3A_289 : vector<1x1x16xf32> to vector<16xf32>
        %swap3A_291 = vector.shape_cast %add3A_285 : vector<16xf32> to vector<1x1x16xf32>
        tpu.vector_store %arg11[%swap3A_286, %swap3A_287, %swap3A_288], %swap3A_291 {strides = array<i32>} : memref<2x256x128xf32, #tpu.memory_space<vmem>>, vector<1x1x16xf32>,
        %mul3A_292 = arith.mulf %broadcast_in_dim3A_279, %get3A_9 : vector<16xf32>
        %add3A_293 = arith.addf %mul3A_292, %get3A_21 : vector<16xf32>
        %swap3A_294 = arith.constant 1 : i32
        %swap3A_295 = arith.index_cast %swap3A_294 : i32 to index
        %swap3A_296 = arith.index_cast %add3A_283 : i32 to index
        %swap3A_297 = arith.constant 80 : index
        %swap3A_298 = tpu.vector_load %arg11[%swap3A_295, %swap3A_296, %swap3A_297] {strides = array<i32>} : memref<2x256x128xf32, #tpu.memory_space<vmem>>, vector<1x1x16xf32>,
        %swap3A_299 = vector.shape_cast %swap3A_298 : vector<1x1x16xf32> to vector<16xf32>
        %swap3A_300 = vector.shape_cast %add3A_293 : vector<16xf32> to vector<1x1x16xf32>
        tpu.vector_store %arg11[%swap3A_295, %swap3A_296, %swap3A_297], %swap3A_300 {strides = array<i32>} : memref<2x256x128xf32, #tpu.memory_space<vmem>>, vector<1x1x16xf32>,
        %mul3A_301 = arith.mulf %broadcast_in_dim3A_279, %get3A_12 : vector<16xf32>
        %add3A_302 = arith.addf %mul3A_301, %get3A_24 : vector<16xf32>
        %swap3A_303 = arith.constant 1 : i32
        %swap3A_304 = arith.index_cast %swap3A_303 : i32 to index
        %swap3A_305 = arith.index_cast %add3A_283 : i32 to index
        %swap3A_306 = arith.constant 96 : index
        %swap3A_307 = tpu.vector_load %arg11[%swap3A_304, %swap3A_305, %swap3A_306] {strides = array<i32>} : memref<2x256x128xf32, #tpu.memory_space<vmem>>, vector<1x1x16xf32>,
        %swap3A_308 = vector.shape_cast %swap3A_307 : vector<1x1x16xf32> to vector<16xf32>
        %swap3A_309 = vector.shape_cast %add3A_302 : vector<16xf32> to vector<1x1x16xf32>
        tpu.vector_store %arg11[%swap3A_304, %swap3A_305, %swap3A_306], %swap3A_309 {strides = array<i32>} : memref<2x256x128xf32, #tpu.memory_space<vmem>>, vector<1x1x16xf32>,
        %mul3A_310 = arith.mulf %broadcast_in_dim3A_279, %select_n3A : vector<16xf32>
        %add3A_311 = arith.addf %mul3A_310, %select_n3A_30 : vector<16xf32>
        %swap3A_312 = arith.constant 1 : i32
        %swap3A_313 = arith.index_cast %swap3A_312 : i32 to index
        %swap3A_314 = arith.index_cast %add3A_283 : i32 to index
        %swap3A_315 = arith.constant 112 : index
        %swap3A_316 = tpu.vector_load %arg11[%swap3A_313, %swap3A_314, %swap3A_315] {strides = array<i32>} : memref<2x256x128xf32, #tpu.memory_space<vmem>>, vector<1x1x16xf32>,
        %swap3A_317 = vector.shape_cast %swap3A_316 : vector<1x1x16xf32> to vector<16xf32>
        %swap3A_318 = vector.shape_cast %add3A_311 : vector<16xf32> to vector<1x1x16xf32>
        tpu.vector_store %arg11[%swap3A_313, %swap3A_314, %swap3A_315], %swap3A_318 {strides = array<i32>} : memref<2x256x128xf32, #tpu.memory_space<vmem>>, vector<1x1x16xf32>,
        %slice3A_319 = vector.extract_strided_slice %get3A_278 {offsets = [1], sizes = [1], strides = [1]} : vector<16xf32> to vector<1xf32>
        %squeeze3A_320 = vector.extract %slice3A_319[0] : f32 from vector<1xf32>
        %broadcast_in_dim3A_321 = vector.broadcast %squeeze3A_320 : f32 to vector<16xf32>
        %mul3A_322 = arith.constant 16 : i32
        %mul3A_323 = arith.muli %scan3A_271, %mul3A_322 : i32
        %add3A_324 = arith.constant 1 : i32
        %add3A_325 = arith.addi %mul3A_323, %add3A_324 : i32
        %mul3A_326 = arith.mulf %broadcast_in_dim3A_321, %get3A_6 : vector<16xf32>
        %add3A_327 = arith.addf %mul3A_326, %get3A_18 : vector<16xf32>
        %swap3A_328 = arith.constant 1 : i32
        %swap3A_329 = arith.index_cast %swap3A_328 : i32 to index
        %swap3A_330 = arith.index_cast %add3A_325 : i32 to index
        %swap3A_331 = arith.constant 64 : index
        %swap3A_332 = tpu.vector_load %arg11[%swap3A_329, %swap3A_330, %swap3A_331] {strides = array<i32>} : memref<2x256x128xf32, #tpu.memory_space<vmem>>, vector<1x1x16xf32>,
        %swap3A_333 = vector.shape_cast %swap3A_332 : vector<1x1x16xf32> to vector<16xf32>
        %swap3A_334 = vector.shape_cast %add3A_327 : vector<16xf32> to vector<1x1x16xf32>
        tpu.vector_store %arg11[%swap3A_329, %swap3A_330, %swap3A_331], %swap3A_334 {strides = array<i32>} : memref<2x256x128xf32, #tpu.memory_space<vmem>>, vector<1x1x16xf32>,
        %mul3A_335 = arith.mulf %broadcast_in_dim3A_321, %get3A_9 : vector<16xf32>
        %add3A_336 = arith.addf %mul3A_335, %get3A_21 : vector<16xf32>
        %swap3A_337 = arith.constant 1 : i32
        %swap3A_338 = arith.index_cast %swap3A_337 : i32 to index
        %swap3A_339 = arith.index_cast %add3A_325 : i32 to index
        %swap3A_340 = arith.constant 80 : index
        %swap3A_341 = tpu.vector_load %arg11[%swap3A_338, %swap3A_339, %swap3A_340] {strides = array<i32>} : memref<2x256x128xf32, #tpu.memory_space<vmem>>, vector<1x1x16xf32>,
        %swap3A_342 = vector.shape_cast %swap3A_341 : vector<1x1x16xf32> to vector<16xf32>
        %swap3A_343 = vector.shape_cast %add3A_336 : vector<16xf32> to vector<1x1x16xf32>
        tpu.vector_store %arg11[%swap3A_338, %swap3A_339, %swap3A_340], %swap3A_343 {strides = array<i32>} : memref<2x256x128xf32, #tpu.memory_space<vmem>>, vector<1x1x16xf32>,
        %mul3A_344 = arith.mulf %broadcast_in_dim3A_321, %get3A_12 : vector<16xf32>
        %add3A_345 = arith.addf %mul3A_344, %get3A_24 : vector<16xf32>
        %swap3A_346 = arith.constant 1 : i32
        %swap3A_347 = arith.index_cast %swap3A_346 : i32 to index
        %swap3A_348 = arith.index_cast %add3A_325 : i32 to index
        %swap3A_349 = arith.constant 96 : index
        %swap3A_350 = tpu.vector_load %arg11[%swap3A_347, %swap3A_348, %swap3A_349] {strides = array<i32>} : memref<2x256x128xf32, #tpu.memory_space<vmem>>, vector<1x1x16xf32>,
        %swap3A_351 = vector.shape_cast %swap3A_350 : vector<1x1x16xf32> to vector<16xf32>
        %swap3A_352 = vector.shape_cast %add3A_345 : vector<16xf32> to vector<1x1x16xf32>
        tpu.vector_store %arg11[%swap3A_347, %swap3A_348, %swap3A_349], %swap3A_352 {strides = array<i32>} : memref<2x256x128xf32, #tpu.memory_space<vmem>>, vector<1x1x16xf32>,
        %mul3A_353 = arith.mulf %broadcast_in_dim3A_321, %select_n3A : vector<16xf32>
        %add3A_354 = arith.addf %mul3A_353, %select_n3A_30 : vector<16xf32>
        %swap3A_355 = arith.constant 1 : i32
        %swap3A_356 = arith.index_cast %swap3A_355 : i32 to index
        %swap3A_357 = arith.index_cast %add3A_325 : i32 to index
        %swap3A_358 = arith.constant 112 : index
        %swap3A_359 = tpu.vector_load %arg11[%swap3A_356, %swap3A_357, %swap3A_358] {strides = array<i32>} : memref<2x256x128xf32, #tpu.memory_space<vmem>>, vector<1x1x16xf32>,
        %swap3A_360 = vector.shape_cast %swap3A_359 : vector<1x1x16xf32> to vector<16xf32>
        %swap3A_361 = vector.shape_cast %add3A_354 : vector<16xf32> to vector<1x1x16xf32>
        tpu.vector_store %arg11[%swap3A_356, %swap3A_357, %swap3A_358], %swap3A_361 {strides = array<i32>} : memref<2x256x128xf32, #tpu.memory_space<vmem>>, vector<1x1x16xf32>,
        %slice3A_362 = vector.extract_strided_slice %get3A_278 {offsets = [2], sizes = [1], strides = [1]} : vector<16xf32> to vector<1xf32>
        %squeeze3A_363 = vector.extract %slice3A_362[0] : f32 from vector<1xf32>
        %broadcast_in_dim3A_364 = vector.broadcast %squeeze3A_363 : f32 to vector<16xf32>
        %mul3A_365 = arith.constant 16 : i32
        %mul3A_366 = arith.muli %scan3A_271, %mul3A_365 : i32
        %add3A_367 = arith.constant 2 : i32
        %add3A_368 = arith.addi %mul3A_366, %add3A_367 : i32
        %mul3A_369 = arith.mulf %broadcast_in_dim3A_364, %get3A_6 : vector<16xf32>
        %add3A_370 = arith.addf %mul3A_369, %get3A_18 : vector<16xf32>
        %swap3A_371 = arith.constant 1 : i32
        %swap3A_372 = arith.index_cast %swap3A_371 : i32 to index
        %swap3A_373 = arith.index_cast %add3A_368 : i32 to index
        %swap3A_374 = arith.constant 64 : index
        %swap3A_375 = tpu.vector_load %arg11[%swap3A_372, %swap3A_373, %swap3A_374] {strides = array<i32>} : memref<2x256x128xf32, #tpu.memory_space<vmem>>, vector<1x1x16xf32>,
        %swap3A_376 = vector.shape_cast %swap3A_375 : vector<1x1x16xf32> to vector<16xf32>
        %swap3A_377 = vector.shape_cast %add3A_370 : vector<16xf32> to vector<1x1x16xf32>
        tpu.vector_store %arg11[%swap3A_372, %swap3A_373, %swap3A_374], %swap3A_377 {strides = array<i32>} : memref<2x256x128xf32, #tpu.memory_space<vmem>>, vector<1x1x16xf32>,
        %mul3A_378 = arith.mulf %broadcast_in_dim3A_364, %get3A_9 : vector<16xf32>
        %add3A_379 = arith.addf %mul3A_378, %get3A_21 : vector<16xf32>
        %swap3A_380 = arith.constant 1 : i32
        %swap3A_381 = arith.index_cast %swap3A_380 : i32 to index
        %swap3A_382 = arith.index_cast %add3A_368 : i32 to index
        %swap3A_383 = arith.constant 80 : index
        %swap3A_384 = tpu.vector_load %arg11[%swap3A_381, %swap3A_382, %swap3A_383] {strides = array<i32>} : memref<2x256x128xf32, #tpu.memory_space<vmem>>, vector<1x1x16xf32>,
        %swap3A_385 = vector.shape_cast %swap3A_384 : vector<1x1x16xf32> to vector<16xf32>
        %swap3A_386 = vector.shape_cast %add3A_379 : vector<16xf32> to vector<1x1x16xf32>
        tpu.vector_store %arg11[%swap3A_381, %swap3A_382, %swap3A_383], %swap3A_386 {strides = array<i32>} : memref<2x256x128xf32, #tpu.memory_space<vmem>>, vector<1x1x16xf32>,
        %mul3A_387 = arith.mulf %broadcast_in_dim3A_364, %get3A_12 : vector<16xf32>
        %add3A_388 = arith.addf %mul3A_387, %get3A_24 : vector<16xf32>
        %swap3A_389 = arith.constant 1 : i32
        %swap3A_390 = arith.index_cast %swap3A_389 : i32 to index
        %swap3A_391 = arith.index_cast %add3A_368 : i32 to index
        %swap3A_392 = arith.constant 96 : index
        %swap3A_393 = tpu.vector_load %arg11[%swap3A_390, %swap3A_391, %swap3A_392] {strides = array<i32>} : memref<2x256x128xf32, #tpu.memory_space<vmem>>, vector<1x1x16xf32>,
        %swap3A_394 = vector.shape_cast %swap3A_393 : vector<1x1x16xf32> to vector<16xf32>
        %swap3A_395 = vector.shape_cast %add3A_388 : vector<16xf32> to vector<1x1x16xf32>
        tpu.vector_store %arg11[%swap3A_390, %swap3A_391, %swap3A_392], %swap3A_395 {strides = array<i32>} : memref<2x256x128xf32, #tpu.memory_space<vmem>>, vector<1x1x16xf32>,
        %mul3A_396 = arith.mulf %broadcast_in_dim3A_364, %select_n3A : vector<16xf32>
        %add3A_397 = arith.addf %mul3A_396, %select_n3A_30 : vector<16xf32>
        %swap3A_398 = arith.constant 1 : i32
        %swap3A_399 = arith.index_cast %swap3A_398 : i32 to index
        %swap3A_400 = arith.index_cast %add3A_368 : i32 to index
        %swap3A_401 = arith.constant 112 : index
        %swap3A_402 = tpu.vector_load %arg11[%swap3A_399, %swap3A_400, %swap3A_401] {strides = array<i32>} : memref<2x256x128xf32, #tpu.memory_space<vmem>>, vector<1x1x16xf32>,
        %swap3A_403 = vector.shape_cast %swap3A_402 : vector<1x1x16xf32> to vector<16xf32>
        %swap3A_404 = vector.shape_cast %add3A_397 : vector<16xf32> to vector<1x1x16xf32>
        tpu.vector_store %arg11[%swap3A_399, %swap3A_400, %swap3A_401], %swap3A_404 {strides = array<i32>} : memref<2x256x128xf32, #tpu.memory_space<vmem>>, vector<1x1x16xf32>,
        %slice3A_405 = vector.extract_strided_slice %get3A_278 {offsets = [3], sizes = [1], strides = [1]} : vector<16xf32> to vector<1xf32>
        %squeeze3A_406 = vector.extract %slice3A_405[0] : f32 from vector<1xf32>
        %broadcast_in_dim3A_407 = vector.broadcast %squeeze3A_406 : f32 to vector<16xf32>
        %mul3A_408 = arith.constant 16 : i32
        %mul3A_409 = arith.muli %scan3A_271, %mul3A_408 : i32
        %add3A_410 = arith.constant 3 : i32
        %add3A_411 = arith.addi %mul3A_409, %add3A_410 : i32
        %mul3A_412 = arith.mulf %broadcast_in_dim3A_407, %get3A_6 : vector<16xf32>
        %add3A_413 = arith.addf %mul3A_412, %get3A_18 : vector<16xf32>
        %swap3A_414 = arith.constant 1 : i32
        %swap3A_415 = arith.index_cast %swap3A_414 : i32 to index
        %swap3A_416 = arith.index_cast %add3A_411 : i32 to index
        %swap3A_417 = arith.constant 64 : index
        %swap3A_418 = tpu.vector_load %arg11[%swap3A_415, %swap3A_416, %swap3A_417] {strides = array<i32>} : memref<2x256x128xf32, #tpu.memory_space<vmem>>, vector<1x1x16xf32>,
        %swap3A_419 = vector.shape_cast %swap3A_418 : vector<1x1x16xf32> to vector<16xf32>
        %swap3A_420 = vector.shape_cast %add3A_413 : vector<16xf32> to vector<1x1x16xf32>
        tpu.vector_store %arg11[%swap3A_415, %swap3A_416, %swap3A_417], %swap3A_420 {strides = array<i32>} : memref<2x256x128xf32, #tpu.memory_space<vmem>>, vector<1x1x16xf32>,
        %mul3A_421 = arith.mulf %broadcast_in_dim3A_407, %get3A_9 : vector<16xf32>
        %add3A_422 = arith.addf %mul3A_421, %get3A_21 : vector<16xf32>
        %swap3A_423 = arith.constant 1 : i32
        %swap3A_424 = arith.index_cast %swap3A_423 : i32 to index
        %swap3A_425 = arith.index_cast %add3A_411 : i32 to index
        %swap3A_426 = arith.constant 80 : index
        %swap3A_427 = tpu.vector_load %arg11[%swap3A_424, %swap3A_425, %swap3A_426] {strides = array<i32>} : memref<2x256x128xf32, #tpu.memory_space<vmem>>, vector<1x1x16xf32>,
        %swap3A_428 = vector.shape_cast %swap3A_427 : vector<1x1x16xf32> to vector<16xf32>
        %swap3A_429 = vector.shape_cast %add3A_422 : vector<16xf32> to vector<1x1x16xf32>
        tpu.vector_store %arg11[%swap3A_424, %swap3A_425, %swap3A_426], %swap3A_429 {strides = array<i32>} : memref<2x256x128xf32, #tpu.memory_space<vmem>>, vector<1x1x16xf32>,
        %mul3A_430 = arith.mulf %broadcast_in_dim3A_407, %get3A_12 : vector<16xf32>
        %add3A_431 = arith.addf %mul3A_430, %get3A_24 : vector<16xf32>
        %swap3A_432 = arith.constant 1 : i32
        %swap3A_433 = arith.index_cast %swap3A_432 : i32 to index
        %swap3A_434 = arith.index_cast %add3A_411 : i32 to index
        %swap3A_435 = arith.constant 96 : index
        %swap3A_436 = tpu.vector_load %arg11[%swap3A_433, %swap3A_434, %swap3A_435] {strides = array<i32>} : memref<2x256x128xf32, #tpu.memory_space<vmem>>, vector<1x1x16xf32>,
        %swap3A_437 = vector.shape_cast %swap3A_436 : vector<1x1x16xf32> to vector<16xf32>
        %swap3A_438 = vector.shape_cast %add3A_431 : vector<16xf32> to vector<1x1x16xf32>
        tpu.vector_store %arg11[%swap3A_433, %swap3A_434, %swap3A_435], %swap3A_438 {strides = array<i32>} : memref<2x256x128xf32, #tpu.memory_space<vmem>>, vector<1x1x16xf32>,
        %mul3A_439 = arith.mulf %broadcast_in_dim3A_407, %select_n3A : vector<16xf32>
        %add3A_440 = arith.addf %mul3A_439, %select_n3A_30 : vector<16xf32>
        %swap3A_441 = arith.constant 1 : i32
        %swap3A_442 = arith.index_cast %swap3A_441 : i32 to index
        %swap3A_443 = arith.index_cast %add3A_411 : i32 to index
        %swap3A_444 = arith.constant 112 : index
        %swap3A_445 = tpu.vector_load %arg11[%swap3A_442, %swap3A_443, %swap3A_444] {strides = array<i32>} : memref<2x256x128xf32, #tpu.memory_space<vmem>>, vector<1x1x16xf32>,
        %swap3A_446 = vector.shape_cast %swap3A_445 : vector<1x1x16xf32> to vector<16xf32>
        %swap3A_447 = vector.shape_cast %add3A_440 : vector<16xf32> to vector<1x1x16xf32>
        tpu.vector_store %arg11[%swap3A_442, %swap3A_443, %swap3A_444], %swap3A_447 {strides = array<i32>} : memref<2x256x128xf32, #tpu.memory_space<vmem>>, vector<1x1x16xf32>,
        %slice3A_448 = vector.extract_strided_slice %get3A_278 {offsets = [4], sizes = [1], strides = [1]} : vector<16xf32> to vector<1xf32>
        %squeeze3A_449 = vector.extract %slice3A_448[0] : f32 from vector<1xf32>
        %broadcast_in_dim3A_450 = vector.broadcast %squeeze3A_449 : f32 to vector<16xf32>
        %mul3A_451 = arith.constant 16 : i32
        %mul3A_452 = arith.muli %scan3A_271, %mul3A_451 : i32
        %add3A_453 = arith.constant 4 : i32
        %add3A_454 = arith.addi %mul3A_452, %add3A_453 : i32
        %mul3A_455 = arith.mulf %broadcast_in_dim3A_450, %get3A_6 : vector<16xf32>
        %add3A_456 = arith.addf %mul3A_455, %get3A_18 : vector<16xf32>
        %swap3A_457 = arith.constant 1 : i32
        %swap3A_458 = arith.index_cast %swap3A_457 : i32 to index
        %swap3A_459 = arith.index_cast %add3A_454 : i32 to index
        %swap3A_460 = arith.constant 64 : index
        %swap3A_461 = tpu.vector_load %arg11[%swap3A_458, %swap3A_459, %swap3A_460] {strides = array<i32>} : memref<2x256x128xf32, #tpu.memory_space<vmem>>, vector<1x1x16xf32>,
        %swap3A_462 = vector.shape_cast %swap3A_461 : vector<1x1x16xf32> to vector<16xf32>
        %swap3A_463 = vector.shape_cast %add3A_456 : vector<16xf32> to vector<1x1x16xf32>
        tpu.vector_store %arg11[%swap3A_458, %swap3A_459, %swap3A_460], %swap3A_463 {strides = array<i32>} : memref<2x256x128xf32, #tpu.memory_space<vmem>>, vector<1x1x16xf32>,
        %mul3A_464 = arith.mulf %broadcast_in_dim3A_450, %get3A_9 : vector<16xf32>
        %add3A_465 = arith.addf %mul3A_464, %get3A_21 : vector<16xf32>
        %swap3A_466 = arith.constant 1 : i32
        %swap3A_467 = arith.index_cast %swap3A_466 : i32 to index
        %swap3A_468 = arith.index_cast %add3A_454 : i32 to index
        %swap3A_469 = arith.constant 80 : index
        %swap3A_470 = tpu.vector_load %arg11[%swap3A_467, %swap3A_468, %swap3A_469] {strides = array<i32>} : memref<2x256x128xf32, #tpu.memory_space<vmem>>, vector<1x1x16xf32>,
        %swap3A_471 = vector.shape_cast %swap3A_470 : vector<1x1x16xf32> to vector<16xf32>
        %swap3A_472 = vector.shape_cast %add3A_465 : vector<16xf32> to vector<1x1x16xf32>
        tpu.vector_store %arg11[%swap3A_467, %swap3A_468, %swap3A_469], %swap3A_472 {strides = array<i32>} : memref<2x256x128xf32, #tpu.memory_space<vmem>>, vector<1x1x16xf32>,
        %mul3A_473 = arith.mulf %broadcast_in_dim3A_450, %get3A_12 : vector<16xf32>
        %add3A_474 = arith.addf %mul3A_473, %get3A_24 : vector<16xf32>
        %swap3A_475 = arith.constant 1 : i32
        %swap3A_476 = arith.index_cast %swap3A_475 : i32 to index
        %swap3A_477 = arith.index_cast %add3A_454 : i32 to index
        %swap3A_478 = arith.constant 96 : index
        %swap3A_479 = tpu.vector_load %arg11[%swap3A_476, %swap3A_477, %swap3A_478] {strides = array<i32>} : memref<2x256x128xf32, #tpu.memory_space<vmem>>, vector<1x1x16xf32>,
        %swap3A_480 = vector.shape_cast %swap3A_479 : vector<1x1x16xf32> to vector<16xf32>
        %swap3A_481 = vector.shape_cast %add3A_474 : vector<16xf32> to vector<1x1x16xf32>
        tpu.vector_store %arg11[%swap3A_476, %swap3A_477, %swap3A_478], %swap3A_481 {strides = array<i32>} : memref<2x256x128xf32, #tpu.memory_space<vmem>>, vector<1x1x16xf32>,
        %mul3A_482 = arith.mulf %broadcast_in_dim3A_450, %select_n3A : vector<16xf32>
        %add3A_483 = arith.addf %mul3A_482, %select_n3A_30 : vector<16xf32>
        %swap3A_484 = arith.constant 1 : i32
        %swap3A_485 = arith.index_cast %swap3A_484 : i32 to index
        %swap3A_486 = arith.index_cast %add3A_454 : i32 to index
        %swap3A_487 = arith.constant 112 : index
        %swap3A_488 = tpu.vector_load %arg11[%swap3A_485, %swap3A_486, %swap3A_487] {strides = array<i32>} : memref<2x256x128xf32, #tpu.memory_space<vmem>>, vector<1x1x16xf32>,
        %swap3A_489 = vector.shape_cast %swap3A_488 : vector<1x1x16xf32> to vector<16xf32>
        %swap3A_490 = vector.shape_cast %add3A_483 : vector<16xf32> to vector<1x1x16xf32>
        tpu.vector_store %arg11[%swap3A_485, %swap3A_486, %swap3A_487], %swap3A_490 {strides = array<i32>} : memref<2x256x128xf32, #tpu.memory_space<vmem>>, vector<1x1x16xf32>,
        %slice3A_491 = vector.extract_strided_slice %get3A_278 {offsets = [5], sizes = [1], strides = [1]} : vector<16xf32> to vector<1xf32>
        %squeeze3A_492 = vector.extract %slice3A_491[0] : f32 from vector<1xf32>
        %broadcast_in_dim3A_493 = vector.broadcast %squeeze3A_492 : f32 to vector<16xf32>
        %mul3A_494 = arith.constant 16 : i32
        %mul3A_495 = arith.muli %scan3A_271, %mul3A_494 : i32
        %add3A_496 = arith.constant 5 : i32
        %add3A_497 = arith.addi %mul3A_495, %add3A_496 : i32
        %mul3A_498 = arith.mulf %broadcast_in_dim3A_493, %get3A_6 : vector<16xf32>
        %add3A_499 = arith.addf %mul3A_498, %get3A_18 : vector<16xf32>
        %swap3A_500 = arith.constant 1 : i32
        %swap3A_501 = arith.index_cast %swap3A_500 : i32 to index
        %swap3A_502 = arith.index_cast %add3A_497 : i32 to index
        %swap3A_503 = arith.constant 64 : index
        %swap3A_504 = tpu.vector_load %arg11[%swap3A_501, %swap3A_502, %swap3A_503] {strides = array<i32>} : memref<2x256x128xf32, #tpu.memory_space<vmem>>, vector<1x1x16xf32>,
        %swap3A_505 = vector.shape_cast %swap3A_504 : vector<1x1x16xf32> to vector<16xf32>
        %swap3A_506 = vector.shape_cast %add3A_499 : vector<16xf32> to vector<1x1x16xf32>
        tpu.vector_store %arg11[%swap3A_501, %swap3A_502, %swap3A_503], %swap3A_506 {strides = array<i32>} : memref<2x256x128xf32, #tpu.memory_space<vmem>>, vector<1x1x16xf32>,
        %mul3A_507 = arith.mulf %broadcast_in_dim3A_493, %get3A_9 : vector<16xf32>
        %add3A_508 = arith.addf %mul3A_507, %get3A_21 : vector<16xf32>
        %swap3A_509 = arith.constant 1 : i32
        %swap3A_510 = arith.index_cast %swap3A_509 : i32 to index
        %swap3A_511 = arith.index_cast %add3A_497 : i32 to index
        %swap3A_512 = arith.constant 80 : index
        %swap3A_513 = tpu.vector_load %arg11[%swap3A_510, %swap3A_511, %swap3A_512] {strides = array<i32>} : memref<2x256x128xf32, #tpu.memory_space<vmem>>, vector<1x1x16xf32>,
        %swap3A_514 = vector.shape_cast %swap3A_513 : vector<1x1x16xf32> to vector<16xf32>
        %swap3A_515 = vector.shape_cast %add3A_508 : vector<16xf32> to vector<1x1x16xf32>
        tpu.vector_store %arg11[%swap3A_510, %swap3A_511, %swap3A_512], %swap3A_515 {strides = array<i32>} : memref<2x256x128xf32, #tpu.memory_space<vmem>>, vector<1x1x16xf32>,
        %mul3A_516 = arith.mulf %broadcast_in_dim3A_493, %get3A_12 : vector<16xf32>
        %add3A_517 = arith.addf %mul3A_516, %get3A_24 : vector<16xf32>
        %swap3A_518 = arith.constant 1 : i32
        %swap3A_519 = arith.index_cast %swap3A_518 : i32 to index
        %swap3A_520 = arith.index_cast %add3A_497 : i32 to index
        %swap3A_521 = arith.constant 96 : index
        %swap3A_522 = tpu.vector_load %arg11[%swap3A_519, %swap3A_520, %swap3A_521] {strides = array<i32>} : memref<2x256x128xf32, #tpu.memory_space<vmem>>, vector<1x1x16xf32>,
        %swap3A_523 = vector.shape_cast %swap3A_522 : vector<1x1x16xf32> to vector<16xf32>
        %swap3A_524 = vector.shape_cast %add3A_517 : vector<16xf32> to vector<1x1x16xf32>
        tpu.vector_store %arg11[%swap3A_519, %swap3A_520, %swap3A_521], %swap3A_524 {strides = array<i32>} : memref<2x256x128xf32, #tpu.memory_space<vmem>>, vector<1x1x16xf32>,
        %mul3A_525 = arith.mulf %broadcast_in_dim3A_493, %select_n3A : vector<16xf32>
        %add3A_526 = arith.addf %mul3A_525, %select_n3A_30 : vector<16xf32>
        %swap3A_527 = arith.constant 1 : i32
        %swap3A_528 = arith.index_cast %swap3A_527 : i32 to index
        %swap3A_529 = arith.index_cast %add3A_497 : i32 to index
        %swap3A_530 = arith.constant 112 : index
        %swap3A_531 = tpu.vector_load %arg11[%swap3A_528, %swap3A_529, %swap3A_530] {strides = array<i32>} : memref<2x256x128xf32, #tpu.memory_space<vmem>>, vector<1x1x16xf32>,
        %swap3A_532 = vector.shape_cast %swap3A_531 : vector<1x1x16xf32> to vector<16xf32>
        %swap3A_533 = vector.shape_cast %add3A_526 : vector<16xf32> to vector<1x1x16xf32>
        tpu.vector_store %arg11[%swap3A_528, %swap3A_529, %swap3A_530], %swap3A_533 {strides = array<i32>} : memref<2x256x128xf32, #tpu.memory_space<vmem>>, vector<1x1x16xf32>,
        %slice3A_534 = vector.extract_strided_slice %get3A_278 {offsets = [6], sizes = [1], strides = [1]} : vector<16xf32> to vector<1xf32>
        %squeeze3A_535 = vector.extract %slice3A_534[0] : f32 from vector<1xf32>
        %broadcast_in_dim3A_536 = vector.broadcast %squeeze3A_535 : f32 to vector<16xf32>
        %mul3A_537 = arith.constant 16 : i32
        %mul3A_538 = arith.muli %scan3A_271, %mul3A_537 : i32
        %add3A_539 = arith.constant 6 : i32
        %add3A_540 = arith.addi %mul3A_538, %add3A_539 : i32
        %mul3A_541 = arith.mulf %broadcast_in_dim3A_536, %get3A_6 : vector<16xf32>
        %add3A_542 = arith.addf %mul3A_541, %get3A_18 : vector<16xf32>
        %swap3A_543 = arith.constant 1 : i32
        %swap3A_544 = arith.index_cast %swap3A_543 : i32 to index
        %swap3A_545 = arith.index_cast %add3A_540 : i32 to index
        %swap3A_546 = arith.constant 64 : index
        %swap3A_547 = tpu.vector_load %arg11[%swap3A_544, %swap3A_545, %swap3A_546] {strides = array<i32>} : memref<2x256x128xf32, #tpu.memory_space<vmem>>, vector<1x1x16xf32>,
        %swap3A_548 = vector.shape_cast %swap3A_547 : vector<1x1x16xf32> to vector<16xf32>
        %swap3A_549 = vector.shape_cast %add3A_542 : vector<16xf32> to vector<1x1x16xf32>
        tpu.vector_store %arg11[%swap3A_544, %swap3A_545, %swap3A_546], %swap3A_549 {strides = array<i32>} : memref<2x256x128xf32, #tpu.memory_space<vmem>>, vector<1x1x16xf32>,
        %mul3A_550 = arith.mulf %broadcast_in_dim3A_536, %get3A_9 : vector<16xf32>
        %add3A_551 = arith.addf %mul3A_550, %get3A_21 : vector<16xf32>
        %swap3A_552 = arith.constant 1 : i32
        %swap3A_553 = arith.index_cast %swap3A_552 : i32 to index
        %swap3A_554 = arith.index_cast %add3A_540 : i32 to index
        %swap3A_555 = arith.constant 80 : index
        %swap3A_556 = tpu.vector_load %arg11[%swap3A_553, %swap3A_554, %swap3A_555] {strides = array<i32>} : memref<2x256x128xf32, #tpu.memory_space<vmem>>, vector<1x1x16xf32>,
        %swap3A_557 = vector.shape_cast %swap3A_556 : vector<1x1x16xf32> to vector<16xf32>
        %swap3A_558 = vector.shape_cast %add3A_551 : vector<16xf32> to vector<1x1x16xf32>
        tpu.vector_store %arg11[%swap3A_553, %swap3A_554, %swap3A_555], %swap3A_558 {strides = array<i32>} : memref<2x256x128xf32, #tpu.memory_space<vmem>>, vector<1x1x16xf32>,
        %mul3A_559 = arith.mulf %broadcast_in_dim3A_536, %get3A_12 : vector<16xf32>
        %add3A_560 = arith.addf %mul3A_559, %get3A_24 : vector<16xf32>
        %swap3A_561 = arith.constant 1 : i32
        %swap3A_562 = arith.index_cast %swap3A_561 : i32 to index
        %swap3A_563 = arith.index_cast %add3A_540 : i32 to index
        %swap3A_564 = arith.constant 96 : index
        %swap3A_565 = tpu.vector_load %arg11[%swap3A_562, %swap3A_563, %swap3A_564] {strides = array<i32>} : memref<2x256x128xf32, #tpu.memory_space<vmem>>, vector<1x1x16xf32>,
        %swap3A_566 = vector.shape_cast %swap3A_565 : vector<1x1x16xf32> to vector<16xf32>
        %swap3A_567 = vector.shape_cast %add3A_560 : vector<16xf32> to vector<1x1x16xf32>
        tpu.vector_store %arg11[%swap3A_562, %swap3A_563, %swap3A_564], %swap3A_567 {strides = array<i32>} : memref<2x256x128xf32, #tpu.memory_space<vmem>>, vector<1x1x16xf32>,
        %mul3A_568 = arith.mulf %broadcast_in_dim3A_536, %select_n3A : vector<16xf32>
        %add3A_569 = arith.addf %mul3A_568, %select_n3A_30 : vector<16xf32>
        %swap3A_570 = arith.constant 1 : i32
        %swap3A_571 = arith.index_cast %swap3A_570 : i32 to index
        %swap3A_572 = arith.index_cast %add3A_540 : i32 to index
        %swap3A_573 = arith.constant 112 : index
        %swap3A_574 = tpu.vector_load %arg11[%swap3A_571, %swap3A_572, %swap3A_573] {strides = array<i32>} : memref<2x256x128xf32, #tpu.memory_space<vmem>>, vector<1x1x16xf32>,
        %swap3A_575 = vector.shape_cast %swap3A_574 : vector<1x1x16xf32> to vector<16xf32>
        %swap3A_576 = vector.shape_cast %add3A_569 : vector<16xf32> to vector<1x1x16xf32>
        tpu.vector_store %arg11[%swap3A_571, %swap3A_572, %swap3A_573], %swap3A_576 {strides = array<i32>} : memref<2x256x128xf32, #tpu.memory_space<vmem>>, vector<1x1x16xf32>,
        %slice3A_577 = vector.extract_strided_slice %get3A_278 {offsets = [7], sizes = [1], strides = [1]} : vector<16xf32> to vector<1xf32>
        %squeeze3A_578 = vector.extract %slice3A_577[0] : f32 from vector<1xf32>
        %broadcast_in_dim3A_579 = vector.broadcast %squeeze3A_578 : f32 to vector<16xf32>
        %mul3A_580 = arith.constant 16 : i32
        %mul3A_581 = arith.muli %scan3A_271, %mul3A_580 : i32
        %add3A_582 = arith.constant 7 : i32
        %add3A_583 = arith.addi %mul3A_581, %add3A_582 : i32
        %mul3A_584 = arith.mulf %broadcast_in_dim3A_579, %get3A_6 : vector<16xf32>
        %add3A_585 = arith.addf %mul3A_584, %get3A_18 : vector<16xf32>
        %swap3A_586 = arith.constant 1 : i32
        %swap3A_587 = arith.index_cast %swap3A_586 : i32 to index
        %swap3A_588 = arith.index_cast %add3A_583 : i32 to index
        %swap3A_589 = arith.constant 64 : index
        %swap3A_590 = tpu.vector_load %arg11[%swap3A_587, %swap3A_588, %swap3A_589] {strides = array<i32>} : memref<2x256x128xf32, #tpu.memory_space<vmem>>, vector<1x1x16xf32>,
        %swap3A_591 = vector.shape_cast %swap3A_590 : vector<1x1x16xf32> to vector<16xf32>
        %swap3A_592 = vector.shape_cast %add3A_585 : vector<16xf32> to vector<1x1x16xf32>
        tpu.vector_store %arg11[%swap3A_587, %swap3A_588, %swap3A_589], %swap3A_592 {strides = array<i32>} : memref<2x256x128xf32, #tpu.memory_space<vmem>>, vector<1x1x16xf32>,
        %mul3A_593 = arith.mulf %broadcast_in_dim3A_579, %get3A_9 : vector<16xf32>
        %add3A_594 = arith.addf %mul3A_593, %get3A_21 : vector<16xf32>
        %swap3A_595 = arith.constant 1 : i32
        %swap3A_596 = arith.index_cast %swap3A_595 : i32 to index
        %swap3A_597 = arith.index_cast %add3A_583 : i32 to index
        %swap3A_598 = arith.constant 80 : index
        %swap3A_599 = tpu.vector_load %arg11[%swap3A_596, %swap3A_597, %swap3A_598] {strides = array<i32>} : memref<2x256x128xf32, #tpu.memory_space<vmem>>, vector<1x1x16xf32>,
        %swap3A_600 = vector.shape_cast %swap3A_599 : vector<1x1x16xf32> to vector<16xf32>
        %swap3A_601 = vector.shape_cast %add3A_594 : vector<16xf32> to vector<1x1x16xf32>
        tpu.vector_store %arg11[%swap3A_596, %swap3A_597, %swap3A_598], %swap3A_601 {strides = array<i32>} : memref<2x256x128xf32, #tpu.memory_space<vmem>>, vector<1x1x16xf32>,
        %mul3A_602 = arith.mulf %broadcast_in_dim3A_579, %get3A_12 : vector<16xf32>
        %add3A_603 = arith.addf %mul3A_602, %get3A_24 : vector<16xf32>
        %swap3A_604 = arith.constant 1 : i32
        %swap3A_605 = arith.index_cast %swap3A_604 : i32 to index
        %swap3A_606 = arith.index_cast %add3A_583 : i32 to index
        %swap3A_607 = arith.constant 96 : index
        %swap3A_608 = tpu.vector_load %arg11[%swap3A_605, %swap3A_606, %swap3A_607] {strides = array<i32>} : memref<2x256x128xf32, #tpu.memory_space<vmem>>, vector<1x1x16xf32>,
        %swap3A_609 = vector.shape_cast %swap3A_608 : vector<1x1x16xf32> to vector<16xf32>
        %swap3A_610 = vector.shape_cast %add3A_603 : vector<16xf32> to vector<1x1x16xf32>
        tpu.vector_store %arg11[%swap3A_605, %swap3A_606, %swap3A_607], %swap3A_610 {strides = array<i32>} : memref<2x256x128xf32, #tpu.memory_space<vmem>>, vector<1x1x16xf32>,
        %mul3A_611 = arith.mulf %broadcast_in_dim3A_579, %select_n3A : vector<16xf32>
        %add3A_612 = arith.addf %mul3A_611, %select_n3A_30 : vector<16xf32>
        %swap3A_613 = arith.constant 1 : i32
        %swap3A_614 = arith.index_cast %swap3A_613 : i32 to index
        %swap3A_615 = arith.index_cast %add3A_583 : i32 to index
        %swap3A_616 = arith.constant 112 : index
        %swap3A_617 = tpu.vector_load %arg11[%swap3A_614, %swap3A_615, %swap3A_616] {strides = array<i32>} : memref<2x256x128xf32, #tpu.memory_space<vmem>>, vector<1x1x16xf32>,
        %swap3A_618 = vector.shape_cast %swap3A_617 : vector<1x1x16xf32> to vector<16xf32>
        %swap3A_619 = vector.shape_cast %add3A_612 : vector<16xf32> to vector<1x1x16xf32>
        tpu.vector_store %arg11[%swap3A_614, %swap3A_615, %swap3A_616], %swap3A_619 {strides = array<i32>} : memref<2x256x128xf32, #tpu.memory_space<vmem>>, vector<1x1x16xf32>,
        %slice3A_620 = vector.extract_strided_slice %get3A_278 {offsets = [8], sizes = [1], strides = [1]} : vector<16xf32> to vector<1xf32>
        %squeeze3A_621 = vector.extract %slice3A_620[0] : f32 from vector<1xf32>
        %broadcast_in_dim3A_622 = vector.broadcast %squeeze3A_621 : f32 to vector<16xf32>
        %mul3A_623 = arith.constant 16 : i32
        %mul3A_624 = arith.muli %scan3A_271, %mul3A_623 : i32
        %add3A_625 = arith.constant 8 : i32
        %add3A_626 = arith.addi %mul3A_624, %add3A_625 : i32
        %mul3A_627 = arith.mulf %broadcast_in_dim3A_622, %get3A_6 : vector<16xf32>
        %add3A_628 = arith.addf %mul3A_627, %get3A_18 : vector<16xf32>
        %swap3A_629 = arith.constant 1 : i32
        %swap3A_630 = arith.index_cast %swap3A_629 : i32 to index
        %swap3A_631 = arith.index_cast %add3A_626 : i32 to index
        %swap3A_632 = arith.constant 64 : index
        %swap3A_633 = tpu.vector_load %arg11[%swap3A_630, %swap3A_631, %swap3A_632] {strides = array<i32>} : memref<2x256x128xf32, #tpu.memory_space<vmem>>, vector<1x1x16xf32>,
        %swap3A_634 = vector.shape_cast %swap3A_633 : vector<1x1x16xf32> to vector<16xf32>
        %swap3A_635 = vector.shape_cast %add3A_628 : vector<16xf32> to vector<1x1x16xf32>
        tpu.vector_store %arg11[%swap3A_630, %swap3A_631, %swap3A_632], %swap3A_635 {strides = array<i32>} : memref<2x256x128xf32, #tpu.memory_space<vmem>>, vector<1x1x16xf32>,
        %mul3A_636 = arith.mulf %broadcast_in_dim3A_622, %get3A_9 : vector<16xf32>
        %add3A_637 = arith.addf %mul3A_636, %get3A_21 : vector<16xf32>
        %swap3A_638 = arith.constant 1 : i32
        %swap3A_639 = arith.index_cast %swap3A_638 : i32 to index
        %swap3A_640 = arith.index_cast %add3A_626 : i32 to index
        %swap3A_641 = arith.constant 80 : index
        %swap3A_642 = tpu.vector_load %arg11[%swap3A_639, %swap3A_640, %swap3A_641] {strides = array<i32>} : memref<2x256x128xf32, #tpu.memory_space<vmem>>, vector<1x1x16xf32>,
        %swap3A_643 = vector.shape_cast %swap3A_642 : vector<1x1x16xf32> to vector<16xf32>
        %swap3A_644 = vector.shape_cast %add3A_637 : vector<16xf32> to vector<1x1x16xf32>
        tpu.vector_store %arg11[%swap3A_639, %swap3A_640, %swap3A_641], %swap3A_644 {strides = array<i32>} : memref<2x256x128xf32, #tpu.memory_space<vmem>>, vector<1x1x16xf32>,
        %mul3A_645 = arith.mulf %broadcast_in_dim3A_622, %get3A_12 : vector<16xf32>
        %add3A_646 = arith.addf %mul3A_645, %get3A_24 : vector<16xf32>
        %swap3A_647 = arith.constant 1 : i32
        %swap3A_648 = arith.index_cast %swap3A_647 : i32 to index
        %swap3A_649 = arith.index_cast %add3A_626 : i32 to index
        %swap3A_650 = arith.constant 96 : index
        %swap3A_651 = tpu.vector_load %arg11[%swap3A_648, %swap3A_649, %swap3A_650] {strides = array<i32>} : memref<2x256x128xf32, #tpu.memory_space<vmem>>, vector<1x1x16xf32>,
        %swap3A_652 = vector.shape_cast %swap3A_651 : vector<1x1x16xf32> to vector<16xf32>
        %swap3A_653 = vector.shape_cast %add3A_646 : vector<16xf32> to vector<1x1x16xf32>
        tpu.vector_store %arg11[%swap3A_648, %swap3A_649, %swap3A_650], %swap3A_653 {strides = array<i32>} : memref<2x256x128xf32, #tpu.memory_space<vmem>>, vector<1x1x16xf32>,
        %mul3A_654 = arith.mulf %broadcast_in_dim3A_622, %select_n3A : vector<16xf32>
        %add3A_655 = arith.addf %mul3A_654, %select_n3A_30 : vector<16xf32>
        %swap3A_656 = arith.constant 1 : i32
        %swap3A_657 = arith.index_cast %swap3A_656 : i32 to index
        %swap3A_658 = arith.index_cast %add3A_626 : i32 to index
        %swap3A_659 = arith.constant 112 : index
        %swap3A_660 = tpu.vector_load %arg11[%swap3A_657, %swap3A_658, %swap3A_659] {strides = array<i32>} : memref<2x256x128xf32, #tpu.memory_space<vmem>>, vector<1x1x16xf32>,
        %swap3A_661 = vector.shape_cast %swap3A_660 : vector<1x1x16xf32> to vector<16xf32>
        %swap3A_662 = vector.shape_cast %add3A_655 : vector<16xf32> to vector<1x1x16xf32>
        tpu.vector_store %arg11[%swap3A_657, %swap3A_658, %swap3A_659], %swap3A_662 {strides = array<i32>} : memref<2x256x128xf32, #tpu.memory_space<vmem>>, vector<1x1x16xf32>,
        %slice3A_663 = vector.extract_strided_slice %get3A_278 {offsets = [9], sizes = [1], strides = [1]} : vector<16xf32> to vector<1xf32>
        %squeeze3A_664 = vector.extract %slice3A_663[0] : f32 from vector<1xf32>
        %broadcast_in_dim3A_665 = vector.broadcast %squeeze3A_664 : f32 to vector<16xf32>
        %mul3A_666 = arith.constant 16 : i32
        %mul3A_667 = arith.muli %scan3A_271, %mul3A_666 : i32
        %add3A_668 = arith.constant 9 : i32
        %add3A_669 = arith.addi %mul3A_667, %add3A_668 : i32
        %mul3A_670 = arith.mulf %broadcast_in_dim3A_665, %get3A_6 : vector<16xf32>
        %add3A_671 = arith.addf %mul3A_670, %get3A_18 : vector<16xf32>
        %swap3A_672 = arith.constant 1 : i32
        %swap3A_673 = arith.index_cast %swap3A_672 : i32 to index
        %swap3A_674 = arith.index_cast %add3A_669 : i32 to index
        %swap3A_675 = arith.constant 64 : index
        %swap3A_676 = tpu.vector_load %arg11[%swap3A_673, %swap3A_674, %swap3A_675] {strides = array<i32>} : memref<2x256x128xf32, #tpu.memory_space<vmem>>, vector<1x1x16xf32>,
        %swap3A_677 = vector.shape_cast %swap3A_676 : vector<1x1x16xf32> to vector<16xf32>
        %swap3A_678 = vector.shape_cast %add3A_671 : vector<16xf32> to vector<1x1x16xf32>
        tpu.vector_store %arg11[%swap3A_673, %swap3A_674, %swap3A_675], %swap3A_678 {strides = array<i32>} : memref<2x256x128xf32, #tpu.memory_space<vmem>>, vector<1x1x16xf32>,
        %mul3A_679 = arith.mulf %broadcast_in_dim3A_665, %get3A_9 : vector<16xf32>
        %add3A_680 = arith.addf %mul3A_679, %get3A_21 : vector<16xf32>
        %swap3A_681 = arith.constant 1 : i32
        %swap3A_682 = arith.index_cast %swap3A_681 : i32 to index
        %swap3A_683 = arith.index_cast %add3A_669 : i32 to index
        %swap3A_684 = arith.constant 80 : index
        %swap3A_685 = tpu.vector_load %arg11[%swap3A_682, %swap3A_683, %swap3A_684] {strides = array<i32>} : memref<2x256x128xf32, #tpu.memory_space<vmem>>, vector<1x1x16xf32>,
        %swap3A_686 = vector.shape_cast %swap3A_685 : vector<1x1x16xf32> to vector<16xf32>
        %swap3A_687 = vector.shape_cast %add3A_680 : vector<16xf32> to vector<1x1x16xf32>
        tpu.vector_store %arg11[%swap3A_682, %swap3A_683, %swap3A_684], %swap3A_687 {strides = array<i32>} : memref<2x256x128xf32, #tpu.memory_space<vmem>>, vector<1x1x16xf32>,
        %mul3A_688 = arith.mulf %broadcast_in_dim3A_665, %get3A_12 : vector<16xf32>
        %add3A_689 = arith.addf %mul3A_688, %get3A_24 : vector<16xf32>
        %swap3A_690 = arith.constant 1 : i32
        %swap3A_691 = arith.index_cast %swap3A_690 : i32 to index
        %swap3A_692 = arith.index_cast %add3A_669 : i32 to index
        %swap3A_693 = arith.constant 96 : index
        %swap3A_694 = tpu.vector_load %arg11[%swap3A_691, %swap3A_692, %swap3A_693] {strides = array<i32>} : memref<2x256x128xf32, #tpu.memory_space<vmem>>, vector<1x1x16xf32>,
        %swap3A_695 = vector.shape_cast %swap3A_694 : vector<1x1x16xf32> to vector<16xf32>
        %swap3A_696 = vector.shape_cast %add3A_689 : vector<16xf32> to vector<1x1x16xf32>
        tpu.vector_store %arg11[%swap3A_691, %swap3A_692, %swap3A_693], %swap3A_696 {strides = array<i32>} : memref<2x256x128xf32, #tpu.memory_space<vmem>>, vector<1x1x16xf32>,
        %mul3A_697 = arith.mulf %broadcast_in_dim3A_665, %select_n3A : vector<16xf32>
        %add3A_698 = arith.addf %mul3A_697, %select_n3A_30 : vector<16xf32>
        %swap3A_699 = arith.constant 1 : i32
        %swap3A_700 = arith.index_cast %swap3A_699 : i32 to index
        %swap3A_701 = arith.index_cast %add3A_669 : i32 to index
        %swap3A_702 = arith.constant 112 : index
        %swap3A_703 = tpu.vector_load %arg11[%swap3A_700, %swap3A_701, %swap3A_702] {strides = array<i32>} : memref<2x256x128xf32, #tpu.memory_space<vmem>>, vector<1x1x16xf32>,
        %swap3A_704 = vector.shape_cast %swap3A_703 : vector<1x1x16xf32> to vector<16xf32>
        %swap3A_705 = vector.shape_cast %add3A_698 : vector<16xf32> to vector<1x1x16xf32>
        tpu.vector_store %arg11[%swap3A_700, %swap3A_701, %swap3A_702], %swap3A_705 {strides = array<i32>} : memref<2x256x128xf32, #tpu.memory_space<vmem>>, vector<1x1x16xf32>,
        %slice3A_706 = vector.extract_strided_slice %get3A_278 {offsets = [10], sizes = [1], strides = [1]} : vector<16xf32> to vector<1xf32>
        %squeeze3A_707 = vector.extract %slice3A_706[0] : f32 from vector<1xf32>
        %broadcast_in_dim3A_708 = vector.broadcast %squeeze3A_707 : f32 to vector<16xf32>
        %mul3A_709 = arith.constant 16 : i32
        %mul3A_710 = arith.muli %scan3A_271, %mul3A_709 : i32
        %add3A_711 = arith.constant 10 : i32
        %add3A_712 = arith.addi %mul3A_710, %add3A_711 : i32
        %mul3A_713 = arith.mulf %broadcast_in_dim3A_708, %get3A_6 : vector<16xf32>
        %add3A_714 = arith.addf %mul3A_713, %get3A_18 : vector<16xf32>
        %swap3A_715 = arith.constant 1 : i32
        %swap3A_716 = arith.index_cast %swap3A_715 : i32 to index
        %swap3A_717 = arith.index_cast %add3A_712 : i32 to index
        %swap3A_718 = arith.constant 64 : index
        %swap3A_719 = tpu.vector_load %arg11[%swap3A_716, %swap3A_717, %swap3A_718] {strides = array<i32>} : memref<2x256x128xf32, #tpu.memory_space<vmem>>, vector<1x1x16xf32>,
        %swap3A_720 = vector.shape_cast %swap3A_719 : vector<1x1x16xf32> to vector<16xf32>
        %swap3A_721 = vector.shape_cast %add3A_714 : vector<16xf32> to vector<1x1x16xf32>
        tpu.vector_store %arg11[%swap3A_716, %swap3A_717, %swap3A_718], %swap3A_721 {strides = array<i32>} : memref<2x256x128xf32, #tpu.memory_space<vmem>>, vector<1x1x16xf32>,
        %mul3A_722 = arith.mulf %broadcast_in_dim3A_708, %get3A_9 : vector<16xf32>
        %add3A_723 = arith.addf %mul3A_722, %get3A_21 : vector<16xf32>
        %swap3A_724 = arith.constant 1 : i32
        %swap3A_725 = arith.index_cast %swap3A_724 : i32 to index
        %swap3A_726 = arith.index_cast %add3A_712 : i32 to index
        %swap3A_727 = arith.constant 80 : index
        %swap3A_728 = tpu.vector_load %arg11[%swap3A_725, %swap3A_726, %swap3A_727] {strides = array<i32>} : memref<2x256x128xf32, #tpu.memory_space<vmem>>, vector<1x1x16xf32>,
        %swap3A_729 = vector.shape_cast %swap3A_728 : vector<1x1x16xf32> to vector<16xf32>
        %swap3A_730 = vector.shape_cast %add3A_723 : vector<16xf32> to vector<1x1x16xf32>
        tpu.vector_store %arg11[%swap3A_725, %swap3A_726, %swap3A_727], %swap3A_730 {strides = array<i32>} : memref<2x256x128xf32, #tpu.memory_space<vmem>>, vector<1x1x16xf32>,
        %mul3A_731 = arith.mulf %broadcast_in_dim3A_708, %get3A_12 : vector<16xf32>
        %add3A_732 = arith.addf %mul3A_731, %get3A_24 : vector<16xf32>
        %swap3A_733 = arith.constant 1 : i32
        %swap3A_734 = arith.index_cast %swap3A_733 : i32 to index
        %swap3A_735 = arith.index_cast %add3A_712 : i32 to index
        %swap3A_736 = arith.constant 96 : index
        %swap3A_737 = tpu.vector_load %arg11[%swap3A_734, %swap3A_735, %swap3A_736] {strides = array<i32>} : memref<2x256x128xf32, #tpu.memory_space<vmem>>, vector<1x1x16xf32>,
        %swap3A_738 = vector.shape_cast %swap3A_737 : vector<1x1x16xf32> to vector<16xf32>
        %swap3A_739 = vector.shape_cast %add3A_732 : vector<16xf32> to vector<1x1x16xf32>
        tpu.vector_store %arg11[%swap3A_734, %swap3A_735, %swap3A_736], %swap3A_739 {strides = array<i32>} : memref<2x256x128xf32, #tpu.memory_space<vmem>>, vector<1x1x16xf32>,
        %mul3A_740 = arith.mulf %broadcast_in_dim3A_708, %select_n3A : vector<16xf32>
        %add3A_741 = arith.addf %mul3A_740, %select_n3A_30 : vector<16xf32>
        %swap3A_742 = arith.constant 1 : i32
        %swap3A_743 = arith.index_cast %swap3A_742 : i32 to index
        %swap3A_744 = arith.index_cast %add3A_712 : i32 to index
        %swap3A_745 = arith.constant 112 : index
        %swap3A_746 = tpu.vector_load %arg11[%swap3A_743, %swap3A_744, %swap3A_745] {strides = array<i32>} : memref<2x256x128xf32, #tpu.memory_space<vmem>>, vector<1x1x16xf32>,
        %swap3A_747 = vector.shape_cast %swap3A_746 : vector<1x1x16xf32> to vector<16xf32>
        %swap3A_748 = vector.shape_cast %add3A_741 : vector<16xf32> to vector<1x1x16xf32>
        tpu.vector_store %arg11[%swap3A_743, %swap3A_744, %swap3A_745], %swap3A_748 {strides = array<i32>} : memref<2x256x128xf32, #tpu.memory_space<vmem>>, vector<1x1x16xf32>,
        %slice3A_749 = vector.extract_strided_slice %get3A_278 {offsets = [11], sizes = [1], strides = [1]} : vector<16xf32> to vector<1xf32>
        %squeeze3A_750 = vector.extract %slice3A_749[0] : f32 from vector<1xf32>
        %broadcast_in_dim3A_751 = vector.broadcast %squeeze3A_750 : f32 to vector<16xf32>
        %mul3A_752 = arith.constant 16 : i32
        %mul3A_753 = arith.muli %scan3A_271, %mul3A_752 : i32
        %add3A_754 = arith.constant 11 : i32
        %add3A_755 = arith.addi %mul3A_753, %add3A_754 : i32
        %mul3A_756 = arith.mulf %broadcast_in_dim3A_751, %get3A_6 : vector<16xf32>
        %add3A_757 = arith.addf %mul3A_756, %get3A_18 : vector<16xf32>
        %swap3A_758 = arith.constant 1 : i32
        %swap3A_759 = arith.index_cast %swap3A_758 : i32 to index
        %swap3A_760 = arith.index_cast %add3A_755 : i32 to index
        %swap3A_761 = arith.constant 64 : index
        %swap3A_762 = tpu.vector_load %arg11[%swap3A_759, %swap3A_760, %swap3A_761] {strides = array<i32>} : memref<2x256x128xf32, #tpu.memory_space<vmem>>, vector<1x1x16xf32>,
        %swap3A_763 = vector.shape_cast %swap3A_762 : vector<1x1x16xf32> to vector<16xf32>
        %swap3A_764 = vector.shape_cast %add3A_757 : vector<16xf32> to vector<1x1x16xf32>
        tpu.vector_store %arg11[%swap3A_759, %swap3A_760, %swap3A_761], %swap3A_764 {strides = array<i32>} : memref<2x256x128xf32, #tpu.memory_space<vmem>>, vector<1x1x16xf32>,
        %mul3A_765 = arith.mulf %broadcast_in_dim3A_751, %get3A_9 : vector<16xf32>
        %add3A_766 = arith.addf %mul3A_765, %get3A_21 : vector<16xf32>
        %swap3A_767 = arith.constant 1 : i32
        %swap3A_768 = arith.index_cast %swap3A_767 : i32 to index
        %swap3A_769 = arith.index_cast %add3A_755 : i32 to index
        %swap3A_770 = arith.constant 80 : index
        %swap3A_771 = tpu.vector_load %arg11[%swap3A_768, %swap3A_769, %swap3A_770] {strides = array<i32>} : memref<2x256x128xf32, #tpu.memory_space<vmem>>, vector<1x1x16xf32>,
        %swap3A_772 = vector.shape_cast %swap3A_771 : vector<1x1x16xf32> to vector<16xf32>
        %swap3A_773 = vector.shape_cast %add3A_766 : vector<16xf32> to vector<1x1x16xf32>
        tpu.vector_store %arg11[%swap3A_768, %swap3A_769, %swap3A_770], %swap3A_773 {strides = array<i32>} : memref<2x256x128xf32, #tpu.memory_space<vmem>>, vector<1x1x16xf32>,
        %mul3A_774 = arith.mulf %broadcast_in_dim3A_751, %get3A_12 : vector<16xf32>
        %add3A_775 = arith.addf %mul3A_774, %get3A_24 : vector<16xf32>
        %swap3A_776 = arith.constant 1 : i32
        %swap3A_777 = arith.index_cast %swap3A_776 : i32 to index
        %swap3A_778 = arith.index_cast %add3A_755 : i32 to index
        %swap3A_779 = arith.constant 96 : index
        %swap3A_780 = tpu.vector_load %arg11[%swap3A_777, %swap3A_778, %swap3A_779] {strides = array<i32>} : memref<2x256x128xf32, #tpu.memory_space<vmem>>, vector<1x1x16xf32>,
        %swap3A_781 = vector.shape_cast %swap3A_780 : vector<1x1x16xf32> to vector<16xf32>
        %swap3A_782 = vector.shape_cast %add3A_775 : vector<16xf32> to vector<1x1x16xf32>
        tpu.vector_store %arg11[%swap3A_777, %swap3A_778, %swap3A_779], %swap3A_782 {strides = array<i32>} : memref<2x256x128xf32, #tpu.memory_space<vmem>>, vector<1x1x16xf32>,
        %mul3A_783 = arith.mulf %broadcast_in_dim3A_751, %select_n3A : vector<16xf32>
        %add3A_784 = arith.addf %mul3A_783, %select_n3A_30 : vector<16xf32>
        %swap3A_785 = arith.constant 1 : i32
        %swap3A_786 = arith.index_cast %swap3A_785 : i32 to index
        %swap3A_787 = arith.index_cast %add3A_755 : i32 to index
        %swap3A_788 = arith.constant 112 : index
        %swap3A_789 = tpu.vector_load %arg11[%swap3A_786, %swap3A_787, %swap3A_788] {strides = array<i32>} : memref<2x256x128xf32, #tpu.memory_space<vmem>>, vector<1x1x16xf32>,
        %swap3A_790 = vector.shape_cast %swap3A_789 : vector<1x1x16xf32> to vector<16xf32>
        %swap3A_791 = vector.shape_cast %add3A_784 : vector<16xf32> to vector<1x1x16xf32>
        tpu.vector_store %arg11[%swap3A_786, %swap3A_787, %swap3A_788], %swap3A_791 {strides = array<i32>} : memref<2x256x128xf32, #tpu.memory_space<vmem>>, vector<1x1x16xf32>,
        %slice3A_792 = vector.extract_strided_slice %get3A_278 {offsets = [12], sizes = [1], strides = [1]} : vector<16xf32> to vector<1xf32>
        %squeeze3A_793 = vector.extract %slice3A_792[0] : f32 from vector<1xf32>
        %broadcast_in_dim3A_794 = vector.broadcast %squeeze3A_793 : f32 to vector<16xf32>
        %mul3A_795 = arith.constant 16 : i32
        %mul3A_796 = arith.muli %scan3A_271, %mul3A_795 : i32
        %add3A_797 = arith.constant 12 : i32
        %add3A_798 = arith.addi %mul3A_796, %add3A_797 : i32
        %mul3A_799 = arith.mulf %broadcast_in_dim3A_794, %get3A_6 : vector<16xf32>
        %add3A_800 = arith.addf %mul3A_799, %get3A_18 : vector<16xf32>
        %swap3A_801 = arith.constant 1 : i32
        %swap3A_802 = arith.index_cast %swap3A_801 : i32 to index
        %swap3A_803 = arith.index_cast %add3A_798 : i32 to index
        %swap3A_804 = arith.constant 64 : index
        %swap3A_805 = tpu.vector_load %arg11[%swap3A_802, %swap3A_803, %swap3A_804] {strides = array<i32>} : memref<2x256x128xf32, #tpu.memory_space<vmem>>, vector<1x1x16xf32>,
        %swap3A_806 = vector.shape_cast %swap3A_805 : vector<1x1x16xf32> to vector<16xf32>
        %swap3A_807 = vector.shape_cast %add3A_800 : vector<16xf32> to vector<1x1x16xf32>
        tpu.vector_store %arg11[%swap3A_802, %swap3A_803, %swap3A_804], %swap3A_807 {strides = array<i32>} : memref<2x256x128xf32, #tpu.memory_space<vmem>>, vector<1x1x16xf32>,
        %mul3A_808 = arith.mulf %broadcast_in_dim3A_794, %get3A_9 : vector<16xf32>
        %add3A_809 = arith.addf %mul3A_808, %get3A_21 : vector<16xf32>
        %swap3A_810 = arith.constant 1 : i32
        %swap3A_811 = arith.index_cast %swap3A_810 : i32 to index
        %swap3A_812 = arith.index_cast %add3A_798 : i32 to index
        %swap3A_813 = arith.constant 80 : index
        %swap3A_814 = tpu.vector_load %arg11[%swap3A_811, %swap3A_812, %swap3A_813] {strides = array<i32>} : memref<2x256x128xf32, #tpu.memory_space<vmem>>, vector<1x1x16xf32>,
        %swap3A_815 = vector.shape_cast %swap3A_814 : vector<1x1x16xf32> to vector<16xf32>
        %swap3A_816 = vector.shape_cast %add3A_809 : vector<16xf32> to vector<1x1x16xf32>
        tpu.vector_store %arg11[%swap3A_811, %swap3A_812, %swap3A_813], %swap3A_816 {strides = array<i32>} : memref<2x256x128xf32, #tpu.memory_space<vmem>>, vector<1x1x16xf32>,
        %mul3A_817 = arith.mulf %broadcast_in_dim3A_794, %get3A_12 : vector<16xf32>
        %add3A_818 = arith.addf %mul3A_817, %get3A_24 : vector<16xf32>
        %swap3A_819 = arith.constant 1 : i32
        %swap3A_820 = arith.index_cast %swap3A_819 : i32 to index
        %swap3A_821 = arith.index_cast %add3A_798 : i32 to index
        %swap3A_822 = arith.constant 96 : index
        %swap3A_823 = tpu.vector_load %arg11[%swap3A_820, %swap3A_821, %swap3A_822] {strides = array<i32>} : memref<2x256x128xf32, #tpu.memory_space<vmem>>, vector<1x1x16xf32>,
        %swap3A_824 = vector.shape_cast %swap3A_823 : vector<1x1x16xf32> to vector<16xf32>
        %swap3A_825 = vector.shape_cast %add3A_818 : vector<16xf32> to vector<1x1x16xf32>
        tpu.vector_store %arg11[%swap3A_820, %swap3A_821, %swap3A_822], %swap3A_825 {strides = array<i32>} : memref<2x256x128xf32, #tpu.memory_space<vmem>>, vector<1x1x16xf32>,
        %mul3A_826 = arith.mulf %broadcast_in_dim3A_794, %select_n3A : vector<16xf32>
        %add3A_827 = arith.addf %mul3A_826, %select_n3A_30 : vector<16xf32>
        %swap3A_828 = arith.constant 1 : i32
        %swap3A_829 = arith.index_cast %swap3A_828 : i32 to index
        %swap3A_830 = arith.index_cast %add3A_798 : i32 to index
        %swap3A_831 = arith.constant 112 : index
        %swap3A_832 = tpu.vector_load %arg11[%swap3A_829, %swap3A_830, %swap3A_831] {strides = array<i32>} : memref<2x256x128xf32, #tpu.memory_space<vmem>>, vector<1x1x16xf32>,
        %swap3A_833 = vector.shape_cast %swap3A_832 : vector<1x1x16xf32> to vector<16xf32>
        %swap3A_834 = vector.shape_cast %add3A_827 : vector<16xf32> to vector<1x1x16xf32>
        tpu.vector_store %arg11[%swap3A_829, %swap3A_830, %swap3A_831], %swap3A_834 {strides = array<i32>} : memref<2x256x128xf32, #tpu.memory_space<vmem>>, vector<1x1x16xf32>,
        %slice3A_835 = vector.extract_strided_slice %get3A_278 {offsets = [13], sizes = [1], strides = [1]} : vector<16xf32> to vector<1xf32>
        %squeeze3A_836 = vector.extract %slice3A_835[0] : f32 from vector<1xf32>
        %broadcast_in_dim3A_837 = vector.broadcast %squeeze3A_836 : f32 to vector<16xf32>
        %mul3A_838 = arith.constant 16 : i32
        %mul3A_839 = arith.muli %scan3A_271, %mul3A_838 : i32
        %add3A_840 = arith.constant 13 : i32
        %add3A_841 = arith.addi %mul3A_839, %add3A_840 : i32
        %mul3A_842 = arith.mulf %broadcast_in_dim3A_837, %get3A_6 : vector<16xf32>
        %add3A_843 = arith.addf %mul3A_842, %get3A_18 : vector<16xf32>
        %swap3A_844 = arith.constant 1 : i32
        %swap3A_845 = arith.index_cast %swap3A_844 : i32 to index
        %swap3A_846 = arith.index_cast %add3A_841 : i32 to index
        %swap3A_847 = arith.constant 64 : index
        %swap3A_848 = tpu.vector_load %arg11[%swap3A_845, %swap3A_846, %swap3A_847] {strides = array<i32>} : memref<2x256x128xf32, #tpu.memory_space<vmem>>, vector<1x1x16xf32>,
        %swap3A_849 = vector.shape_cast %swap3A_848 : vector<1x1x16xf32> to vector<16xf32>
        %swap3A_850 = vector.shape_cast %add3A_843 : vector<16xf32> to vector<1x1x16xf32>
        tpu.vector_store %arg11[%swap3A_845, %swap3A_846, %swap3A_847], %swap3A_850 {strides = array<i32>} : memref<2x256x128xf32, #tpu.memory_space<vmem>>, vector<1x1x16xf32>,
        %mul3A_851 = arith.mulf %broadcast_in_dim3A_837, %get3A_9 : vector<16xf32>
        %add3A_852 = arith.addf %mul3A_851, %get3A_21 : vector<16xf32>
        %swap3A_853 = arith.constant 1 : i32
        %swap3A_854 = arith.index_cast %swap3A_853 : i32 to index
        %swap3A_855 = arith.index_cast %add3A_841 : i32 to index
        %swap3A_856 = arith.constant 80 : index
        %swap3A_857 = tpu.vector_load %arg11[%swap3A_854, %swap3A_855, %swap3A_856] {strides = array<i32>} : memref<2x256x128xf32, #tpu.memory_space<vmem>>, vector<1x1x16xf32>,
        %swap3A_858 = vector.shape_cast %swap3A_857 : vector<1x1x16xf32> to vector<16xf32>
        %swap3A_859 = vector.shape_cast %add3A_852 : vector<16xf32> to vector<1x1x16xf32>
        tpu.vector_store %arg11[%swap3A_854, %swap3A_855, %swap3A_856], %swap3A_859 {strides = array<i32>} : memref<2x256x128xf32, #tpu.memory_space<vmem>>, vector<1x1x16xf32>,
        %mul3A_860 = arith.mulf %broadcast_in_dim3A_837, %get3A_12 : vector<16xf32>
        %add3A_861 = arith.addf %mul3A_860, %get3A_24 : vector<16xf32>
        %swap3A_862 = arith.constant 1 : i32
        %swap3A_863 = arith.index_cast %swap3A_862 : i32 to index
        %swap3A_864 = arith.index_cast %add3A_841 : i32 to index
        %swap3A_865 = arith.constant 96 : index
        %swap3A_866 = tpu.vector_load %arg11[%swap3A_863, %swap3A_864, %swap3A_865] {strides = array<i32>} : memref<2x256x128xf32, #tpu.memory_space<vmem>>, vector<1x1x16xf32>,
        %swap3A_867 = vector.shape_cast %swap3A_866 : vector<1x1x16xf32> to vector<16xf32>
        %swap3A_868 = vector.shape_cast %add3A_861 : vector<16xf32> to vector<1x1x16xf32>
        tpu.vector_store %arg11[%swap3A_863, %swap3A_864, %swap3A_865], %swap3A_868 {strides = array<i32>} : memref<2x256x128xf32, #tpu.memory_space<vmem>>, vector<1x1x16xf32>,
        %mul3A_869 = arith.mulf %broadcast_in_dim3A_837, %select_n3A : vector<16xf32>
        %add3A_870 = arith.addf %mul3A_869, %select_n3A_30 : vector<16xf32>
        %swap3A_871 = arith.constant 1 : i32
        %swap3A_872 = arith.index_cast %swap3A_871 : i32 to index
        %swap3A_873 = arith.index_cast %add3A_841 : i32 to index
        %swap3A_874 = arith.constant 112 : index
        %swap3A_875 = tpu.vector_load %arg11[%swap3A_872, %swap3A_873, %swap3A_874] {strides = array<i32>} : memref<2x256x128xf32, #tpu.memory_space<vmem>>, vector<1x1x16xf32>,
        %swap3A_876 = vector.shape_cast %swap3A_875 : vector<1x1x16xf32> to vector<16xf32>
        %swap3A_877 = vector.shape_cast %add3A_870 : vector<16xf32> to vector<1x1x16xf32>
        tpu.vector_store %arg11[%swap3A_872, %swap3A_873, %swap3A_874], %swap3A_877 {strides = array<i32>} : memref<2x256x128xf32, #tpu.memory_space<vmem>>, vector<1x1x16xf32>,
        %slice3A_878 = vector.extract_strided_slice %get3A_278 {offsets = [14], sizes = [1], strides = [1]} : vector<16xf32> to vector<1xf32>
        %squeeze3A_879 = vector.extract %slice3A_878[0] : f32 from vector<1xf32>
        %broadcast_in_dim3A_880 = vector.broadcast %squeeze3A_879 : f32 to vector<16xf32>
        %mul3A_881 = arith.constant 16 : i32
        %mul3A_882 = arith.muli %scan3A_271, %mul3A_881 : i32
        %add3A_883 = arith.constant 14 : i32
        %add3A_884 = arith.addi %mul3A_882, %add3A_883 : i32
        %mul3A_885 = arith.mulf %broadcast_in_dim3A_880, %get3A_6 : vector<16xf32>
        %add3A_886 = arith.addf %mul3A_885, %get3A_18 : vector<16xf32>
        %swap3A_887 = arith.constant 1 : i32
        %swap3A_888 = arith.index_cast %swap3A_887 : i32 to index
        %swap3A_889 = arith.index_cast %add3A_884 : i32 to index
        %swap3A_890 = arith.constant 64 : index
        %swap3A_891 = tpu.vector_load %arg11[%swap3A_888, %swap3A_889, %swap3A_890] {strides = array<i32>} : memref<2x256x128xf32, #tpu.memory_space<vmem>>, vector<1x1x16xf32>,
        %swap3A_892 = vector.shape_cast %swap3A_891 : vector<1x1x16xf32> to vector<16xf32>
        %swap3A_893 = vector.shape_cast %add3A_886 : vector<16xf32> to vector<1x1x16xf32>
        tpu.vector_store %arg11[%swap3A_888, %swap3A_889, %swap3A_890], %swap3A_893 {strides = array<i32>} : memref<2x256x128xf32, #tpu.memory_space<vmem>>, vector<1x1x16xf32>,
        %mul3A_894 = arith.mulf %broadcast_in_dim3A_880, %get3A_9 : vector<16xf32>
        %add3A_895 = arith.addf %mul3A_894, %get3A_21 : vector<16xf32>
        %swap3A_896 = arith.constant 1 : i32
        %swap3A_897 = arith.index_cast %swap3A_896 : i32 to index
        %swap3A_898 = arith.index_cast %add3A_884 : i32 to index
        %swap3A_899 = arith.constant 80 : index
        %swap3A_900 = tpu.vector_load %arg11[%swap3A_897, %swap3A_898, %swap3A_899] {strides = array<i32>} : memref<2x256x128xf32, #tpu.memory_space<vmem>>, vector<1x1x16xf32>,
        %swap3A_901 = vector.shape_cast %swap3A_900 : vector<1x1x16xf32> to vector<16xf32>
        %swap3A_902 = vector.shape_cast %add3A_895 : vector<16xf32> to vector<1x1x16xf32>
        tpu.vector_store %arg11[%swap3A_897, %swap3A_898, %swap3A_899], %swap3A_902 {strides = array<i32>} : memref<2x256x128xf32, #tpu.memory_space<vmem>>, vector<1x1x16xf32>,
        %mul3A_903 = arith.mulf %broadcast_in_dim3A_880, %get3A_12 : vector<16xf32>
        %add3A_904 = arith.addf %mul3A_903, %get3A_24 : vector<16xf32>
        %swap3A_905 = arith.constant 1 : i32
        %swap3A_906 = arith.index_cast %swap3A_905 : i32 to index
        %swap3A_907 = arith.index_cast %add3A_884 : i32 to index
        %swap3A_908 = arith.constant 96 : index
        %swap3A_909 = tpu.vector_load %arg11[%swap3A_906, %swap3A_907, %swap3A_908] {strides = array<i32>} : memref<2x256x128xf32, #tpu.memory_space<vmem>>, vector<1x1x16xf32>,
        %swap3A_910 = vector.shape_cast %swap3A_909 : vector<1x1x16xf32> to vector<16xf32>
        %swap3A_911 = vector.shape_cast %add3A_904 : vector<16xf32> to vector<1x1x16xf32>
        tpu.vector_store %arg11[%swap3A_906, %swap3A_907, %swap3A_908], %swap3A_911 {strides = array<i32>} : memref<2x256x128xf32, #tpu.memory_space<vmem>>, vector<1x1x16xf32>,
        %mul3A_912 = arith.mulf %broadcast_in_dim3A_880, %select_n3A : vector<16xf32>
        %add3A_913 = arith.addf %mul3A_912, %select_n3A_30 : vector<16xf32>
        %swap3A_914 = arith.constant 1 : i32
        %swap3A_915 = arith.index_cast %swap3A_914 : i32 to index
        %swap3A_916 = arith.index_cast %add3A_884 : i32 to index
        %swap3A_917 = arith.constant 112 : index
        %swap3A_918 = tpu.vector_load %arg11[%swap3A_915, %swap3A_916, %swap3A_917] {strides = array<i32>} : memref<2x256x128xf32, #tpu.memory_space<vmem>>, vector<1x1x16xf32>,
        %swap3A_919 = vector.shape_cast %swap3A_918 : vector<1x1x16xf32> to vector<16xf32>
        %swap3A_920 = vector.shape_cast %add3A_913 : vector<16xf32> to vector<1x1x16xf32>
        tpu.vector_store %arg11[%swap3A_915, %swap3A_916, %swap3A_917], %swap3A_920 {strides = array<i32>} : memref<2x256x128xf32, #tpu.memory_space<vmem>>, vector<1x1x16xf32>,
        %slice3A_921 = vector.extract_strided_slice %get3A_278 {offsets = [15], sizes = [1], strides = [1]} : vector<16xf32> to vector<1xf32>
        %squeeze3A_922 = vector.extract %slice3A_921[0] : f32 from vector<1xf32>
        %broadcast_in_dim3A_923 = vector.broadcast %squeeze3A_922 : f32 to vector<16xf32>
        %mul3A_924 = arith.constant 16 : i32
        %mul3A_925 = arith.muli %scan3A_271, %mul3A_924 : i32
        %add3A_926 = arith.constant 15 : i32
        %add3A_927 = arith.addi %mul3A_925, %add3A_926 : i32
        %mul3A_928 = arith.mulf %broadcast_in_dim3A_923, %get3A_6 : vector<16xf32>
        %add3A_929 = arith.addf %mul3A_928, %get3A_18 : vector<16xf32>
        %swap3A_930 = arith.constant 1 : i32
        %swap3A_931 = arith.index_cast %swap3A_930 : i32 to index
        %swap3A_932 = arith.index_cast %add3A_927 : i32 to index
        %swap3A_933 = arith.constant 64 : index
        %swap3A_934 = tpu.vector_load %arg11[%swap3A_931, %swap3A_932, %swap3A_933] {strides = array<i32>} : memref<2x256x128xf32, #tpu.memory_space<vmem>>, vector<1x1x16xf32>,
        %swap3A_935 = vector.shape_cast %swap3A_934 : vector<1x1x16xf32> to vector<16xf32>
        %swap3A_936 = vector.shape_cast %add3A_929 : vector<16xf32> to vector<1x1x16xf32>
        tpu.vector_store %arg11[%swap3A_931, %swap3A_932, %swap3A_933], %swap3A_936 {strides = array<i32>} : memref<2x256x128xf32, #tpu.memory_space<vmem>>, vector<1x1x16xf32>,
        %mul3A_937 = arith.mulf %broadcast_in_dim3A_923, %get3A_9 : vector<16xf32>
        %add3A_938 = arith.addf %mul3A_937, %get3A_21 : vector<16xf32>
        %swap3A_939 = arith.constant 1 : i32
        %swap3A_940 = arith.index_cast %swap3A_939 : i32 to index
        %swap3A_941 = arith.index_cast %add3A_927 : i32 to index
        %swap3A_942 = arith.constant 80 : index
        %swap3A_943 = tpu.vector_load %arg11[%swap3A_940, %swap3A_941, %swap3A_942] {strides = array<i32>} : memref<2x256x128xf32, #tpu.memory_space<vmem>>, vector<1x1x16xf32>,
        %swap3A_944 = vector.shape_cast %swap3A_943 : vector<1x1x16xf32> to vector<16xf32>
        %swap3A_945 = vector.shape_cast %add3A_938 : vector<16xf32> to vector<1x1x16xf32>
        tpu.vector_store %arg11[%swap3A_940, %swap3A_941, %swap3A_942], %swap3A_945 {strides = array<i32>} : memref<2x256x128xf32, #tpu.memory_space<vmem>>, vector<1x1x16xf32>,
        %mul3A_946 = arith.mulf %broadcast_in_dim3A_923, %get3A_12 : vector<16xf32>
        %add3A_947 = arith.addf %mul3A_946, %get3A_24 : vector<16xf32>
        %swap3A_948 = arith.constant 1 : i32
        %swap3A_949 = arith.index_cast %swap3A_948 : i32 to index
        %swap3A_950 = arith.index_cast %add3A_927 : i32 to index
        %swap3A_951 = arith.constant 96 : index
        %swap3A_952 = tpu.vector_load %arg11[%swap3A_949, %swap3A_950, %swap3A_951] {strides = array<i32>} : memref<2x256x128xf32, #tpu.memory_space<vmem>>, vector<1x1x16xf32>,
        %swap3A_953 = vector.shape_cast %swap3A_952 : vector<1x1x16xf32> to vector<16xf32>
        %swap3A_954 = vector.shape_cast %add3A_947 : vector<16xf32> to vector<1x1x16xf32>
        tpu.vector_store %arg11[%swap3A_949, %swap3A_950, %swap3A_951], %swap3A_954 {strides = array<i32>} : memref<2x256x128xf32, #tpu.memory_space<vmem>>, vector<1x1x16xf32>,
        %mul3A_955 = arith.mulf %broadcast_in_dim3A_923, %select_n3A : vector<16xf32>
        %add3A_956 = arith.addf %mul3A_955, %select_n3A_30 : vector<16xf32>
        %swap3A_957 = arith.constant 1 : i32
        %swap3A_958 = arith.index_cast %swap3A_957 : i32 to index
        %swap3A_959 = arith.index_cast %add3A_927 : i32 to index
        %swap3A_960 = arith.constant 112 : index
        %swap3A_961 = tpu.vector_load %arg11[%swap3A_958, %swap3A_959, %swap3A_960] {strides = array<i32>} : memref<2x256x128xf32, #tpu.memory_space<vmem>>, vector<1x1x16xf32>,
        %swap3A_962 = vector.shape_cast %swap3A_961 : vector<1x1x16xf32> to vector<16xf32>
        %swap3A_963 = vector.shape_cast %add3A_956 : vector<16xf32> to vector<1x1x16xf32>
        tpu.vector_store %arg11[%swap3A_958, %swap3A_959, %swap3A_960], %swap3A_963 {strides = array<i32>} : memref<2x256x128xf32, #tpu.memory_space<vmem>>, vector<1x1x16xf32>,
      }
      %scan3A_254 = arith.constant 16 : i32
      %add3A_255 = arith.addi %mul3A_2, %add3A_196 : i32
      %dma_start3A_256 = arith.constant 1 : i32
      %dma_start3A_257 = arith.constant 0 : i32
      %dma_start3A_258 = arith.constant 0 : i32
      %dma_start3A_259 = tpu.memref_slice %arg11[%dma_start3A_256, %dma_start3A_257, %dma_start3A_258] : memref<2x256x128xf32, #tpu.memory_space<vmem>> -> memref<1x256x128xf32, #tpu.memory_space<vmem>>
      %dma_start3A_260 = tpu.memref_squeeze %dma_start3A_259 : memref<1x256x128xf32, #tpu.memory_space<vmem>> -> memref<256x128xf32, #tpu.memory_space<vmem>>
      %dma_start3A_261 = arith.constant 0 : i32
      %dma_start3A_262 = tpu.memref_slice %arg6[%add3A_255, %mul3A_238, %dma_start3A_261] : memref<128x4096x128xf32, #tpu.memory_space<hbm>> -> memref<1x256x128xf32, #tpu.memory_space<hbm>>
      %dma_start3A_263 = tpu.memref_squeeze %dma_start3A_262 : memref<1x256x128xf32, #tpu.memory_space<hbm>> -> memref<256x128xf32, #tpu.memory_space<hbm>>
      %dma_start3A_264 = arith.constant 0 : i32
      %dma_start3A_265 = tpu.memref_slice %arg6[%add3A_255, %mul3A_238, %dma_start3A_264] : memref<128x4096x128xf32, #tpu.memory_space<hbm>> -> memref<1x256x128xf32, #tpu.memory_space<hbm>>
      %dma_start3A_266 = tpu.memref_squeeze %dma_start3A_265 : memref<1x256x128xf32, #tpu.memory_space<hbm>> -> memref<256x128xf32, #tpu.memory_space<hbm>>
      %dma_start3A_267 = arith.constant 0 : i32
      %dma_start3A_268 = arith.constant 0 : i32
      %dma_start3A_269 = tpu.memref_slice %arg11[%dma_start3A_256, %dma_start3A_267, %dma_start3A_268] : memref<2x256x128xf32, #tpu.memory_space<vmem>> -> memref<1x256x128xf32, #tpu.memory_space<vmem>>
      %dma_start3A_270 = tpu.memref_squeeze %dma_start3A_269 : memref<1x256x128xf32, #tpu.memory_space<vmem>> -> memref<256x128xf32, #tpu.memory_space<vmem>>
      tpu.enqueue_dma source(%dma_start3A_270 : memref<256x128xf32, #tpu.memory_space<vmem>>) target(%dma_start3A_266 : memref<256x128xf32, #tpu.memory_space<hbm>>) target_semaphore(%arg13 : memref<!tpu.dma_semaphore, #tpu.memory_space<semaphore_mem>>)
    }
    %scan3A_35 = arith.constant 32 : i32
    %dma_wait3A = arith.constant 0 : i32
    %dma_wait3A_36 = arith.constant 0 : i32
    %dma_wait3A_37 = arith.constant 0 : i32
    %dma_wait3A_38 = tpu.memref_slice %arg11[%dma_wait3A, %dma_wait3A_36, %dma_wait3A_37] : memref<2x256x128xf32, #tpu.memory_space<vmem>> -> memref<1x256x128xf32, #tpu.memory_space<vmem>>
    %dma_wait3A_39 = tpu.memref_squeeze %dma_wait3A_38 : memref<1x256x128xf32, #tpu.memory_space<vmem>> -> memref<256x128xf32, #tpu.memory_space<vmem>>
    %dma_wait3A_40 = arith.constant 0 : i32
    %dma_wait3A_41 = arith.constant 0 : i32
    %dma_wait3A_42 = tpu.memref_slice %arg6[%mul3A_2, %dma_wait3A_40, %dma_wait3A_41] : memref<128x4096x128xf32, #tpu.memory_space<hbm>> -> memref<1x256x128xf32, #tpu.memory_space<hbm>>
    %dma_wait3A_43 = tpu.memref_squeeze %dma_wait3A_42 : memref<1x256x128xf32, #tpu.memory_space<hbm>> -> memref<256x128xf32, #tpu.memory_space<hbm>>
    %dma_wait3A_44 = arith.constant 0 : i32
    %dma_wait3A_45 = arith.constant 0 : i32
    %dma_wait3A_46 = tpu.memref_slice %arg6[%mul3A_2, %dma_wait3A_44, %dma_wait3A_45] : memref<128x4096x128xf32, #tpu.memory_space<hbm>> -> memref<1x256x128xf32, #tpu.memory_space<hbm>>
    %dma_wait3A_47 = tpu.memref_squeeze %dma_wait3A_46 : memref<1x256x128xf32, #tpu.memory_space<hbm>> -> memref<256x128xf32, #tpu.memory_space<hbm>>
    %dma_wait3A_48 = arith.constant 0 : i32
    %dma_wait3A_49 = arith.constant 0 : i32
    %dma_wait3A_50 = tpu.memref_slice %arg11[%dma_wait3A, %dma_wait3A_48, %dma_wait3A_49] : memref<2x256x128xf32, #tpu.memory_space<vmem>> -> memref<1x256x128xf32, #tpu.memory_space<vmem>>
    %dma_wait3A_51 = tpu.memref_squeeze %dma_wait3A_50 : memref<1x256x128xf32, #tpu.memory_space<vmem>> -> memref<256x128xf32, #tpu.memory_space<vmem>>
    tpu.wait_dma2 semaphore(%arg12 : memref<!tpu.dma_semaphore, #tpu.memory_space<semaphore_mem>>) src(%dma_wait3A_51 : memref<256x128xf32, #tpu.memory_space<vmem>>) dst(%dma_wait3A_47 : memref<256x128xf32, #tpu.memory_space<hbm>>)
    %dma_wait3A_52 = arith.constant 1 : i32
    %dma_wait3A_53 = arith.constant 0 : i32
    %dma_wait3A_54 = arith.constant 0 : i32
    %dma_wait3A_55 = tpu.memref_slice %arg11[%dma_wait3A_52, %dma_wait3A_53, %dma_wait3A_54] : memref<2x256x128xf32, #tpu.memory_space<vmem>> -> memref<1x256x128xf32, #tpu.memory_space<vmem>>
    %dma_wait3A_56 = tpu.memref_squeeze %dma_wait3A_55 : memref<1x256x128xf32, #tpu.memory_space<vmem>> -> memref<256x128xf32, #tpu.memory_space<vmem>>
    %dma_wait3A_57 = arith.constant 0 : i32
    %dma_wait3A_58 = arith.constant 0 : i32
    %dma_wait3A_59 = tpu.memref_slice %arg6[%mul3A_2, %dma_wait3A_57, %dma_wait3A_58] : memref<128x4096x128xf32, #tpu.memory_space<hbm>> -> memref<1x256x128xf32, #tpu.memory_space<hbm>>
    %dma_wait3A_60 = tpu.memref_squeeze %dma_wait3A_59 : memref<1x256x128xf32, #tpu.memory_space<hbm>> -> memref<256x128xf32, #tpu.memory_space<hbm>>
    %dma_wait3A_61 = arith.constant 0 : i32
    %dma_wait3A_62 = arith.constant 0 : i32
    %dma_wait3A_63 = tpu.memref_slice %arg6[%mul3A_2, %dma_wait3A_61, %dma_wait3A_62] : memref<128x4096x128xf32, #tpu.memory_space<hbm>> -> memref<1x256x128xf32, #tpu.memory_space<hbm>>
    %dma_wait3A_64 = tpu.memref_squeeze %dma_wait3A_63 : memref<1x256x128xf32, #tpu.memory_space<hbm>> -> memref<256x128xf32, #tpu.memory_space<hbm>>
    %dma_wait3A_65 = arith.constant 0 : i32
    %dma_wait3A_66 = arith.constant 0 : i32
    %dma_wait3A_67 = tpu.memref_slice %arg11[%dma_wait3A_52, %dma_wait3A_65, %dma_wait3A_66] : memref<2x256x128xf32, #tpu.memory_space<vmem>> -> memref<1x256x128xf32, #tpu.memory_space<vmem>>
    %dma_wait3A_68 = tpu.memref_squeeze %dma_wait3A_67 : memref<1x256x128xf32, #tpu.memory_space<vmem>> -> memref<256x128xf32, #tpu.memory_space<vmem>>
    tpu.wait_dma2 semaphore(%arg13 : memref<!tpu.dma_semaphore, #tpu.memory_space<semaphore_mem>>) src(%dma_wait3A_68 : memref<256x128xf32, #tpu.memory_space<vmem>>) dst(%dma_wait3A_64 : memref<256x128xf32, #tpu.memory_space<hbm>>)
    return
  }
}

</mosaic_0001>

<sc_bundles>
// kernel: kernel.3.cloned.1.call-start
scs
__scs_entry_jumppad:
0x0: {  	(pc) =	sbr.rel $0x88, $3  }
0x1: {  	(tag) =	ssettag $0x0;
	lr =	simm.s32 $0x1  }
0x2: {  	[smem:$0x3F9D] =	sst lr;
	_ =	strace $0xD0000000  }
0x3: {  	_ = 	snop  }
0x4: {  	_ = 	snop  }
0x5: {  	_ = 	snop  }
0x6: {  	_ = 	snop  }
0x7: {  	_ = 	snop  }
__scs_overlays_trampoline_lowered:
0x8: {  	[smem:$0x3FAC] =	sst s0  }
0x9: {  	[smem:$0x3FAD] =	sst s1  }
0xa: {  	[smem:$0x3FAE] =	sst s2  }
0xb: {  	[smem:$0x3FAF] =	sst s3  }
0xc: {  	[smem:$0x3FB0] =	sst s4  }
0xd: {  	[smem:$0x3FB1] =	sst s5  }
0xe: {  	[smem:$0x3FB2] =	sst s6  }
0xf: {  	[smem:$0x3FB3] =	sst s7  }
0x10: {  	[smem:$0x3FB4] =	sst s8  }
0x11: {  	[smem:$0x3FB5] =	sst s9;
	s0 =	simm.s32 @!p0 $0x0  }
0x12: {  	s1 =	sld [smem:$0x3F9B];
	s0 =	simm.s32 @p0 $0x1  }
0x13: {  	[smem:$0x3FB6] =	sst s0;
	s0 =	simm.s32 @!p1 $0x0  }
0x14: {  	s2 =	sld [smem:$0x3F9A];
	s0 =	simm.s32 @p1 $0x1  }
0x15: {  	[smem:$0x3FB7] =	sst s0;
	s0 =	simm.s32 @!p2 $0x0  }
0x16: {  	s3 =	sld [smem:$0x3FDB];
	s0 =	simm.s32 @p2 $0x1  }
0x17: {  	s4 =	simm.s32 $0x1BF5;
	[smem:$0x3FB9] =	sst s0  }
0x18: {  	s0 =	sld [smem:$0x3F9C];
	_ =	swait.ge [sflag:s4], $0x0  }
0x19: {  	s7 =	sld [smem:$0x3F9D]  }
0x1a: {  	s8 =	sadd.s32 $0xFFFFE003, lr  }
0x1b: {  	s9 =	sadd.s32 $0xFFFFFEF7, lr;
	s5 =	simm.s32 $0xFFFFFFFF;
	p2 =	slt.u32 s8, $0xFFFFF086  }
0x1c: {  	p1 =	slt.u32 s9, $0xF7A;
	s5 =	simm.s32 @!p2 $0x0  }
0x1d: {  	s5 =	simm.s32 @p1 $0x1;
	p0 =	seq.s32 s7, s2  }
0x1e: {  	s7 =	smul.u32 @!p0 $0xF7A, s2;
	p2 =	seq.s32 @!p0 s5, $0x0  }
0x1f: {  	s9 =	smul.u32 $0xF7A, s1;
	s8 =	simm.s32 @!p0 $0x1BF5;
	p2 =	por !p2, p0  }
0x20: {  	[sflag:s8] =	ssyncset.s32 @!p0 $0xFFFFF086;
	s6 =	sadd.s32 @!p0 s3, s7;
	s7 =	simm.s32 @!p0 $0x108  }
0x21: {  	s3 =	sadd.s32 s3, s9;
	s6 =	sadd.s32 @!p0 $0x88, s6;
	s7 =	simm.s32 @p2 $0x1082  }
0x22: {  	[simem:s7], [sflag:s8] =	dma.local @!p0 [hbm:s6], $0xF7A  }
0x23: {  	s9 =	sor.u32 $0xD0000000, s2;
	s6 =	simm.s32 $0x108;
	_ =	swait.ge @!p0 [sflag:s8], $0x0  }
0x24: {  	s3 =	sadd.s32 $0x88, s3;
	s6 =	simm.s32 @!p1 $0x1082;
	[sflag:s4] =	ssyncset.s32 $0xFFFFF086  }
0x25: {  	[simem:s6], [sflag:s4] =	dma.local [hbm:s3], $0xF7A  }
0x26: {  	[smem:$0x3F9D] =	sst s1;
	(tag) =	ssettag s2;
	_ =	strace s9  }
0x27: {  	s1 =	sld [smem:$0x3FAD]  }
0x28: {  	s2 =	sld [smem:$0x3FAE]  }
0x29: {  	s4 =	sld [smem:$0x3FB0]  }
0x2a: {  	p0 =	seq.s32 s5, $0x0;
	s5 =	sld [smem:$0x3FB1]  }
0x2b: {  	s6 =	sld [smem:$0x3FB2]  }
0x2c: {  	s7 =	sld [smem:$0x3FB3]  }
0x2d: {  	s3 =	simm.s32 $0x108;
	s8 =	sld [smem:$0x3FB4]  }
0x2e: {  	s3 =	simm.s32 @!p0 $0x1082;
	s9 =	sld [smem:$0x3FB5]  }
0x2f: {  	lr =	sadd.s32 s0, s3;
	s0 =	sld [smem:$0x3FAC]  }
0x30: {  	s3 =	sld [smem:$0x3FAF]  }
0x31: {  	[smem:$0x3FB8] =	sst s10  }
0x32: {  	s10 =	sld [smem:$0x3FB6];
	_ =	sdelay $0x3  }
0x33: {  	p0 =	seq.s32 s10, $0x1;
	s10 =	sld [smem:$0x3FB8];
	_ =	sdelay $0x3  }
0x34: {  	[smem:$0x3FB8] =	sst s10  }
0x35: {  	s10 =	sld [smem:$0x3FB7];
	_ =	sdelay $0x3  }
0x36: {  	p1 =	seq.s32 s10, $0x1;
	s10 =	sld [smem:$0x3FB8];
	_ =	sdelay $0x3  }
0x37: {  	[smem:$0x3FB8] =	sst s10  }
0x38: {  	s10 =	sld [smem:$0x3FB9]  }
0x39: {  	_ = 	snop;
	(pc) =	sbr.ind lr, $3  }
0x3a: {  	_ = 	snop  }
0x3b: {  	_ = 	snop  }
0x3c: {  	p2 =	seq.s32 s10, $0x1;
	s10 =	sld [smem:$0x3FB8]  }
0x3d: {  	_ =	shalt  }
0x3e: {  	_ =	shalt  }
0x3f: {  	_ =	shalt  }
0x40: {  	_ =	shalt  }
0x41: {  	_ =	shalt  }
0x42: {  	_ =	shalt  }
0x43: {  	_ =	shalt  }
0x44: {  	_ =	shalt  }
0x45: {  	_ =	shalt  }
0x46: {  	_ =	shalt  }
0x47: {  	_ =	shalt  }
0x48: {  	_ =	shalt  }
0x49: {  	_ =	shalt  }
0x4a: {  	_ =	shalt  }
0x4b: {  	_ =	shalt  }
0x4c: {  	_ =	shalt  }
0x4d: {  	_ =	shalt  }
0x4e: {  	_ =	shalt  }
0x4f: {  	_ =	shalt  }
0x50: {  	_ =	shalt  }
0x51: {  	_ =	shalt  }
0x52: {  	_ =	shalt  }
0x53: {  	_ =	shalt  }
0x54: {  	_ =	shalt  }
0x55: {  	_ =	shalt  }
0x56: {  	_ =	shalt  }
0x57: {  	_ =	shalt  }
0x58: {  	_ =	shalt  }
0x59: {  	_ =	shalt  }
0x5a: {  	_ =	shalt  }
0x5b: {  	_ =	shalt  }
0x5c: {  	_ =	shalt  }
0x5d: {  	_ =	shalt  }
0x5e: {  	_ =	shalt  }
0x5f: {  	_ =	shalt  }
0x60: {  	_ =	shalt  }
0x61: {  	_ =	shalt  }
0x62: {  	_ =	shalt  }
0x63: {  	_ =	shalt  }
0x64: {  	_ =	shalt  }
0x65: {  	_ =	shalt  }
0x66: {  	_ =	shalt  }
0x67: {  	_ =	shalt  }
0x68: {  	_ =	shalt  }
0x69: {  	_ =	shalt  }
0x6a: {  	_ =	shalt  }
0x6b: {  	_ =	shalt  }
0x6c: {  	_ =	shalt  }
0x6d: {  	_ =	shalt  }
0x6e: {  	_ =	shalt  }
0x6f: {  	_ =	shalt  }
0x70: {  	_ =	shalt  }
0x71: {  	_ =	shalt  }
0x72: {  	_ =	shalt  }
0x73: {  	_ =	shalt  }
0x74: {  	_ =	shalt  }
0x75: {  	_ =	shalt  }
0x76: {  	_ =	shalt  }
0x77: {  	_ =	shalt  }
0x78: {  	_ =	shalt  }
0x79: {  	_ =	shalt  }
0x7a: {  	_ =	shalt  }
0x7b: {  	_ =	shalt  }
0x7c: {  	_ =	shalt  }
0x7d: {  	_ =	shalt  }
0x7e: {  	_ =	shalt  }
0x7f: {  	_ =	shalt  }
0x80: {  	_ =	shalt  }
0x81: {  	_ =	shalt  }
0x82: {  	_ =	shalt  }
0x83: {  	_ =	shalt  }
0x84: {  	_ =	shalt  }
0x85: {  	_ =	shalt  }
0x86: {  	_ =	shalt  }
0x87: {  	_ =	shalt  }
.Lfunc_end0:
.L_simem_size_0:
called_computation_lowered:
.L_overlay_start_0:
0x88: {  	s2 =	sld [smem:$0x3FD9]  }
0x89: {  	s3 =	sld [smem:$0x3FFE];
	_ =	sdelay $0x1  }
0x8a: {  	s1 =	srdreg.scid  }
0x8b: {  	s0 =	sand.u32 $0x1, s1  }
0x8c: {  	s17 =	sshll.u32 s0, $0xA;
	s2 =	sadd.s32 s3, s2  }
0x8d: {  	s2 =	sadd.s32 s2, s17  }
0x8e: {  	[smem:$0x3FC4] =	sst s2  }
0x8f: {  	_ = 	snop  }
0x90: {  	s2 =	sld [smem:$0x3FC9]  }
0x91: {  	s18 =	sld [smem:$0x3FC7]  }
0x92: {  	s4 =	sld [smem:$0x3FC6]  }
0x93: {  	s5 =	sld [smem:$0x3FD0];
	(tm) =	ssettm $0x1  }
0x94: {  	s6 =	sld [smem:$0x3FFB];
	_ =	sdelay $0x3  }
0x95: {  	_ =	strace s6  }
0x96: {  	s6 =	sld [smem:$0x3FFC];
	_ =	sdelay $0x3  }
0x97: {  	_ =	strace s6  }
0x98: {  	s6 =	sld [smem:$0x3FFD];
	_ =	sdelay $0x3  }
0x99: {  	_ =	strace s6  }
0x9a: {  	_ =	strace $0x8FFFFFFF  }
0x9b: {  	s19 =	sld [smem:$0x3FDB];
	_ =	sdelay $0x1  }
0x9c: {  	s7 =	simm.s32 $_scs_section_size  }
0x9d: {  	s8 =	simm.s32 $_size__tile_overlayer_lowered;
	s9 =	simm.s32 $_tile_overlayer_lowered  }
0x9e: {  	s22 =	simm.s32 $0x1BFF;
	s21 =	sshll.u32 s9, $0x1;
	s6 =	sadd.s32 s7, s19  }
0x9f: {  	s10 =	simm.s32 $0x0;
	s20 =	sshll.u32 s8, $0x1;
	s8 =	sadd.s32 s21, s6  }
0xa0: {  	[timem:s10], [sflag:s22] =	dma.local [hbm:s8], s20  }
0xa1: {  	_ =	swait.ge [sflag:s22], s20  }
0xa2: {  	s7 =	ssub.s32 $0x0, s20;
	[sflag:s22] =	ssyncset.done $0x0  }
0xa3: {  	[sflag:s22] =	ssyncadd.s32 s7;
	_ =	sdelay $0x1  }
0xa4: {  	s23 =	simm.s32 $0x1B8B  }
0xa5: {  	_ =	swait.ge [sflag:s23], $0x1  }
0xa6: {  	[sflag:s23] =	ssyncset.done $0x0  }
0xa7: {  	s25 =	simm.s32 $0x1B8E;
	s24 =	sld [smem:$0x3FFE];
	[sflag:s23] =	ssyncadd.s32 $0xFFFFFFFF  }
0xa8: {  	s26 =	simm.s32 $execute0_lowered;
	[smem:$0x3FD2] =	sst s25  }
0xa9: {  	s8 =	sshll.u32 s26, $0x1;
	_ =	strace $0x80000046;
	[dreg:$0x1] =	wrdreg $0xFFFFFFFF  }
0xaa: {  	s28 =	simm.s32 $_size_execute0_lowered;
	s6 =	sadd.s32 s6, s8;
	[dreg:$0x0] =	wrdreg $0x0  }
0xab: {  	s8 =	sshll.u32 s28, $0x1;
	[dreg:$0x2] =	wrdreg s6  }
0xac: {  	[dreg:$0x3] =	wrdreg s8  }
0xad: {  	[dreg:$0x4] =	wrdreg $0xC0  }
0xae: {  	_ =	task [dreg:s10], $0x5FFFF  }
0xaf: {  	[dreg:$0x1] =	wrdreg $0xFFFFFFFF  }
0xb0: {  	[dreg:$0x0] =	wrdreg $0x60  }
0xb1: {  	[dreg:$0x2] =	wrdreg s2  }
0xb2: {  	[dreg:$0x3] =	wrdreg s24  }
0xb3: {  	[dreg:$0x4] =	wrdreg s18  }
0xb4: {  	[dreg:$0x5] =	wrdreg s4  }
0xb5: {  	[dreg:$0x6] =	wrdreg s5  }
0xb6: {  	[dreg:$0x7] =	wrdreg $0x9  }
0xb7: {  	_ =	task.clear_ibuf [dreg:s10], $0x8FFFF;
	_ =	strace $0x90000046  }
0xb8: {  	s29 =	simm.s32 $0x9;
	_ =	strace $0x80000048  }
0xb9: {  	_ =	swait.ge [sflag:s29], $0x1  }
0xba: {  	[sflag:s29] =	ssyncadd.s32 $0xFFFFFFFF  }
0xbb: {  	_ =	strace $0x90000048  }
0xbc: {  	_ =	sfence  }
0xbd: {  	s30 =	sld [smem:$0x0];
	_ =	sdelay $0x2  }
0xbe: {  	s31 =	sshll.u32 s1, $0xD;
	s1 =	sshrl.u32 s1, $0x2  }
0xbf: {  	s3 =	sand.u32 $0x4000, s31;
	s1 =	sadd.s32 s1, s30  }
0xc0: {  	s0 =	sor.u32 s3, s0;
	s1 =	sshll.u32 s1, $0x11  }
0xc1: {  	s0 =	sor.u32 s1, s0  }
0xc2: {  	s0 =	sadd.s32 $0x8F2B, s0  }
0xc3: {  	[sflag:s0] =	ssyncadd.remote.s32 $0x1  }
0xc4: {  	_ =	sfence.sel $0xFFFF  }
0xc5: {  	[dreg:$0x0] =	wrdreg $0xFFFFFFFF;
	(pc) =	sbr.abs _section_cstart, $3  }
0xc6: {  	[dreg:$0x1] =	wrdreg $0xFFFFFFFF  }
0xc7: {  	_ =	task.clear_ibuf [dreg:s10], $0x2FFFF;
	_ =	strace $0x9FFFFFFF  }
0xc8: {  	(tm) =	ssettm $0x7FFFFFFF  }
0xc9: {  	_ =	shalt  }
tec
execute0_lowered:
.L_overlay_start_1:
0x0: {  	(tag) =	ssettag $0x1  }
0x1: {  	s0 =	rddreg [dreg:$0x0]  }
0x2: {  	s2 =	rddreg [dreg:$0x1]  }
0x3: {  	s4 =	srdreg.scid;
	s3 =	rddreg [dreg:$0x3]  }
0x4: {  	s1 =	stileid.u32;
	s5 =	simm.s32 $0x0;
	s12 =	simm.s32 $0x3  }
0x5: {  	s13 =	simm.s32 $0x4280;
	s14 =	simm.s32 $0x4000;
	s15 =	simm.s32 $0x200  }
0x6: {  	s16 =	simm.s32 $0x400;
	s17 =	simm.s32 $0x4300;
	s18 =	simm.s32 $0xC300  }
0x7: {  	s19 =	simm.s32 $0x1;
	s20 =	simm.s32 $0x2;
	s21 =	simm.s32 $0x0  }
0x8: {  	s6 =	sand.u32 $0x1, s4;
	s4 =	rddreg [dreg:$0x4];
	s7 =	sshll.u32 s1, $0xA  }
0x9: {  	[smem:$0x7FF] =	sst s5;
	s9 =	sshll.u32 s1, $0x3;
	s10 =	sshll.u32 s1, $0xF  }
0xa: {  	s8 =	sshll.u32 s6, $0x9;
	_ =	strace $0x80000047;
	s30 =	ssub.s32 $0x2, s6  }
0xb: {  	s6 =	sshll.u32 s6, $0x2;
	s7 =	sor.u32 s8, s7;
	s11 =	sshrl.u32 s30, $0x1  }
0xc: {  	s6 =	sor.u32 s6, s9;
	s8 =	sor.u32 s8, s10;
	s7 =	sshrl.u32 s7, $0x3  }
0xd: {  	s31 =	ssub.s32 s30, s11;
	s8 =	sshrl.u32 s8, $0x3;
	s9 =	sshll.u32 s6, $0x10  }
0xe: {  	s11 =	simm.s32 $0x4200;
	s2 =	sadd.s32 s7, s2;
	s8 =	sadd.s32 s0, s8  }
0xf: {  	v0 =	vlaneseq.u32;
	s9 =	sadd.s32 s4, s9;
	s10 =	smax.u32 s31, $0x1;
	s7 =	sadd.s32 $0x400, s2  }
.LBB2_1:
0x10: {  	s0 =	rddreg [dreg:$0x2]  }
0x11: {  	[tilespmem:s11], [sflag:$0x3] =	stream.linear.gather [hbm4b:s0+s5], $0x3F, $0x38;
	[tilespmem:$0x14300] =	vst v63  }
0x12: {  	_ =	swait.ge [sflag:s12], $0x3F  }
0x13: {  	[sflag:s12] =	ssyncset.done $0x0  }
0x14: {  	[sflag:s12] =	ssyncadd.s32 $0xFFFFFFC1  }
0x15: {  	[tilespmem:s13], [sflag:$0x3] =	stream.linear.gather [hbm4b:s3+s5], $0x3F, $0x38;
	[tilespmem:$0x14300] =	vst v63  }
0x16: {  	_ =	swait.ge [sflag:s12], $0x3F  }
0x17: {  	[sflag:s12] =	ssyncset.done $0x0  }
0x18: {  	[sflag:s12] =	ssyncadd.s32 $0xFFFFFFC1  }
0x19: {  	[tilespmem:s14], [sflag:$0x3] =	stream.linear.gather [hbm4b:s7+s5], $0x200, $0x38;
	[tilespmem:$0x14300] =	vst v63  }
0x1a: {  	_ =	swait.ge [sflag:s12], $0x200  }
0x1b: {  	[sflag:s12] =	ssyncset.done $0x0  }
0x1c: {  	[sflag:s12] =	ssyncadd.s32 $0xFFFFFE00  }
0x1d: {  	[tilespmem:s5], [sflag:$0x3] =	stream.strided.gather [hbm4b:s8+s15], $0x4000, s16, s15, $0x38;
	[tilespmem:$0x14300] =	vst v63  }
0x1e: {  	_ =	swait.ge [sflag:s12], $0x4000  }
0x1f: {  	[sflag:s12] =	ssyncset.done $0x0  }
0x20: {  	[sflag:s12] =	ssyncadd.s32 $0xFFFFC000  }
0x21: {  	v1 =	vld [tilespmem:$0x4200]  }
0x22: {  	v6 =	vld [tilespmem:$0x4230]  }
0x23: {  	v8 =	vld [tilespmem:$0x42B0]  }
0x24: {  	v2 =	vld [tilespmem:$0x4210]  }
0x25: {  	v3 =	vld [tilespmem:$0x4220]  }
0x26: {  	v4 =	vld [tilespmem:$0x4280]  }
0x27: {  	vm0 =	veq.s32 v0, $0xF;
	v5 =	vld [tilespmem:$0x4290]  }
0x28: {  	s22 =	simm.s32 $0x0;
	s23 =	simm.s32 $0x0;
	v7 =	vld [tilespmem:$0x42A0];
	v6 =	vsel vm0, $0x3F800000, v6;
	v8 =	vsel vm0, $0x0, v8  }
.LBB2_2:
0x29: {  	p0 =	seq.s32 s23, $0x0;
	s24 =	sand.u32 $0xF, s23  }
0x2a: {  	p1 =	seq.s32 @!p0 s24, $0x0  }
0x2b: {  	p1 =	por p0, p1  }
.Ltmp0:
0x2c: {  	_ = 	snop;
	(pc) =	sbr.rel @p1 .LBB2_4-.Ltmp0, $4  }
0x2d: {  	s0 =	simm.s32 @!p0 $0x1  }
0x2e: {  	_ =	swait.ge @!p0 [sflag:s0], $0x8000  }
0x2f: {  	s26 =	sshrl.u32 s23, $0x4;
	[sflag:s0] =	ssyncset.done @!p0 $0x0  }
0x30: {  	s2 =	sshll.u32 s26, $0xA;
	[sflag:s0] =	ssyncadd.s32 @!p0 $0xFFFF8000  }
.Ltmp1:
0x31: {  	(pc) =	sbr.rel .LBB2_7-.Ltmp1, $2  }
0x32: {  	_ =	sdelay $0x2  }
0x33: {  	p1 =	por $0x0, $0x0  }
.LBB2_4:
0x34: {  	s2 =	sshll.u32 s26, $0xA  }
0x35: {  	s0 =	sshrl.u32 s2, $0x2  }
0x36: {  	v9 =	vld [tilespmem:s0+$0x4000]  }
0x37: {  	v10 =	vld [tilespmem:s0+$0x4030]  }
0x38: {  	v12 =	vld [tilespmem:s0+$0x4020]  }
0x39: {  	v11 =	vld [tilespmem:s0+$0x4010]  }
0x3a: {  	s25 =	simm.s32 $0x4400  }
0x3b: {  	[tilespmem:s25+$0xFFFFFF00] =	vst v9  }
0x3c: {  	[tilespmem:s25+$0xB0] =	vst v10  }
0x3d: {  	[tilespmem:s25+$0xA0] =	vst v12  }
0x3e: {  	[tilespmem:s25+$0x90] =	vst v11  }
0x3f: {  	[tilespmem:s25+$0x80] =	vst v9  }
0x40: {  	[tilespmem:s25+$0x30] =	vst v10  }
0x41: {  	[tilespmem:s25+$0x20] =	vst v12  }
0x42: {  	[tilespmem:s25+$0x10] =	vst v11  }
0x43: {  	[tilespmem:s25+$0x0] =	vst v9  }
0x44: {  	[tilespmem:s25+$0xFFFFFFB0] =	vst v10  }
0x45: {  	[tilespmem:s25+$0xFFFFFFA0] =	vst v12  }
0x46: {  	[tilespmem:s25+$0xFFFFFF90] =	vst v11  }
0x47: {  	[tilespmem:s25+$0xFFFFFF80] =	vst v9  }
0x48: {  	[tilespmem:s25+$0xFFFFFF30] =	vst v10  }
0x49: {  	s28 =	simm.s32 $0x0;
	[tilespmem:s25+$0xFFFFFF20] =	vst v12  }
.LBB2_5:
0x4a: {  	s28 =	sadd.s32 $0x4, s28;
	[tilespmem:s25+$0xFFFFFF10] =	vst v11;
	s25 =	sadd.s32 $0x200, s25  }
0x4b: {  	[tilespmem:s25+$0xFFFFFF00] =	vst v9;
	p1 =	slt.u32 s28, $0xFC  }
0x4c: {  	[tilespmem:s25+$0xB0] =	vst v10  }
0x4d: {  	[tilespmem:s25+$0xA0] =	vst v12  }
0x4e: {  	[tilespmem:s25+$0x90] =	vst v11  }
0x4f: {  	[tilespmem:s25+$0x80] =	vst v9  }
0x50: {  	[tilespmem:s25+$0x30] =	vst v10  }
0x51: {  	[tilespmem:s25+$0x20] =	vst v12  }
0x52: {  	[tilespmem:s25+$0x10] =	vst v11  }
0x53: {  	[tilespmem:s25+$0x0] =	vst v9  }
0x54: {  	[tilespmem:s25+$0xFFFFFFB0] =	vst v10  }
.Ltmp2:
0x55: {  	[tilespmem:s25+$0xFFFFFFA0] =	vst v12;
	(pc) =	sbr.rel @p1 .LBB2_5-.Ltmp2, $4  }
0x56: {  	[tilespmem:s25+$0xFFFFFF90] =	vst v11  }
0x57: {  	[tilespmem:s25+$0xFFFFFF80] =	vst v9  }
0x58: {  	[tilespmem:s25+$0xFFFFFF30] =	vst v10  }
0x59: {  	[tilespmem:s25+$0xFFFFFF20] =	vst v12  }
0x5a: {  	[tilespmem:s25+$0xFFFFFF10] =	vst v11;
	p1 =	por $0x1, $0x1  }
.LBB2_7:
0x5b: {  	s28 =	sshrl.u32 s2, $0x2;
	s0 =	simm.s32 $0x0;
	s25 =	sand.u32 $0x3E00, s22  }
0x5c: {  	s0 =	sand.u32 $0x70, s0;
	s2 =	sadd.s32 s25, s28  }
0x5d: {  	s0 =	sadd.s32 s0, s2  }
0x5e: {  	v9 =	vld [tilespmem:s0+$0x0];
	_ =	sdelay $0x4  }
0x5f: {  	v10 =	vbroadcast v9, $0x0;
	_ =	sdelay $0x1  }
0x60: {  	v11 =	vmul.f32 v10, v1  }
0x61: {  	v12 =	vmul.f32 v10, v2  }
0x62: {  	v13 =	vbroadcast v9, $0x1;
	v14 =	vmul.f32 v10, v3;
	v11 =	vadd.f32 v11, v4  }
0x63: {  	s29 =	simm.s32 $0x4740;
	v10 =	vmul.f32 v10, v6;
	v12 =	vadd.f32 v12, v5  }
0x64: {  	v56 =	vbroadcast v9, $0x2;
	v15 =	vmul.f32 v13, v1;
	v14 =	vadd.f32 v14, v7;
	[tilespmem:s29+$0xFFFFFC00] =	vst v11  }
0x65: {  	v16 =	vmul.f32 v13, v3;
	v10 =	vadd.f32 v10, v8;
	[tilespmem:s29+$0xFFFFFC10] =	vst v12  }
0x66: {  	v31 =	vbroadcast v9, $0x7;
	v58 =	vmul.f32 v56, v2;
	v15 =	vadd.f32 v15, v4;
	[tilespmem:s29+$0xFFFFFC20] =	vst v14  }
0x67: {  	v20 =	vbroadcast v9, $0x4;
	v59 =	vmul.f32 v56, v3;
	v57 =	vadd.f32 v16, v7;
	[tilespmem:s29+$0xFFFFFC30] =	vst v10  }
0x68: {  	v35 =	vmul.f32 v31, v3;
	v60 =	vadd.f32 v58, v5;
	[tilespmem:s29+$0xFFFFFC80] =	vst v15  }
0x69: {  	v23 =	vmul.f32 v20, v2;
	v61 =	vadd.f32 v59, v7;
	[tilespmem:s29+$0xFFFFFCA0] =	vst v57  }
0x6a: {  	v37 =	vadd.f32 v35, v7;
	v11 =	vmul.f32 v13, v2;
	[tilespmem:s29+$0xFFFFFD10] =	vst v60  }
0x6b: {  	v13 =	vmul.f32 v13, v6;
	[tilespmem:s29+$0xFFFFFD20] =	vst v61;
	v14 =	vadd.f32 v23, v5  }
0x6c: {  	v28 =	vbroadcast v9, $0x6;
	v10 =	vmul.f32 v56, v1;
	[tilespmem:s29+$0xFFFFFFA0] =	vst v37;
	v11 =	vadd.f32 v11, v5  }
0x6d: {  	v12 =	vmul.f32 v56, v6;
	v13 =	vadd.f32 v13, v8;
	[tilespmem:s29+$0xFFFFFE10] =	vst v14  }
0x6e: {  	v30 =	vmul.f32 v28, v1;
	v10 =	vadd.f32 v10, v4;
	[tilespmem:s29+$0xFFFFFC90] =	vst v11  }
0x6f: {  	v22 =	vmul.f32 v20, v1;
	v12 =	vadd.f32 v12, v8;
	[tilespmem:s29+$0xFFFFFCB0] =	vst v13  }
0x70: {  	v25 =	vmul.f32 v20, v6;
	v14 =	vadd.f32 v30, v4;
	[tilespmem:s29+$0xFFFFFD00] =	vst v10  }
0x71: {  	v39 =	vbroadcast v9, $0x9;
	v34 =	vmul.f32 v31, v2;
	[tilespmem:s29+$0xFFFFFD30] =	vst v12;
	v13 =	vadd.f32 v22, v4  }
0x72: {  	v33 =	vmul.f32 v28, v6;
	v11 =	vbroadcast v9, $0x3;
	v12 =	vadd.f32 v25, v8;
	[tilespmem:s29+$0xFFFFFF00] =	vst v14  }
0x73: {  	v41 =	vmul.f32 v39, v1;
	v14 =	vadd.f32 v34, v5;
	[tilespmem:s29+$0xFFFFFE00] =	vst v13  }
0x74: {  	v10 =	vmul.f32 v11, v2;
	[tilespmem:s29+$0xFFFFFE30] =	vst v12;
	v12 =	vadd.f32 v33, v8  }
0x75: {  	v62 =	vmul.f32 v11, v1;
	[tilespmem:s29+$0xFFFFFF90] =	vst v14;
	v14 =	vadd.f32 v41, v4  }
0x76: {  	v63 =	vmul.f32 v11, v3;
	v11 =	vmul.f32 v11, v6;
	v10 =	vadd.f32 v10, v5;
	[tilespmem:s29+$0xFFFFFF30] =	vst v12  }
0x77: {  	v24 =	vmul.f32 v20, v3;
	v15 =	vadd.f32 v62, v4;
	[tilespmem:s29+$0x80] =	vst v14  }
0x78: {  	v11 =	vadd.f32 v11, v8;
	[tilespmem:s29+$0xFFFFFD90] =	vst v10;
	v10 =	vbroadcast v9, $0x5  }
0x79: {  	v32 =	vmul.f32 v28, v3;
	[tilespmem:s29+$0xFFFFFD80] =	vst v15;
	v15 =	vadd.f32 v24, v7  }
0x7a: {  	v21 =	vadd.f32 v63, v7;
	[tilespmem:s29+$0xFFFFFDB0] =	vst v11;
	v11 =	vmul.f32 v10, v1  }
0x7b: {  	v26 =	vmul.f32 v10, v2;
	[tilespmem:s29+$0xFFFFFE20] =	vst v15;
	v15 =	vadd.f32 v32, v7  }
0x7c: {  	[tilespmem:s29+$0xFFFFFDA0] =	vst v21;
	v27 =	vmul.f32 v10, v3;
	v11 =	vadd.f32 v11, v4  }
0x7d: {  	v50 =	vbroadcast v9, $0xC;
	v43 =	vmul.f32 v39, v3;
	v13 =	vadd.f32 v26, v5;
	[tilespmem:s29+$0xFFFFFF20] =	vst v15  }
0x7e: {  	v10 =	vmul.f32 v10, v6;
	v29 =	vadd.f32 v27, v7;
	[tilespmem:s29+$0xFFFFFE80] =	vst v11  }
0x7f: {  	v52 =	vmul.f32 v50, v1;
	v15 =	vadd.f32 v43, v7;
	[tilespmem:s29+$0xFFFFFE90] =	vst v13  }
0x80: {  	v10 =	vadd.f32 v10, v8;
	v11 =	vmul.f32 v28, v2;
	[tilespmem:s29+$0xFFFFFEA0] =	vst v29  }
0x81: {  	v13 =	vmul.f32 v31, v6;
	[tilespmem:s29+$0xA0] =	vst v15;
	v15 =	vadd.f32 v52, v4  }
0x82: {  	v54 =	vbroadcast v9, $0xD;
	[tilespmem:s29+$0xFFFFFEB0] =	vst v10;
	v10 =	vmul.f32 v31, v1;
	v11 =	vadd.f32 v11, v5  }
0x83: {  	v46 =	vbroadcast v9, $0xB;
	v44 =	vmul.f32 v39, v6;
	v13 =	vadd.f32 v13, v8;
	[tilespmem:s29+$0x200] =	vst v15  }
0x84: {  	v58 =	vmul.f32 v54, v3;
	v10 =	vadd.f32 v10, v4;
	[tilespmem:s29+$0xFFFFFF10] =	vst v11;
	v11 =	vbroadcast v9, $0x8  }
0x85: {  	v48 =	vmul.f32 v46, v1;
	[tilespmem:s29+$0xFFFFFFB0] =	vst v13;
	v13 =	vadd.f32 v44, v8  }
0x86: {  	v15 =	vadd.f32 v58, v7;
	[tilespmem:s29+$0xFFFFFF80] =	vst v10;
	v10 =	vmul.f32 v11, v2  }
0x87: {  	v36 =	vmul.f32 v11, v1;
	[tilespmem:s29+$0xB0] =	vst v13;
	v13 =	vadd.f32 v48, v4  }
0x88: {  	[tilespmem:s29+$0x2A0] =	vst v15;
	v38 =	vmul.f32 v11, v3;
	v11 =	vmul.f32 v11, v6;
	v10 =	vadd.f32 v10, v5  }
0x89: {  	v12 =	vadd.f32 v36, v4;
	[tilespmem:s29+$0x180] =	vst v13  }
0x8a: {  	v53 =	vmul.f32 v50, v2;
	v11 =	vadd.f32 v11, v8;
	[tilespmem:s29+$0x10] =	vst v10;
	v10 =	vbroadcast v9, $0xA  }
0x8b: {  	v42 =	vmul.f32 v39, v2;
	v40 =	vadd.f32 v38, v7;
	[tilespmem:s29+$0x0] =	vst v12  }
0x8c: {  	v13 =	vadd.f32 v53, v5;
	[tilespmem:s29+$0x30] =	vst v11;
	v11 =	vmul.f32 v10, v1  }
0x8d: {  	[tilespmem:s29+$0x20] =	vst v40;
	v12 =	vadd.f32 v42, v5;
	v45 =	vmul.f32 v10, v2  }
0x8e: {  	[tilespmem:s29+$0x210] =	vst v13;
	v47 =	vmul.f32 v10, v3;
	v11 =	vadd.f32 v11, v4  }
0x8f: {  	[tilespmem:s29+$0x90] =	vst v12;
	v10 =	vmul.f32 v10, v6;
	v14 =	vadd.f32 v45, v5  }
0x90: {  	v51 =	vmul.f32 v46, v3;
	v49 =	vadd.f32 v47, v7;
	[tilespmem:s29+$0x100] =	vst v11;
	v11 =	vmul.f32 v46, v2  }
0x91: {  	v57 =	vbroadcast v9, $0xE;
	v9 =	vbroadcast v9, $0xF;
	v10 =	vadd.f32 v10, v8;
	[tilespmem:s29+$0x110] =	vst v14  }
0x92: {  	v12 =	vmul.f32 v46, v6;
	[tilespmem:s29+$0x120] =	vst v49;
	v11 =	vadd.f32 v11, v5  }
0x93: {  	v61 =	vmul.f32 v9, v1;
	[tilespmem:s29+$0x130] =	vst v10;
	v10 =	vadd.f32 v51, v7  }
0x94: {  	v12 =	vadd.f32 v12, v8;
	[tilespmem:s29+$0x190] =	vst v11;
	v11 =	vmul.f32 v50, v3  }
0x95: {  	v63 =	vadd.f32 v61, v4;
	[tilespmem:s29+$0x1A0] =	vst v10;
	v10 =	vmul.f32 v50, v6  }
0x96: {  	v55 =	vmul.f32 v54, v1;
	[tilespmem:s29+$0x1B0] =	vst v12;
	v11 =	vadd.f32 v11, v7  }
0x97: {  	v56 =	vmul.f32 v54, v2;
	[tilespmem:s29+$0x380] =	vst v63;
	v10 =	vadd.f32 v10, v8  }
0x98: {  	v12 =	vadd.f32 v55, v4;
	[tilespmem:s29+$0x220] =	vst v11;
	v11 =	vmul.f32 v54, v6  }
0x99: {  	v14 =	vadd.f32 v56, v5;
	[tilespmem:s29+$0x230] =	vst v10;
	v10 =	vmul.f32 v57, v1  }
0x9a: {  	v60 =	vmul.f32 v57, v3;
	[tilespmem:s29+$0x280] =	vst v12;
	v11 =	vadd.f32 v11, v8  }
0x9b: {  	v59 =	vmul.f32 v57, v2;
	[tilespmem:s29+$0x290] =	vst v14;
	v10 =	vadd.f32 v10, v4  }
0x9c: {  	v13 =	vmul.f32 v57, v6;
	[tilespmem:s29+$0x2B0] =	vst v11;
	v11 =	vadd.f32 v60, v7  }
0x9d: {  	v62 =	vmul.f32 v9, v2;
	v12 =	vadd.f32 v59, v5;
	[tilespmem:s29+$0x300] =	vst v10  }
0x9e: {  	v10 =	vadd.f32 v13, v8;
	[tilespmem:s29+$0x320] =	vst v11;
	v11 =	vmul.f32 v9, v3  }
0x9f: {  	[tilespmem:s29+$0x310] =	vst v12;
	v13 =	vadd.f32 v62, v5;
	v9 =	vmul.f32 v9, v6  }
0xa0: {  	s30 =	sadd.s32 $0x40, s22;
	[tilespmem:s29+$0x330] =	vst v10;
	v10 =	vadd.f32 v11, v7  }
0xa1: {  	s31 =	simm.s32 $0x10;
	s2 =	simm.s32 $0x20;
	s0 =	sand.u32 $0x3E00, s30;
	[tilespmem:s29+$0x390] =	vst v13;
	v9 =	vadd.f32 v9, v8  }
.LBB2_8:
0xa2: {  	p2 =	sne.s32 s2, $0xF0;
	s31 =	sand.u32 $0x70, s31;
	s0 =	sadd.s32 s0, s28;
	[tilespmem:s29+$0x3A0] =	vst v10  }
0xa3: {  	s0 =	sadd.s32 s31, s0;
	[tilespmem:s29+$0x3B0] =	vst v9;
	s31 =	smov.u32 s2  }
0xa4: {  	v9 =	vld [tilespmem:s0+$0x0];
	_ =	sdelay $0x4  }
0xa5: {  	v10 =	vbroadcast v9, $0x0;
	v11 =	vbroadcast v9, $0x1  }
0xa6: {  	v12 =	vbroadcast v9, $0x2;
	v13 =	vbroadcast v9, $0x3  }
0xa7: {  	v14 =	vmul.f32 v10, v1;
	v15 =	vmul.f32 v10, v2  }
0xa8: {  	v16 =	vmul.f32 v10, v3;
	v10 =	vmul.f32 v10, v6  }
0xa9: {  	v17 =	vmul.f32 v11, v1;
	v14 =	vadd.f32 v14, v4;
	v15 =	vadd.f32 v15, v5  }
0xaa: {  	s29 =	sadd.s32 $0x800, s29;
	v18 =	vmul.f32 v11, v2;
	v16 =	vadd.f32 v16, v7;
	v10 =	vadd.f32 v10, v8  }
0xab: {  	[tilespmem:s29+$0xFFFFFC00] =	vst v14;
	v14 =	vadd.f32 v17, v4;
	v17 =	vmul.f32 v11, v3;
	v11 =	vmul.f32 v11, v6  }
0xac: {  	v19 =	vmul.f32 v12, v2;
	[tilespmem:s29+$0xFFFFFC10] =	vst v15;
	v15 =	vadd.f32 v18, v5;
	v18 =	vmul.f32 v12, v1  }
0xad: {  	[tilespmem:s29+$0xFFFFFC20] =	vst v16;
	v16 =	vadd.f32 v17, v7;
	v11 =	vadd.f32 v11, v8;
	v17 =	vmul.f32 v12, v3  }
0xae: {  	v12 =	vmul.f32 v12, v6;
	[tilespmem:s29+$0xFFFFFC30] =	vst v10;
	v10 =	vadd.f32 v18, v4;
	v18 =	vadd.f32 v19, v5  }
0xaf: {  	v19 =	vmul.f32 v13, v2;
	[tilespmem:s29+$0xFFFFFC80] =	vst v14;
	v14 =	vadd.f32 v17, v7;
	v17 =	vmul.f32 v13, v1  }
0xb0: {  	v12 =	vadd.f32 v12, v8;
	[tilespmem:s29+$0xFFFFFC90] =	vst v15;
	v15 =	vmul.f32 v13, v3;
	v13 =	vmul.f32 v13, v6  }
0xb1: {  	[tilespmem:s29+$0xFFFFFCA0] =	vst v16;
	v16 =	vadd.f32 v17, v4;
	v17 =	vadd.f32 v19, v5;
	v19 =	vbroadcast v9, $0x4  }
0xb2: {  	[tilespmem:s29+$0xFFFFFCB0] =	vst v11;
	v11 =	vadd.f32 v15, v7;
	v13 =	vadd.f32 v13, v8;
	v15 =	vbroadcast v9, $0x5  }
0xb3: {  	[tilespmem:s29+$0xFFFFFD00] =	vst v10;
	v10 =	vmul.f32 v19, v1;
	v20 =	vmul.f32 v19, v2  }
0xb4: {  	[tilespmem:s29+$0xFFFFFD10] =	vst v18;
	v18 =	vmul.f32 v19, v3;
	v19 =	vmul.f32 v19, v6  }
0xb5: {  	[tilespmem:s29+$0xFFFFFD20] =	vst v14;
	v10 =	vadd.f32 v10, v4;
	v14 =	vadd.f32 v20, v5;
	v20 =	vmul.f32 v15, v1  }
0xb6: {  	[tilespmem:s29+$0xFFFFFD30] =	vst v12;
	v12 =	vadd.f32 v18, v7;
	v18 =	vadd.f32 v19, v8;
	v19 =	vmul.f32 v15, v2  }
0xb7: {  	[tilespmem:s29+$0xFFFFFD80] =	vst v16;
	v16 =	vadd.f32 v20, v4;
	v20 =	vmul.f32 v15, v3;
	v15 =	vmul.f32 v15, v6  }
0xb8: {  	v21 =	vbroadcast v9, $0x7;
	[tilespmem:s29+$0xFFFFFD90] =	vst v17;
	v17 =	vadd.f32 v19, v5;
	v19 =	vbroadcast v9, $0x6  }
0xb9: {  	[tilespmem:s29+$0xFFFFFDA0] =	vst v11;
	v11 =	vadd.f32 v20, v7;
	v15 =	vadd.f32 v15, v8;
	v20 =	vbroadcast v9, $0x8  }
0xba: {  	[tilespmem:s29+$0xFFFFFDB0] =	vst v13;
	v13 =	vmul.f32 v19, v1;
	v22 =	vmul.f32 v19, v2  }
0xbb: {  	[tilespmem:s29+$0xFFFFFE00] =	vst v10;
	v10 =	vmul.f32 v19, v3;
	v19 =	vmul.f32 v19, v6  }
0xbc: {  	[tilespmem:s29+$0xFFFFFE10] =	vst v14;
	v13 =	vadd.f32 v13, v4;
	v14 =	vadd.f32 v22, v5;
	v22 =	vmul.f32 v21, v1  }
0xbd: {  	[tilespmem:s29+$0xFFFFFE20] =	vst v12;
	v10 =	vadd.f32 v10, v7;
	v12 =	vadd.f32 v19, v8;
	v19 =	vmul.f32 v21, v2  }
0xbe: {  	[tilespmem:s29+$0xFFFFFE30] =	vst v18;
	v18 =	vadd.f32 v22, v4;
	v22 =	vmul.f32 v21, v3;
	v21 =	vmul.f32 v21, v6  }
0xbf: {  	v23 =	vmul.f32 v20, v2;
	[tilespmem:s29+$0xFFFFFE80] =	vst v16;
	v16 =	vadd.f32 v19, v5;
	v19 =	vmul.f32 v20, v1  }
0xc0: {  	[tilespmem:s29+$0xFFFFFE90] =	vst v17;
	v17 =	vadd.f32 v22, v7;
	v21 =	vadd.f32 v21, v8;
	v22 =	vmul.f32 v20, v3  }
0xc1: {  	v20 =	vmul.f32 v20, v6;
	[tilespmem:s29+$0xFFFFFEA0] =	vst v11;
	v11 =	vadd.f32 v19, v4;
	v19 =	vadd.f32 v23, v5  }
0xc2: {  	v23 =	vbroadcast v9, $0xA;
	[tilespmem:s29+$0xFFFFFEB0] =	vst v15;
	v15 =	vadd.f32 v22, v7;
	v22 =	vbroadcast v9, $0x9  }
0xc3: {  	v24 =	vbroadcast v9, $0xC;
	[tilespmem:s29+$0xFFFFFF00] =	vst v13;
	v13 =	vadd.f32 v20, v8;
	v20 =	vbroadcast v9, $0xB  }
0xc4: {  	[tilespmem:s29+$0xFFFFFF10] =	vst v14;
	v14 =	vmul.f32 v22, v1;
	v25 =	vmul.f32 v22, v2  }
0xc5: {  	[tilespmem:s29+$0xFFFFFF20] =	vst v10;
	v10 =	vmul.f32 v22, v3;
	v22 =	vmul.f32 v22, v6  }
0xc6: {  	[tilespmem:s29+$0xFFFFFF30] =	vst v12;
	v12 =	vadd.f32 v14, v4;
	v14 =	vadd.f32 v25, v5;
	v25 =	vmul.f32 v23, v1  }
0xc7: {  	[tilespmem:s29+$0xFFFFFF80] =	vst v18;
	v10 =	vadd.f32 v10, v7;
	v18 =	vadd.f32 v22, v8;
	v22 =	vmul.f32 v23, v2  }
0xc8: {  	[tilespmem:s29+$0xFFFFFF90] =	vst v16;
	v16 =	vadd.f32 v25, v4;
	v25 =	vmul.f32 v23, v3;
	v23 =	vmul.f32 v23, v6  }
0xc9: {  	v26 =	vmul.f32 v20, v2;
	[tilespmem:s29+$0xFFFFFFA0] =	vst v17;
	v17 =	vadd.f32 v22, v5;
	v22 =	vmul.f32 v20, v1  }
0xca: {  	[tilespmem:s29+$0xFFFFFFB0] =	vst v21;
	v21 =	vadd.f32 v25, v7;
	v23 =	vadd.f32 v23, v8;
	v25 =	vmul.f32 v20, v3  }
0xcb: {  	v20 =	vmul.f32 v20, v6;
	[tilespmem:s29+$0x0] =	vst v11;
	v11 =	vadd.f32 v22, v4;
	v22 =	vadd.f32 v26, v5  }
0xcc: {  	v26 =	vmul.f32 v24, v2;
	[tilespmem:s29+$0x10] =	vst v19;
	v19 =	vadd.f32 v25, v7;
	v25 =	vmul.f32 v24, v1  }
0xcd: {  	[tilespmem:s29+$0x20] =	vst v15;
	v15 =	vadd.f32 v20, v8;
	v20 =	vmul.f32 v24, v3;
	v24 =	vmul.f32 v24, v6  }
0xce: {  	[tilespmem:s29+$0x30] =	vst v13;
	v13 =	vadd.f32 v25, v4;
	v25 =	vadd.f32 v26, v5;
	v26 =	vbroadcast v9, $0xD  }
0xcf: {  	[tilespmem:s29+$0x80] =	vst v12;
	v12 =	vadd.f32 v20, v7;
	v20 =	vadd.f32 v24, v8;
	v24 =	vbroadcast v9, $0xE  }
0xd0: {  	[tilespmem:s29+$0x90] =	vst v14;
	v14 =	vmul.f32 v26, v1;
	v27 =	vmul.f32 v26, v2  }
0xd1: {  	[tilespmem:s29+$0xA0] =	vst v10;
	v10 =	vmul.f32 v26, v3;
	v26 =	vmul.f32 v26, v6  }
0xd2: {  	[tilespmem:s29+$0xB0] =	vst v18;
	v14 =	vadd.f32 v14, v4;
	v18 =	vadd.f32 v27, v5;
	v27 =	vmul.f32 v24, v1  }
0xd3: {  	[tilespmem:s29+$0x100] =	vst v16;
	v16 =	vadd.f32 v10, v7;
	v26 =	vadd.f32 v26, v8;
	v10 =	vmul.f32 v24, v2  }
0xd4: {  	[tilespmem:s29+$0x110] =	vst v17;
	v17 =	vadd.f32 v27, v4;
	v27 =	vmul.f32 v24, v3;
	v24 =	vmul.f32 v24, v6  }
0xd5: {  	v9 =	vbroadcast v9, $0xF;
	[tilespmem:s29+$0x120] =	vst v21;
	v21 =	vadd.f32 v10, v5  }
0xd6: {  	[tilespmem:s29+$0x130] =	vst v23;
	v23 =	vadd.f32 v27, v7;
	v24 =	vadd.f32 v24, v8  }
0xd7: {  	v10 =	vmul.f32 v9, v1;
	[tilespmem:s29+$0x180] =	vst v11;
	v11 =	vmul.f32 v9, v2  }
0xd8: {  	[tilespmem:s29+$0x190] =	vst v22;
	v22 =	vmul.f32 v9, v3;
	v9 =	vmul.f32 v9, v6  }
0xd9: {  	[tilespmem:s29+$0x1A0] =	vst v19;
	v19 =	vadd.f32 v10, v4;
	v11 =	vadd.f32 v11, v5  }
0xda: {  	[tilespmem:s29+$0x1B0] =	vst v15;
	v10 =	vadd.f32 v22, v7;
	v9 =	vadd.f32 v9, v8  }
0xdb: {  	[tilespmem:s29+$0x200] =	vst v13  }
0xdc: {  	[tilespmem:s29+$0x210] =	vst v25  }
0xdd: {  	[tilespmem:s29+$0x220] =	vst v12  }
0xde: {  	[tilespmem:s29+$0x230] =	vst v20  }
0xdf: {  	[tilespmem:s29+$0x280] =	vst v14  }
0xe0: {  	[tilespmem:s29+$0x290] =	vst v18  }
0xe1: {  	[tilespmem:s29+$0x2A0] =	vst v16  }
0xe2: {  	[tilespmem:s29+$0x2B0] =	vst v26  }
0xe3: {  	[tilespmem:s29+$0x300] =	vst v17  }
.Ltmp3:
0xe4: {  	[tilespmem:s29+$0x310] =	vst v21;
	(pc) =	sbr.rel @p2 .LBB2_8-.Ltmp3, $4  }
0xe5: {  	[tilespmem:s29+$0x320] =	vst v23  }
0xe6: {  	[tilespmem:s29+$0x330] =	vst v24  }
0xe7: {  	s30 =	sadd.s32 $0x40, s30;
	[tilespmem:s29+$0x380] =	vst v19  }
0xe8: {  	s2 =	sadd.s32 $0x10, s2;
	s0 =	sand.u32 $0x3E00, s30;
	[tilespmem:s29+$0x390] =	vst v11  }
0xe9: {  	s2 =	sand.u32 $0x70, s31;
	s0 =	sadd.s32 s0, s28;
	[tilespmem:s29+$0x3A0] =	vst v10  }
0xea: {  	[tilespmem:s29+$0x3B0] =	vst v9;
	s0 =	sadd.s32 s2, s0  }
0xeb: {  	v9 =	vld [tilespmem:s0+$0x0];
	_ =	sdelay $0x4  }
0xec: {  	v10 =	vbroadcast v9, $0x0;
	_ =	sdelay $0x1  }
0xed: {  	v11 =	vmul.f32 v10, v1  }
0xee: {  	v12 =	vmul.f32 v10, v2  }
0xef: {  	v13 =	vbroadcast v9, $0x1;
	v14 =	vmul.f32 v10, v3;
	v11 =	vadd.f32 v11, v4  }
0xf0: {  	s29 =	sadd.s32 $0x800, s29;
	v10 =	vmul.f32 v10, v6;
	v12 =	vadd.f32 v12, v5  }
0xf1: {  	v56 =	vbroadcast v9, $0x2;
	v15 =	vmul.f32 v13, v1;
	v14 =	vadd.f32 v14, v7;
	[tilespmem:s29+$0xFFFFFC00] =	vst v11  }
0xf2: {  	v16 =	vmul.f32 v13, v3;
	v10 =	vadd.f32 v10, v8;
	[tilespmem:s29+$0xFFFFFC10] =	vst v12  }
0xf3: {  	v31 =	vbroadcast v9, $0x7;
	v58 =	vmul.f32 v56, v2;
	v15 =	vadd.f32 v15, v4;
	[tilespmem:s29+$0xFFFFFC20] =	vst v14  }
0xf4: {  	v20 =	vbroadcast v9, $0x4;
	v59 =	vmul.f32 v56, v3;
	v57 =	vadd.f32 v16, v7;
	[tilespmem:s29+$0xFFFFFC30] =	vst v10  }
0xf5: {  	v35 =	vmul.f32 v31, v3;
	v60 =	vadd.f32 v58, v5;
	[tilespmem:s29+$0xFFFFFC80] =	vst v15  }
0xf6: {  	v23 =	vmul.f32 v20, v2;
	v61 =	vadd.f32 v59, v7;
	[tilespmem:s29+$0xFFFFFCA0] =	vst v57  }
0xf7: {  	v37 =	vadd.f32 v35, v7;
	v11 =	vmul.f32 v13, v2;
	[tilespmem:s29+$0xFFFFFD10] =	vst v60  }
0xf8: {  	v13 =	vmul.f32 v13, v6;
	[tilespmem:s29+$0xFFFFFD20] =	vst v61;
	v14 =	vadd.f32 v23, v5  }
0xf9: {  	v28 =	vbroadcast v9, $0x6;
	v10 =	vmul.f32 v56, v1;
	[tilespmem:s29+$0xFFFFFFA0] =	vst v37;
	v11 =	vadd.f32 v11, v5  }
0xfa: {  	v12 =	vmul.f32 v56, v6;
	v13 =	vadd.f32 v13, v8;
	[tilespmem:s29+$0xFFFFFE10] =	vst v14  }
0xfb: {  	v30 =	vmul.f32 v28, v1;
	v10 =	vadd.f32 v10, v4;
	[tilespmem:s29+$0xFFFFFC90] =	vst v11  }
0xfc: {  	v22 =	vmul.f32 v20, v1;
	v12 =	vadd.f32 v12, v8;
	[tilespmem:s29+$0xFFFFFCB0] =	vst v13  }
0xfd: {  	v25 =	vmul.f32 v20, v6;
	v14 =	vadd.f32 v30, v4;
	[tilespmem:s29+$0xFFFFFD00] =	vst v10  }
0xfe: {  	v39 =	vbroadcast v9, $0x9;
	v34 =	vmul.f32 v31, v2;
	[tilespmem:s29+$0xFFFFFD30] =	vst v12;
	v13 =	vadd.f32 v22, v4  }
0xff: {  	v33 =	vmul.f32 v28, v6;
	v11 =	vbroadcast v9, $0x3;
	v12 =	vadd.f32 v25, v8;
	[tilespmem:s29+$0xFFFFFF00] =	vst v14  }
0x100: {  	v41 =	vmul.f32 v39, v1;
	v14 =	vadd.f32 v34, v5;
	[tilespmem:s29+$0xFFFFFE00] =	vst v13  }
0x101: {  	v10 =	vmul.f32 v11, v2;
	[tilespmem:s29+$0xFFFFFE30] =	vst v12;
	v12 =	vadd.f32 v33, v8  }
0x102: {  	v62 =	vmul.f32 v11, v1;
	[tilespmem:s29+$0xFFFFFF90] =	vst v14;
	v14 =	vadd.f32 v41, v4  }
0x103: {  	v63 =	vmul.f32 v11, v3;
	v11 =	vmul.f32 v11, v6;
	v10 =	vadd.f32 v10, v5;
	[tilespmem:s29+$0xFFFFFF30] =	vst v12  }
0x104: {  	v24 =	vmul.f32 v20, v3;
	v15 =	vadd.f32 v62, v4;
	[tilespmem:s29+$0x80] =	vst v14  }
0x105: {  	v11 =	vadd.f32 v11, v8;
	[tilespmem:s29+$0xFFFFFD90] =	vst v10;
	v10 =	vbroadcast v9, $0x5  }
0x106: {  	v32 =	vmul.f32 v28, v3;
	[tilespmem:s29+$0xFFFFFD80] =	vst v15;
	v15 =	vadd.f32 v24, v7  }
0x107: {  	v21 =	vadd.f32 v63, v7;
	[tilespmem:s29+$0xFFFFFDB0] =	vst v11;
	v11 =	vmul.f32 v10, v1  }
0x108: {  	v26 =	vmul.f32 v10, v2;
	[tilespmem:s29+$0xFFFFFE20] =	vst v15;
	v15 =	vadd.f32 v32, v7  }
0x109: {  	[tilespmem:s29+$0xFFFFFDA0] =	vst v21;
	v27 =	vmul.f32 v10, v3;
	v11 =	vadd.f32 v11, v4  }
0x10a: {  	v50 =	vbroadcast v9, $0xC;
	v43 =	vmul.f32 v39, v3;
	v13 =	vadd.f32 v26, v5;
	[tilespmem:s29+$0xFFFFFF20] =	vst v15  }
0x10b: {  	v10 =	vmul.f32 v10, v6;
	v29 =	vadd.f32 v27, v7;
	[tilespmem:s29+$0xFFFFFE80] =	vst v11  }
0x10c: {  	v52 =	vmul.f32 v50, v1;
	v15 =	vadd.f32 v43, v7;
	[tilespmem:s29+$0xFFFFFE90] =	vst v13  }
0x10d: {  	v10 =	vadd.f32 v10, v8;
	v11 =	vmul.f32 v28, v2;
	[tilespmem:s29+$0xFFFFFEA0] =	vst v29  }
0x10e: {  	v13 =	vmul.f32 v31, v6;
	[tilespmem:s29+$0xA0] =	vst v15;
	v15 =	vadd.f32 v52, v4  }
0x10f: {  	v54 =	vbroadcast v9, $0xD;
	[tilespmem:s29+$0xFFFFFEB0] =	vst v10;
	v10 =	vmul.f32 v31, v1;
	v11 =	vadd.f32 v11, v5  }
0x110: {  	v46 =	vbroadcast v9, $0xB;
	v44 =	vmul.f32 v39, v6;
	v13 =	vadd.f32 v13, v8;
	[tilespmem:s29+$0x200] =	vst v15  }
0x111: {  	v58 =	vmul.f32 v54, v3;
	v10 =	vadd.f32 v10, v4;
	[tilespmem:s29+$0xFFFFFF10] =	vst v11;
	v11 =	vbroadcast v9, $0x8  }
0x112: {  	v48 =	vmul.f32 v46, v1;
	[tilespmem:s29+$0xFFFFFFB0] =	vst v13;
	v13 =	vadd.f32 v44, v8  }
0x113: {  	v15 =	vadd.f32 v58, v7;
	[tilespmem:s29+$0xFFFFFF80] =	vst v10;
	v10 =	vmul.f32 v11, v2  }
0x114: {  	v36 =	vmul.f32 v11, v1;
	[tilespmem:s29+$0xB0] =	vst v13;
	v13 =	vadd.f32 v48, v4  }
0x115: {  	[tilespmem:s29+$0x2A0] =	vst v15;
	v38 =	vmul.f32 v11, v3;
	v11 =	vmul.f32 v11, v6;
	v10 =	vadd.f32 v10, v5  }
0x116: {  	v12 =	vadd.f32 v36, v4;
	[tilespmem:s29+$0x180] =	vst v13  }
0x117: {  	v53 =	vmul.f32 v50, v2;
	v11 =	vadd.f32 v11, v8;
	[tilespmem:s29+$0x10] =	vst v10;
	v10 =	vbroadcast v9, $0xA  }
0x118: {  	v42 =	vmul.f32 v39, v2;
	v40 =	vadd.f32 v38, v7;
	[tilespmem:s29+$0x0] =	vst v12  }
0x119: {  	v13 =	vadd.f32 v53, v5;
	[tilespmem:s29+$0x30] =	vst v11;
	v11 =	vmul.f32 v10, v1  }
0x11a: {  	v57 =	vbroadcast v9, $0xE;
	[tilespmem:s29+$0x20] =	vst v40;
	v12 =	vadd.f32 v42, v5;
	v45 =	vmul.f32 v10, v2  }
0x11b: {  	[tilespmem:s29+$0x210] =	vst v13;
	v9 =	vbroadcast v9, $0xF;
	v47 =	vmul.f32 v10, v3;
	v11 =	vadd.f32 v11, v4  }
0x11c: {  	[tilespmem:s29+$0x90] =	vst v12;
	v10 =	vmul.f32 v10, v6;
	v12 =	vmul.f32 v46, v6;
	v14 =	vadd.f32 v45, v5  }
0x11d: {  	v61 =	vmul.f32 v9, v1;
	v62 =	vmul.f32 v9, v2;
	v49 =	vadd.f32 v47, v7;
	[tilespmem:s29+$0x100] =	vst v11  }
0x11e: {  	v63 =	vmul.f32 v9, v3;
	v9 =	vmul.f32 v9, v6;
	v10 =	vadd.f32 v10, v8;
	[tilespmem:s29+$0x110] =	vst v14  }
0x11f: {  	v51 =	vmul.f32 v46, v3;
	v12 =	vadd.f32 v12, v8;
	[tilespmem:s29+$0x120] =	vst v49  }
0x120: {  	v9 =	vadd.f32 v9, v8;
	v11 =	vmul.f32 v46, v2;
	[tilespmem:s29+$0x130] =	vst v10  }
0x121: {  	v55 =	vmul.f32 v54, v1;
	v10 =	vadd.f32 v51, v7;
	[tilespmem:s29+$0x1B0] =	vst v12  }
0x122: {  	v56 =	vmul.f32 v54, v2;
	[tilespmem:s29+$0x3B0] =	vst v9;
	v11 =	vadd.f32 v11, v5  }
0x123: {  	v12 =	vadd.f32 v55, v4;
	[tilespmem:s29+$0x1A0] =	vst v10;
	v10 =	vmul.f32 v50, v6  }
0x124: {  	v14 =	vadd.f32 v56, v5;
	[tilespmem:s29+$0x190] =	vst v11;
	v11 =	vmul.f32 v50, v3  }
0x125: {  	v59 =	vmul.f32 v57, v2;
	[tilespmem:s29+$0x280] =	vst v12;
	v10 =	vadd.f32 v10, v8  }
0x126: {  	[tilespmem:s29+$0x290] =	vst v14;
	v11 =	vadd.f32 v11, v7  }
0x127: {  	v12 =	vadd.f32 v59, v5;
	[tilespmem:s29+$0x230] =	vst v10;
	v10 =	vmul.f32 v57, v1  }
0x128: {  	v14 =	vadd.f32 v61, v4;
	[tilespmem:s29+$0x220] =	vst v11;
	v11 =	vmul.f32 v54, v6  }
0x129: {  	v13 =	vmul.f32 v57, v6;
	[tilespmem:s29+$0x310] =	vst v12;
	v10 =	vadd.f32 v10, v4  }
0x12a: {  	v60 =	vmul.f32 v57, v3;
	[tilespmem:s29+$0x380] =	vst v14;
	v11 =	vadd.f32 v11, v8  }
0x12b: {  	[tilespmem:s29+$0x300] =	vst v10;
	v10 =	vadd.f32 v13, v8  }
0x12c: {  	[tilespmem:s29+$0x2B0] =	vst v11;
	v11 =	vadd.f32 v60, v7  }
0x12d: {  	[tilespmem:s29+$0x330] =	vst v10;
	v10 =	vadd.f32 v63, v7  }
0x12e: {  	s30 =	sshll.u32 s26, $0x11;
	[tilespmem:s29+$0x320] =	vst v11;
	v11 =	vadd.f32 v62, v5  }
0x12f: {  	s24 =	sshll.u32 s24, $0xC;
	s31 =	sshrl.u32 s23, $0x3;
	s0 =	sadd.s32 s30, s9;
	[tilespmem:s29+$0x3A0] =	vst v10  }
.Ltmp4:
0x130: {  	s2 =	simm.s32 @!p0 $0x2;
	s0 =	sadd.s32 s24, s0;
	[tilespmem:s29+$0x390] =	vst v11;
	(pc) =	sbr.rel @!p1 .LBB2_13-.Ltmp4, $4  }
0x131: {  	[hbm4b:s0+s5] =	stream.linear.scatter [tilespmem:s17], [sflag:$0x1], $0x8000, $0x38;
	[tilespmem:$0x14300] =	vst v63  }
0x132: {  	s26 =	sor.u32 $0x1, s31;
	_ =	swait.ge @!p0 [sflag:s2], $0x8000  }
0x133: {  	s0 =	sshll.u32 s26, $0x9;
	[sflag:s2] =	ssyncset.done @!p0 $0x0  }
0x134: {  	s28 =	sshrl.u32 s0, $0x2;
	[sflag:s2] =	ssyncadd.s32 @!p0 $0xFFFF8000  }
0x135: {  	v9 =	vld [tilespmem:s28+$0x4000]  }
0x136: {  	v10 =	vld [tilespmem:s28+$0x4030]  }
0x137: {  	v12 =	vld [tilespmem:s28+$0x4020]  }
0x138: {  	v11 =	vld [tilespmem:s28+$0x4010]  }
0x139: {  	s2 =	simm.s32 $0xC300  }
0x13a: {  	[tilespmem:s2+$0x0] =	vst v9  }
0x13b: {  	[tilespmem:s2+$0x1B0] =	vst v10  }
0x13c: {  	[tilespmem:s2+$0x1A0] =	vst v12  }
0x13d: {  	[tilespmem:s2+$0x190] =	vst v11  }
0x13e: {  	[tilespmem:s2+$0x180] =	vst v9  }
0x13f: {  	[tilespmem:s2+$0x130] =	vst v10  }
0x140: {  	[tilespmem:s2+$0x120] =	vst v12  }
0x141: {  	[tilespmem:s2+$0x110] =	vst v11  }
0x142: {  	[tilespmem:s2+$0x100] =	vst v9  }
0x143: {  	[tilespmem:s2+$0xB0] =	vst v10  }
0x144: {  	[tilespmem:s2+$0xA0] =	vst v12  }
0x145: {  	[tilespmem:s2+$0x90] =	vst v11  }
0x146: {  	[tilespmem:s2+$0x80] =	vst v9  }
0x147: {  	[tilespmem:s2+$0x30] =	vst v10  }
0x148: {  	s29 =	simm.s32 $0x0;
	[tilespmem:s2+$0x20] =	vst v12  }
.LBB2_11:
0x149: {  	s29 =	sadd.s32 $0x4, s29;
	[tilespmem:s2+$0x10] =	vst v11;
	s2 =	sadd.s32 $0x200, s2  }
0x14a: {  	[tilespmem:s2+$0x0] =	vst v9;
	p0 =	slt.u32 s29, $0xFC  }
0x14b: {  	[tilespmem:s2+$0x1B0] =	vst v10  }
0x14c: {  	[tilespmem:s2+$0x1A0] =	vst v12  }
0x14d: {  	[tilespmem:s2+$0x190] =	vst v11  }
0x14e: {  	[tilespmem:s2+$0x180] =	vst v9  }
0x14f: {  	[tilespmem:s2+$0x130] =	vst v10  }
0x150: {  	[tilespmem:s2+$0x120] =	vst v12  }
0x151: {  	[tilespmem:s2+$0x110] =	vst v11  }
0x152: {  	[tilespmem:s2+$0x100] =	vst v9  }
0x153: {  	[tilespmem:s2+$0xB0] =	vst v10  }
.Ltmp5:
0x154: {  	[tilespmem:s2+$0xA0] =	vst v12;
	(pc) =	sbr.rel @p0 .LBB2_11-.Ltmp5, $4  }
0x155: {  	[tilespmem:s2+$0x90] =	vst v11  }
0x156: {  	[tilespmem:s2+$0x80] =	vst v9  }
0x157: {  	[tilespmem:s2+$0x30] =	vst v10  }
0x158: {  	[tilespmem:s2+$0x20] =	vst v12  }
0x159: {  	[tilespmem:s2+$0x10] =	vst v11  }
.LBB2_13:
0x15a: {  	s0 =	simm.s32 $0x0  }
0x15b: {  	s2 =	sadd.s32 s25, s28;
	s0 =	sand.u32 $0x70, s0  }
0x15c: {  	s0 =	sadd.s32 s0, s2  }
0x15d: {  	v9 =	vld [tilespmem:s0+$0x0];
	_ =	sdelay $0x4  }
0x15e: {  	v10 =	vbroadcast v9, $0x0;
	_ =	sdelay $0x1  }
0x15f: {  	v11 =	vmul.f32 v10, v1  }
0x160: {  	v12 =	vmul.f32 v10, v2  }
0x161: {  	v13 =	vbroadcast v9, $0x1;
	v14 =	vmul.f32 v10, v3;
	v11 =	vadd.f32 v11, v4  }
0x162: {  	s25 =	simm.s32 $0x0;
	v10 =	vmul.f32 v10, v6;
	v12 =	vadd.f32 v12, v5  }
0x163: {  	v56 =	vbroadcast v9, $0x2;
	v15 =	vmul.f32 v13, v1;
	v14 =	vadd.f32 v14, v7;
	[tilespmem:s25+$0xC340] =	vst v11  }
0x164: {  	v16 =	vmul.f32 v13, v3;
	v10 =	vadd.f32 v10, v8;
	[tilespmem:s25+$0xC350] =	vst v12  }
0x165: {  	v31 =	vbroadcast v9, $0x7;
	v58 =	vmul.f32 v56, v2;
	v15 =	vadd.f32 v15, v4;
	[tilespmem:s25+$0xC360] =	vst v14  }
0x166: {  	v20 =	vbroadcast v9, $0x4;
	v59 =	vmul.f32 v56, v3;
	v57 =	vadd.f32 v16, v7;
	[tilespmem:s25+$0xC370] =	vst v10  }
0x167: {  	v35 =	vmul.f32 v31, v3;
	v60 =	vadd.f32 v58, v5;
	[tilespmem:s25+$0xC3C0] =	vst v15  }
0x168: {  	v23 =	vmul.f32 v20, v2;
	v61 =	vadd.f32 v59, v7;
	[tilespmem:s25+$0xC3E0] =	vst v57  }
0x169: {  	v37 =	vadd.f32 v35, v7;
	v11 =	vmul.f32 v13, v2;
	[tilespmem:s25+$0xC450] =	vst v60  }
0x16a: {  	v13 =	vmul.f32 v13, v6;
	[tilespmem:s25+$0xC460] =	vst v61;
	v14 =	vadd.f32 v23, v5  }
0x16b: {  	v28 =	vbroadcast v9, $0x6;
	v10 =	vmul.f32 v56, v1;
	[tilespmem:s25+$0xC6E0] =	vst v37;
	v11 =	vadd.f32 v11, v5  }
0x16c: {  	v12 =	vmul.f32 v56, v6;
	v13 =	vadd.f32 v13, v8;
	[tilespmem:s25+$0xC550] =	vst v14  }
0x16d: {  	v30 =	vmul.f32 v28, v1;
	v10 =	vadd.f32 v10, v4;
	[tilespmem:s25+$0xC3D0] =	vst v11  }
0x16e: {  	v22 =	vmul.f32 v20, v1;
	v12 =	vadd.f32 v12, v8;
	[tilespmem:s25+$0xC3F0] =	vst v13  }
0x16f: {  	v25 =	vmul.f32 v20, v6;
	v14 =	vadd.f32 v30, v4;
	[tilespmem:s25+$0xC440] =	vst v10  }
0x170: {  	v39 =	vbroadcast v9, $0x9;
	v34 =	vmul.f32 v31, v2;
	[tilespmem:s25+$0xC470] =	vst v12;
	v13 =	vadd.f32 v22, v4  }
0x171: {  	v33 =	vmul.f32 v28, v6;
	v11 =	vbroadcast v9, $0x3;
	v12 =	vadd.f32 v25, v8;
	[tilespmem:s25+$0xC640] =	vst v14  }
0x172: {  	v41 =	vmul.f32 v39, v1;
	v14 =	vadd.f32 v34, v5;
	[tilespmem:s25+$0xC540] =	vst v13  }
0x173: {  	v10 =	vmul.f32 v11, v2;
	[tilespmem:s25+$0xC570] =	vst v12;
	v12 =	vadd.f32 v33, v8  }
0x174: {  	v62 =	vmul.f32 v11, v1;
	[tilespmem:s25+$0xC6D0] =	vst v14;
	v14 =	vadd.f32 v41, v4  }
0x175: {  	v63 =	vmul.f32 v11, v3;
	v11 =	vmul.f32 v11, v6;
	v10 =	vadd.f32 v10, v5;
	[tilespmem:s25+$0xC670] =	vst v12  }
0x176: {  	v24 =	vmul.f32 v20, v3;
	v15 =	vadd.f32 v62, v4;
	[tilespmem:s25+$0xC7C0] =	vst v14  }
0x177: {  	v11 =	vadd.f32 v11, v8;
	[tilespmem:s25+$0xC4D0] =	vst v10;
	v10 =	vbroadcast v9, $0x5  }
0x178: {  	v32 =	vmul.f32 v28, v3;
	[tilespmem:s25+$0xC4C0] =	vst v15;
	v15 =	vadd.f32 v24, v7  }
0x179: {  	v21 =	vadd.f32 v63, v7;
	[tilespmem:s25+$0xC4F0] =	vst v11;
	v11 =	vmul.f32 v10, v1  }
0x17a: {  	v26 =	vmul.f32 v10, v2;
	[tilespmem:s25+$0xC560] =	vst v15;
	v15 =	vadd.f32 v32, v7  }
0x17b: {  	[tilespmem:s25+$0xC4E0] =	vst v21;
	v27 =	vmul.f32 v10, v3;
	v11 =	vadd.f32 v11, v4  }
0x17c: {  	v50 =	vbroadcast v9, $0xC;
	v43 =	vmul.f32 v39, v3;
	v13 =	vadd.f32 v26, v5;
	[tilespmem:s25+$0xC660] =	vst v15  }
0x17d: {  	v10 =	vmul.f32 v10, v6;
	v29 =	vadd.f32 v27, v7;
	[tilespmem:s25+$0xC5C0] =	vst v11  }
0x17e: {  	v52 =	vmul.f32 v50, v1;
	v15 =	vadd.f32 v43, v7;
	[tilespmem:s25+$0xC5D0] =	vst v13  }
0x17f: {  	v10 =	vadd.f32 v10, v8;
	v11 =	vmul.f32 v28, v2;
	[tilespmem:s25+$0xC5E0] =	vst v29  }
0x180: {  	v13 =	vmul.f32 v31, v6;
	[tilespmem:s25+$0xC7E0] =	vst v15;
	v15 =	vadd.f32 v52, v4  }
0x181: {  	v54 =	vbroadcast v9, $0xD;
	[tilespmem:s25+$0xC5F0] =	vst v10;
	v10 =	vmul.f32 v31, v1;
	v11 =	vadd.f32 v11, v5  }
0x182: {  	v46 =	vbroadcast v9, $0xB;
	v44 =	vmul.f32 v39, v6;
	v13 =	vadd.f32 v13, v8;
	[tilespmem:s25+$0xC940] =	vst v15  }
0x183: {  	v58 =	vmul.f32 v54, v3;
	v10 =	vadd.f32 v10, v4;
	[tilespmem:s25+$0xC650] =	vst v11;
	v11 =	vbroadcast v9, $0x8  }
0x184: {  	v48 =	vmul.f32 v46, v1;
	[tilespmem:s25+$0xC6F0] =	vst v13;
	v13 =	vadd.f32 v44, v8  }
0x185: {  	v15 =	vadd.f32 v58, v7;
	[tilespmem:s25+$0xC6C0] =	vst v10;
	v10 =	vmul.f32 v11, v2  }
0x186: {  	v36 =	vmul.f32 v11, v1;
	[tilespmem:s25+$0xC7F0] =	vst v13;
	v13 =	vadd.f32 v48, v4  }
0x187: {  	[tilespmem:s25+$0xC9E0] =	vst v15;
	v38 =	vmul.f32 v11, v3;
	v11 =	vmul.f32 v11, v6;
	v10 =	vadd.f32 v10, v5  }
0x188: {  	v12 =	vadd.f32 v36, v4;
	[tilespmem:s25+$0xC8C0] =	vst v13  }
0x189: {  	v53 =	vmul.f32 v50, v2;
	v11 =	vadd.f32 v11, v8;
	[tilespmem:s25+$0xC750] =	vst v10;
	v10 =	vbroadcast v9, $0xA  }
0x18a: {  	v42 =	vmul.f32 v39, v2;
	v40 =	vadd.f32 v38, v7;
	[tilespmem:s25+$0xC740] =	vst v12  }
0x18b: {  	v13 =	vadd.f32 v53, v5;
	[tilespmem:s25+$0xC770] =	vst v11;
	v11 =	vmul.f32 v10, v1  }
0x18c: {  	[tilespmem:s25+$0xC760] =	vst v40;
	v12 =	vadd.f32 v42, v5;
	v45 =	vmul.f32 v10, v2  }
0x18d: {  	[tilespmem:s25+$0xC950] =	vst v13;
	v47 =	vmul.f32 v10, v3;
	v11 =	vadd.f32 v11, v4  }
0x18e: {  	[tilespmem:s25+$0xC7D0] =	vst v12;
	v10 =	vmul.f32 v10, v6;
	v14 =	vadd.f32 v45, v5  }
0x18f: {  	v51 =	vmul.f32 v46, v3;
	v49 =	vadd.f32 v47, v7;
	[tilespmem:s25+$0xC840] =	vst v11;
	v11 =	vmul.f32 v46, v2  }
0x190: {  	v57 =	vbroadcast v9, $0xE;
	v9 =	vbroadcast v9, $0xF;
	v10 =	vadd.f32 v10, v8;
	[tilespmem:s25+$0xC850] =	vst v14  }
0x191: {  	v12 =	vmul.f32 v46, v6;
	[tilespmem:s25+$0xC860] =	vst v49;
	v11 =	vadd.f32 v11, v5  }
0x192: {  	v61 =	vmul.f32 v9, v1;
	[tilespmem:s25+$0xC870] =	vst v10;
	v10 =	vadd.f32 v51, v7  }
0x193: {  	v12 =	vadd.f32 v12, v8;
	[tilespmem:s25+$0xC8D0] =	vst v11;
	v11 =	vmul.f32 v50, v3  }
0x194: {  	v63 =	vadd.f32 v61, v4;
	[tilespmem:s25+$0xC8E0] =	vst v10;
	v10 =	vmul.f32 v50, v6  }
0x195: {  	v55 =	vmul.f32 v54, v1;
	[tilespmem:s25+$0xC8F0] =	vst v12;
	v11 =	vadd.f32 v11, v7  }
0x196: {  	v56 =	vmul.f32 v54, v2;
	[tilespmem:s25+$0xCAC0] =	vst v63;
	v10 =	vadd.f32 v10, v8  }
0x197: {  	v12 =	vadd.f32 v55, v4;
	[tilespmem:s25+$0xC960] =	vst v11;
	v11 =	vmul.f32 v54, v6  }
0x198: {  	v14 =	vadd.f32 v56, v5;
	[tilespmem:s25+$0xC970] =	vst v10;
	v10 =	vmul.f32 v57, v1  }
0x199: {  	v60 =	vmul.f32 v57, v3;
	[tilespmem:s25+$0xC9C0] =	vst v12;
	v11 =	vadd.f32 v11, v8  }
0x19a: {  	v59 =	vmul.f32 v57, v2;
	[tilespmem:s25+$0xC9D0] =	vst v14;
	v10 =	vadd.f32 v10, v4  }
0x19b: {  	v13 =	vmul.f32 v57, v6;
	[tilespmem:s25+$0xC9F0] =	vst v11;
	v11 =	vadd.f32 v60, v7  }
0x19c: {  	v62 =	vmul.f32 v9, v2;
	v12 =	vadd.f32 v59, v5;
	[tilespmem:s25+$0xCA40] =	vst v10  }
0x19d: {  	v10 =	vadd.f32 v13, v8;
	[tilespmem:s25+$0xCA60] =	vst v11;
	v11 =	vmul.f32 v9, v3  }
0x19e: {  	[tilespmem:s25+$0xCA50] =	vst v12;
	v13 =	vadd.f32 v62, v5;
	v9 =	vmul.f32 v9, v6  }
0x19f: {  	s29 =	simm.s32 $0x2000;
	s30 =	sadd.s32 $0x40, s22;
	[tilespmem:s25+$0xCA70] =	vst v10;
	v10 =	vadd.f32 v11, v7  }
0x1a0: {  	s31 =	simm.s32 $0x4000;
	s2 =	simm.s32 $0x10;
	s0 =	sand.u32 $0x3E00, s30;
	[tilespmem:s25+$0xCAD0] =	vst v13;
	v9 =	vadd.f32 v9, v8  }
.LBB2_14:
0x1a1: {  	p0 =	sne.s32 s31, $0x1E000;
	s1 =	sand.u32 $0x70, s2;
	s0 =	sadd.s32 s0, s28;
	[tilespmem:s25+$0xCAE0] =	vst v10  }
0x1a2: {  	s0 =	sadd.s32 s1, s0;
	[tilespmem:s25+$0xCAF0] =	vst v9  }
0x1a3: {  	v9 =	vld [tilespmem:s0+$0x0];
	_ =	sdelay $0x4  }
0x1a4: {  	v10 =	vbroadcast v9, $0x0;
	v11 =	vbroadcast v9, $0x1  }
0x1a5: {  	v12 =	vbroadcast v9, $0x2;
	v13 =	vbroadcast v9, $0x3  }
0x1a6: {  	v14 =	vmul.f32 v10, v1;
	v15 =	vmul.f32 v10, v2  }
0x1a7: {  	v16 =	vmul.f32 v10, v3;
	v10 =	vmul.f32 v10, v6  }
0x1a8: {  	v17 =	vmul.f32 v11, v1;
	v14 =	vadd.f32 v14, v4;
	v15 =	vadd.f32 v15, v5  }
0x1a9: {  	s25 =	sshra.s32 s29, $0x2;
	s29 =	smov.u32 s31;
	v18 =	vmul.f32 v11, v2;
	v16 =	vadd.f32 v16, v7;
	v10 =	vadd.f32 v10, v8  }
0x1aa: {  	[tilespmem:s25+$0xC340] =	vst v14;
	v14 =	vadd.f32 v17, v4;
	v17 =	vmul.f32 v11, v3;
	v11 =	vmul.f32 v11, v6  }
0x1ab: {  	v19 =	vmul.f32 v12, v2;
	[tilespmem:s25+$0xC350] =	vst v15;
	v15 =	vadd.f32 v18, v5;
	v18 =	vmul.f32 v12, v1  }
0x1ac: {  	[tilespmem:s25+$0xC360] =	vst v16;
	v16 =	vadd.f32 v17, v7;
	v11 =	vadd.f32 v11, v8;
	v17 =	vmul.f32 v12, v3  }
0x1ad: {  	v12 =	vmul.f32 v12, v6;
	[tilespmem:s25+$0xC370] =	vst v10;
	v10 =	vadd.f32 v18, v4;
	v18 =	vadd.f32 v19, v5  }
0x1ae: {  	v19 =	vmul.f32 v13, v2;
	[tilespmem:s25+$0xC3C0] =	vst v14;
	v14 =	vadd.f32 v17, v7;
	v17 =	vmul.f32 v13, v1  }
0x1af: {  	v12 =	vadd.f32 v12, v8;
	[tilespmem:s25+$0xC3D0] =	vst v15;
	v15 =	vmul.f32 v13, v3;
	v13 =	vmul.f32 v13, v6  }
0x1b0: {  	[tilespmem:s25+$0xC3E0] =	vst v16;
	v16 =	vadd.f32 v17, v4;
	v17 =	vadd.f32 v19, v5;
	v19 =	vbroadcast v9, $0x4  }
0x1b1: {  	[tilespmem:s25+$0xC3F0] =	vst v11;
	v11 =	vadd.f32 v15, v7;
	v13 =	vadd.f32 v13, v8;
	v15 =	vbroadcast v9, $0x5  }
0x1b2: {  	[tilespmem:s25+$0xC440] =	vst v10;
	v10 =	vmul.f32 v19, v1;
	v20 =	vmul.f32 v19, v2  }
0x1b3: {  	[tilespmem:s25+$0xC450] =	vst v18;
	v18 =	vmul.f32 v19, v3;
	v19 =	vmul.f32 v19, v6  }
0x1b4: {  	[tilespmem:s25+$0xC460] =	vst v14;
	v10 =	vadd.f32 v10, v4;
	v14 =	vadd.f32 v20, v5;
	v20 =	vmul.f32 v15, v1  }
0x1b5: {  	[tilespmem:s25+$0xC470] =	vst v12;
	v12 =	vadd.f32 v18, v7;
	v18 =	vadd.f32 v19, v8;
	v19 =	vmul.f32 v15, v2  }
0x1b6: {  	[tilespmem:s25+$0xC4C0] =	vst v16;
	v16 =	vadd.f32 v20, v4;
	v20 =	vmul.f32 v15, v3;
	v15 =	vmul.f32 v15, v6  }
0x1b7: {  	v21 =	vbroadcast v9, $0x7;
	[tilespmem:s25+$0xC4D0] =	vst v17;
	v17 =	vadd.f32 v19, v5;
	v19 =	vbroadcast v9, $0x6  }
0x1b8: {  	[tilespmem:s25+$0xC4E0] =	vst v11;
	v11 =	vadd.f32 v20, v7;
	v15 =	vadd.f32 v15, v8;
	v20 =	vbroadcast v9, $0x8  }
0x1b9: {  	[tilespmem:s25+$0xC4F0] =	vst v13;
	v13 =	vmul.f32 v19, v1;
	v22 =	vmul.f32 v19, v2  }
0x1ba: {  	[tilespmem:s25+$0xC540] =	vst v10;
	v10 =	vmul.f32 v19, v3;
	v19 =	vmul.f32 v19, v6  }
0x1bb: {  	[tilespmem:s25+$0xC550] =	vst v14;
	v13 =	vadd.f32 v13, v4;
	v14 =	vadd.f32 v22, v5;
	v22 =	vmul.f32 v21, v1  }
0x1bc: {  	[tilespmem:s25+$0xC560] =	vst v12;
	v10 =	vadd.f32 v10, v7;
	v12 =	vadd.f32 v19, v8;
	v19 =	vmul.f32 v21, v2  }
0x1bd: {  	[tilespmem:s25+$0xC570] =	vst v18;
	v18 =	vadd.f32 v22, v4;
	v22 =	vmul.f32 v21, v3;
	v21 =	vmul.f32 v21, v6  }
0x1be: {  	v23 =	vmul.f32 v20, v2;
	[tilespmem:s25+$0xC5C0] =	vst v16;
	v16 =	vadd.f32 v19, v5;
	v19 =	vmul.f32 v20, v1  }
0x1bf: {  	[tilespmem:s25+$0xC5D0] =	vst v17;
	v17 =	vadd.f32 v22, v7;
	v21 =	vadd.f32 v21, v8;
	v22 =	vmul.f32 v20, v3  }
0x1c0: {  	v20 =	vmul.f32 v20, v6;
	[tilespmem:s25+$0xC5E0] =	vst v11;
	v11 =	vadd.f32 v19, v4;
	v19 =	vadd.f32 v23, v5  }
0x1c1: {  	v23 =	vbroadcast v9, $0xA;
	[tilespmem:s25+$0xC5F0] =	vst v15;
	v15 =	vadd.f32 v22, v7;
	v22 =	vbroadcast v9, $0x9  }
0x1c2: {  	v24 =	vbroadcast v9, $0xC;
	[tilespmem:s25+$0xC640] =	vst v13;
	v13 =	vadd.f32 v20, v8;
	v20 =	vbroadcast v9, $0xB  }
0x1c3: {  	[tilespmem:s25+$0xC650] =	vst v14;
	v14 =	vmul.f32 v22, v1;
	v25 =	vmul.f32 v22, v2  }
0x1c4: {  	[tilespmem:s25+$0xC660] =	vst v10;
	v10 =	vmul.f32 v22, v3;
	v22 =	vmul.f32 v22, v6  }
0x1c5: {  	[tilespmem:s25+$0xC670] =	vst v12;
	v12 =	vadd.f32 v14, v4;
	v14 =	vadd.f32 v25, v5;
	v25 =	vmul.f32 v23, v1  }
0x1c6: {  	[tilespmem:s25+$0xC6C0] =	vst v18;
	v10 =	vadd.f32 v10, v7;
	v18 =	vadd.f32 v22, v8;
	v22 =	vmul.f32 v23, v2  }
0x1c7: {  	[tilespmem:s25+$0xC6D0] =	vst v16;
	v16 =	vadd.f32 v25, v4;
	v25 =	vmul.f32 v23, v3;
	v23 =	vmul.f32 v23, v6  }
0x1c8: {  	v26 =	vmul.f32 v20, v2;
	[tilespmem:s25+$0xC6E0] =	vst v17;
	v17 =	vadd.f32 v22, v5;
	v22 =	vmul.f32 v20, v1  }
0x1c9: {  	[tilespmem:s25+$0xC6F0] =	vst v21;
	v21 =	vadd.f32 v25, v7;
	v23 =	vadd.f32 v23, v8;
	v25 =	vmul.f32 v20, v3  }
0x1ca: {  	v20 =	vmul.f32 v20, v6;
	[tilespmem:s25+$0xC740] =	vst v11;
	v11 =	vadd.f32 v22, v4;
	v22 =	vadd.f32 v26, v5  }
0x1cb: {  	v26 =	vmul.f32 v24, v2;
	[tilespmem:s25+$0xC750] =	vst v19;
	v19 =	vadd.f32 v25, v7;
	v25 =	vmul.f32 v24, v1  }
0x1cc: {  	[tilespmem:s25+$0xC760] =	vst v15;
	v15 =	vadd.f32 v20, v8;
	v20 =	vmul.f32 v24, v3;
	v24 =	vmul.f32 v24, v6  }
0x1cd: {  	[tilespmem:s25+$0xC770] =	vst v13;
	v13 =	vadd.f32 v25, v4;
	v25 =	vadd.f32 v26, v5;
	v26 =	vbroadcast v9, $0xD  }
0x1ce: {  	[tilespmem:s25+$0xC7C0] =	vst v12;
	v12 =	vadd.f32 v20, v7;
	v20 =	vadd.f32 v24, v8;
	v24 =	vbroadcast v9, $0xE  }
0x1cf: {  	[tilespmem:s25+$0xC7D0] =	vst v14;
	v14 =	vmul.f32 v26, v1;
	v27 =	vmul.f32 v26, v2  }
0x1d0: {  	[tilespmem:s25+$0xC7E0] =	vst v10;
	v10 =	vmul.f32 v26, v3;
	v26 =	vmul.f32 v26, v6  }
0x1d1: {  	[tilespmem:s25+$0xC7F0] =	vst v18;
	v14 =	vadd.f32 v14, v4;
	v18 =	vadd.f32 v27, v5;
	v27 =	vmul.f32 v24, v1  }
0x1d2: {  	[tilespmem:s25+$0xC840] =	vst v16;
	v16 =	vadd.f32 v10, v7;
	v26 =	vadd.f32 v26, v8;
	v10 =	vmul.f32 v24, v2  }
0x1d3: {  	[tilespmem:s25+$0xC850] =	vst v17;
	v17 =	vadd.f32 v27, v4;
	v27 =	vmul.f32 v24, v3;
	v24 =	vmul.f32 v24, v6  }
0x1d4: {  	v9 =	vbroadcast v9, $0xF;
	[tilespmem:s25+$0xC860] =	vst v21;
	v21 =	vadd.f32 v10, v5  }
0x1d5: {  	[tilespmem:s25+$0xC870] =	vst v23;
	v23 =	vadd.f32 v27, v7;
	v24 =	vadd.f32 v24, v8  }
0x1d6: {  	v10 =	vmul.f32 v9, v1;
	[tilespmem:s25+$0xC8C0] =	vst v11;
	v11 =	vmul.f32 v9, v2  }
0x1d7: {  	[tilespmem:s25+$0xC8D0] =	vst v22;
	v22 =	vmul.f32 v9, v3;
	v9 =	vmul.f32 v9, v6  }
0x1d8: {  	[tilespmem:s25+$0xC8E0] =	vst v19;
	v19 =	vadd.f32 v10, v4;
	v11 =	vadd.f32 v11, v5  }
0x1d9: {  	[tilespmem:s25+$0xC8F0] =	vst v15;
	v10 =	vadd.f32 v22, v7;
	v9 =	vadd.f32 v9, v8  }
0x1da: {  	[tilespmem:s25+$0xC940] =	vst v13  }
0x1db: {  	[tilespmem:s25+$0xC950] =	vst v25  }
0x1dc: {  	[tilespmem:s25+$0xC960] =	vst v12  }
0x1dd: {  	[tilespmem:s25+$0xC970] =	vst v20  }
0x1de: {  	[tilespmem:s25+$0xC9C0] =	vst v14  }
0x1df: {  	[tilespmem:s25+$0xC9D0] =	vst v18  }
0x1e0: {  	[tilespmem:s25+$0xC9E0] =	vst v16  }
0x1e1: {  	[tilespmem:s25+$0xC9F0] =	vst v26  }
0x1e2: {  	[tilespmem:s25+$0xCA40] =	vst v17  }
.Ltmp6:
0x1e3: {  	[tilespmem:s25+$0xCA50] =	vst v21;
	(pc) =	sbr.rel @p0 .LBB2_14-.Ltmp6, $4  }
0x1e4: {  	[tilespmem:s25+$0xCA60] =	vst v23  }
0x1e5: {  	[tilespmem:s25+$0xCA70] =	vst v24  }
0x1e6: {  	s30 =	sadd.s32 $0x40, s30;
	[tilespmem:s25+$0xCAC0] =	vst v19  }
0x1e7: {  	s2 =	sadd.s32 $0x10, s2;
	s31 =	sadd.s32 $0x2000, s31;
	s0 =	sand.u32 $0x3E00, s30;
	[tilespmem:s25+$0xCAD0] =	vst v11  }
0x1e8: {  	s1 =	sand.u32 $0x70, s2;
	s0 =	sadd.s32 s0, s28;
	[tilespmem:s25+$0xCAE0] =	vst v10  }
0x1e9: {  	[tilespmem:s25+$0xCAF0] =	vst v9;
	s0 =	sadd.s32 s1, s0  }
0x1ea: {  	v9 =	vld [tilespmem:s0+$0x0];
	_ =	sdelay $0x4  }
0x1eb: {  	v10 =	vbroadcast v9, $0x0;
	_ =	sdelay $0x1  }
0x1ec: {  	v11 =	vmul.f32 v10, v1  }
0x1ed: {  	v12 =	vmul.f32 v10, v2  }
0x1ee: {  	v13 =	vbroadcast v9, $0x1;
	v14 =	vmul.f32 v10, v3;
	v11 =	vadd.f32 v11, v4  }
0x1ef: {  	s29 =	sshra.s32 s29, $0x2;
	v10 =	vmul.f32 v10, v6;
	v12 =	vadd.f32 v12, v5  }
0x1f0: {  	v56 =	vbroadcast v9, $0x2;
	v15 =	vmul.f32 v13, v1;
	v14 =	vadd.f32 v14, v7;
	[tilespmem:s29+$0xC340] =	vst v11  }
0x1f1: {  	v16 =	vmul.f32 v13, v3;
	v10 =	vadd.f32 v10, v8;
	[tilespmem:s29+$0xC350] =	vst v12  }
0x1f2: {  	v31 =	vbroadcast v9, $0x7;
	v58 =	vmul.f32 v56, v2;
	v15 =	vadd.f32 v15, v4;
	[tilespmem:s29+$0xC360] =	vst v14  }
0x1f3: {  	v20 =	vbroadcast v9, $0x4;
	v59 =	vmul.f32 v56, v3;
	v57 =	vadd.f32 v16, v7;
	[tilespmem:s29+$0xC370] =	vst v10  }
0x1f4: {  	v35 =	vmul.f32 v31, v3;
	v60 =	vadd.f32 v58, v5;
	[tilespmem:s29+$0xC3C0] =	vst v15  }
0x1f5: {  	v23 =	vmul.f32 v20, v2;
	v61 =	vadd.f32 v59, v7;
	[tilespmem:s29+$0xC3E0] =	vst v57  }
0x1f6: {  	v37 =	vadd.f32 v35, v7;
	v11 =	vmul.f32 v13, v2;
	[tilespmem:s29+$0xC450] =	vst v60  }
0x1f7: {  	v13 =	vmul.f32 v13, v6;
	[tilespmem:s29+$0xC460] =	vst v61;
	v14 =	vadd.f32 v23, v5  }
0x1f8: {  	v28 =	vbroadcast v9, $0x6;
	v10 =	vmul.f32 v56, v1;
	[tilespmem:s29+$0xC6E0] =	vst v37;
	v11 =	vadd.f32 v11, v5  }
0x1f9: {  	v12 =	vmul.f32 v56, v6;
	v13 =	vadd.f32 v13, v8;
	[tilespmem:s29+$0xC550] =	vst v14  }
0x1fa: {  	v30 =	vmul.f32 v28, v1;
	v10 =	vadd.f32 v10, v4;
	[tilespmem:s29+$0xC3D0] =	vst v11  }
0x1fb: {  	v22 =	vmul.f32 v20, v1;
	v12 =	vadd.f32 v12, v8;
	[tilespmem:s29+$0xC3F0] =	vst v13  }
0x1fc: {  	v25 =	vmul.f32 v20, v6;
	v14 =	vadd.f32 v30, v4;
	[tilespmem:s29+$0xC440] =	vst v10  }
0x1fd: {  	v39 =	vbroadcast v9, $0x9;
	v34 =	vmul.f32 v31, v2;
	[tilespmem:s29+$0xC470] =	vst v12;
	v13 =	vadd.f32 v22, v4  }
0x1fe: {  	v33 =	vmul.f32 v28, v6;
	v11 =	vbroadcast v9, $0x3;
	v12 =	vadd.f32 v25, v8;
	[tilespmem:s29+$0xC640] =	vst v14  }
0x1ff: {  	v41 =	vmul.f32 v39, v1;
	v14 =	vadd.f32 v34, v5;
	[tilespmem:s29+$0xC540] =	vst v13  }
0x200: {  	v10 =	vmul.f32 v11, v2;
	[tilespmem:s29+$0xC570] =	vst v12;
	v12 =	vadd.f32 v33, v8  }
0x201: {  	v62 =	vmul.f32 v11, v1;
	[tilespmem:s29+$0xC6D0] =	vst v14;
	v14 =	vadd.f32 v41, v4  }
0x202: {  	v63 =	vmul.f32 v11, v3;
	v11 =	vmul.f32 v11, v6;
	v10 =	vadd.f32 v10, v5;
	[tilespmem:s29+$0xC670] =	vst v12  }
0x203: {  	v24 =	vmul.f32 v20, v3;
	v15 =	vadd.f32 v62, v4;
	[tilespmem:s29+$0xC7C0] =	vst v14  }
0x204: {  	v11 =	vadd.f32 v11, v8;
	[tilespmem:s29+$0xC4D0] =	vst v10;
	v10 =	vbroadcast v9, $0x5  }
0x205: {  	v32 =	vmul.f32 v28, v3;
	[tilespmem:s29+$0xC4C0] =	vst v15;
	v15 =	vadd.f32 v24, v7  }
0x206: {  	v21 =	vadd.f32 v63, v7;
	[tilespmem:s29+$0xC4F0] =	vst v11;
	v11 =	vmul.f32 v10, v1  }
0x207: {  	v26 =	vmul.f32 v10, v2;
	[tilespmem:s29+$0xC560] =	vst v15;
	v15 =	vadd.f32 v32, v7  }
0x208: {  	[tilespmem:s29+$0xC4E0] =	vst v21;
	v27 =	vmul.f32 v10, v3;
	v11 =	vadd.f32 v11, v4  }
0x209: {  	v50 =	vbroadcast v9, $0xC;
	v43 =	vmul.f32 v39, v3;
	v13 =	vadd.f32 v26, v5;
	[tilespmem:s29+$0xC660] =	vst v15  }
0x20a: {  	v10 =	vmul.f32 v10, v6;
	v29 =	vadd.f32 v27, v7;
	[tilespmem:s29+$0xC5C0] =	vst v11  }
0x20b: {  	v52 =	vmul.f32 v50, v1;
	v15 =	vadd.f32 v43, v7;
	[tilespmem:s29+$0xC5D0] =	vst v13  }
0x20c: {  	v10 =	vadd.f32 v10, v8;
	v11 =	vmul.f32 v28, v2;
	[tilespmem:s29+$0xC5E0] =	vst v29  }
0x20d: {  	v13 =	vmul.f32 v31, v6;
	[tilespmem:s29+$0xC7E0] =	vst v15;
	v15 =	vadd.f32 v52, v4  }
0x20e: {  	v54 =	vbroadcast v9, $0xD;
	[tilespmem:s29+$0xC5F0] =	vst v10;
	v10 =	vmul.f32 v31, v1;
	v11 =	vadd.f32 v11, v5  }
0x20f: {  	v46 =	vbroadcast v9, $0xB;
	v44 =	vmul.f32 v39, v6;
	v13 =	vadd.f32 v13, v8;
	[tilespmem:s29+$0xC940] =	vst v15  }
0x210: {  	v58 =	vmul.f32 v54, v3;
	v10 =	vadd.f32 v10, v4;
	[tilespmem:s29+$0xC650] =	vst v11;
	v11 =	vbroadcast v9, $0x8  }
0x211: {  	v48 =	vmul.f32 v46, v1;
	[tilespmem:s29+$0xC6F0] =	vst v13;
	v13 =	vadd.f32 v44, v8  }
0x212: {  	v15 =	vadd.f32 v58, v7;
	[tilespmem:s29+$0xC6C0] =	vst v10;
	v10 =	vmul.f32 v11, v2  }
0x213: {  	v36 =	vmul.f32 v11, v1;
	[tilespmem:s29+$0xC7F0] =	vst v13;
	v13 =	vadd.f32 v48, v4  }
0x214: {  	[tilespmem:s29+$0xC9E0] =	vst v15;
	v38 =	vmul.f32 v11, v3;
	v11 =	vmul.f32 v11, v6;
	v10 =	vadd.f32 v10, v5  }
0x215: {  	v12 =	vadd.f32 v36, v4;
	[tilespmem:s29+$0xC8C0] =	vst v13  }
0x216: {  	v53 =	vmul.f32 v50, v2;
	v11 =	vadd.f32 v11, v8;
	[tilespmem:s29+$0xC750] =	vst v10;
	v10 =	vbroadcast v9, $0xA  }
0x217: {  	v42 =	vmul.f32 v39, v2;
	v40 =	vadd.f32 v38, v7;
	[tilespmem:s29+$0xC740] =	vst v12  }
0x218: {  	v13 =	vadd.f32 v53, v5;
	[tilespmem:s29+$0xC770] =	vst v11;
	v11 =	vmul.f32 v10, v1  }
0x219: {  	v57 =	vbroadcast v9, $0xE;
	[tilespmem:s29+$0xC760] =	vst v40;
	v12 =	vadd.f32 v42, v5;
	v45 =	vmul.f32 v10, v2  }
0x21a: {  	[tilespmem:s29+$0xC950] =	vst v13;
	v9 =	vbroadcast v9, $0xF;
	v47 =	vmul.f32 v10, v3;
	v11 =	vadd.f32 v11, v4  }
0x21b: {  	[tilespmem:s29+$0xC7D0] =	vst v12;
	v10 =	vmul.f32 v10, v6;
	v12 =	vmul.f32 v46, v6;
	v14 =	vadd.f32 v45, v5  }
0x21c: {  	v61 =	vmul.f32 v9, v1;
	v62 =	vmul.f32 v9, v2;
	v49 =	vadd.f32 v47, v7;
	[tilespmem:s29+$0xC840] =	vst v11  }
0x21d: {  	v63 =	vmul.f32 v9, v3;
	v9 =	vmul.f32 v9, v6;
	v10 =	vadd.f32 v10, v8;
	[tilespmem:s29+$0xC850] =	vst v14  }
0x21e: {  	v51 =	vmul.f32 v46, v3;
	v12 =	vadd.f32 v12, v8;
	[tilespmem:s29+$0xC860] =	vst v49  }
0x21f: {  	v9 =	vadd.f32 v9, v8;
	v11 =	vmul.f32 v46, v2;
	[tilespmem:s29+$0xC870] =	vst v10  }
0x220: {  	v55 =	vmul.f32 v54, v1;
	v10 =	vadd.f32 v51, v7;
	[tilespmem:s29+$0xC8F0] =	vst v12  }
0x221: {  	v56 =	vmul.f32 v54, v2;
	[tilespmem:s29+$0xCAF0] =	vst v9;
	v11 =	vadd.f32 v11, v5  }
0x222: {  	v12 =	vadd.f32 v55, v4;
	[tilespmem:s29+$0xC8E0] =	vst v10;
	v10 =	vmul.f32 v50, v6  }
0x223: {  	v14 =	vadd.f32 v56, v5;
	[tilespmem:s29+$0xC8D0] =	vst v11;
	v11 =	vmul.f32 v50, v3  }
0x224: {  	v59 =	vmul.f32 v57, v2;
	[tilespmem:s29+$0xC9C0] =	vst v12;
	v10 =	vadd.f32 v10, v8  }
0x225: {  	[tilespmem:s29+$0xC9D0] =	vst v14;
	v11 =	vadd.f32 v11, v7  }
0x226: {  	v12 =	vadd.f32 v59, v5;
	[tilespmem:s29+$0xC970] =	vst v10;
	v10 =	vmul.f32 v57, v1  }
0x227: {  	v14 =	vadd.f32 v61, v4;
	[tilespmem:s29+$0xC960] =	vst v11;
	v11 =	vmul.f32 v54, v6  }
0x228: {  	v13 =	vmul.f32 v57, v6;
	[tilespmem:s29+$0xCA50] =	vst v12;
	v10 =	vadd.f32 v10, v4  }
0x229: {  	v60 =	vmul.f32 v57, v3;
	[tilespmem:s29+$0xCAC0] =	vst v14;
	v11 =	vadd.f32 v11, v8  }
0x22a: {  	s23 =	sadd.s32 $0x1, s23;
	[tilespmem:s29+$0xCA40] =	vst v10;
	v10 =	vadd.f32 v13, v8  }
0x22b: {  	p0 =	sne.s32 s23, $0x20;
	[tilespmem:s29+$0xC9F0] =	vst v11;
	v11 =	vadd.f32 v60, v7  }
.Ltmp7:
0x22c: {  	[tilespmem:s29+$0xCA70] =	vst v10;
	v10 =	vadd.f32 v63, v7;
	(pc) =	sbr.rel @p0 .LBB2_2-.Ltmp7, $4  }
0x22d: {  	s30 =	sadd.s32 s6, s26;
	[tilespmem:s29+$0xCA60] =	vst v11;
	v11 =	vadd.f32 v62, v5  }
0x22e: {  	s31 =	sadd.s32 s4, s24;
	s0 =	sshll.u32 s30, $0x10;
	[tilespmem:s29+$0xCAE0] =	vst v10  }
0x22f: {  	s22 =	sadd.s32 $0x400, s22;
	s0 =	sadd.s32 s0, s31;
	[tilespmem:s29+$0xCAD0] =	vst v11  }
0x230: {  	[hbm4b:s0+s5] =	stream.linear.scatter [tilespmem:s18], [sflag:$0x2], $0x8000, $0x38;
	[tilespmem:$0x14300] =	vst v63  }
0x231: {  	s21 =	sadd.s32 $0x1, s21  }
0x232: {  	_ =	swait.ge [sflag:s19], $0x8000;
	p0 =	sne.s32 s21, s10  }
.Ltmp8:
0x233: {  	[sflag:s19] =	ssyncset.done $0x0;
	(pc) =	sbr.rel @p0 .LBB2_1-.Ltmp8, $4  }
0x234: {  	[sflag:s19] =	ssyncadd.s32 $0xFFFF8000  }
0x235: {  	_ =	swait.ge [sflag:s20], $0x8000  }
0x236: {  	[sflag:s20] =	ssyncset.done $0x0  }
0x237: {  	[sflag:s20] =	ssyncadd.s32 $0xFFFF8000  }
0x238: {  	_ =	sfence.sel $0x180000  }
0x239: {  	[bflag:$0x0] =	sbarrier.arrive $0xFFFF  }
0x23a: {  	_ =	strace $0x90000047  }
0x23b: {  	s0 =	stileid.u32;
	[bflag:$0x2] =	sbarrier.arrive $0xFFFF  }
0x23c: {  	p0 =	sne.s32 s0, $0x0;
	s0 =	rddreg [dreg:$0x5]  }
0x23d: {  	s0 =	sadd.s32 @!p0 $0x100000, s0  }
0x23e: {  	[sflag:s0] =	ssyncadd.tile.s32 @!p0 $0x1;
	_ =	shalt  }
.Lfunc_end2:
_tile_overlayer_lowered:
.L_overlay_start_2:
0x23f: {  	(tag) =	ssettag $0x2  }
0x240: {  	s0 =	rddreg [dreg:$0x0];
	s2 =	stileid.u32  }
0x241: {  	s1 =	rddreg [dreg:$0x1];
	p0 =	sne.s32 s2, $0x0  }
0x242: {  	s3 =	rddreg [dreg:$0x2];
	[bflag:$0x3] =	sbarrier.arrive $0xFFFF;
	s2 =	simm.s32 @!p0 $0x1C03  }
0x243: {  	[timem:s3], [sflag:s2] =	dma.local @!p0 [hbm:s0], s1  }
0x244: {  	s0 =	simm.s32 @!p0 $0x3  }
0x245: {  	_ =	swait.ge @!p0 [sflag:s0], s1  }
0x246: {  	s1 =	ssub.s32 @!p0 $0x0, s1;
	[sflag:s0] =	ssyncset.done @!p0 $0x0  }
0x247: {  	[sflag:s0] =	ssyncadd.s32 @!p0 s1  }
0x248: {  	[bflag:$0x3] =	sbarrier.arrive $0xFFFF  }
0x249: {  	_ =	shalt  }

</sc_bundles>
